<compile_context>
chip_gen: v7x
topology: tpu7x:2x2x1
jax: 0.10.2.dev20260603
libtpu: 0.0.44.dev20260713+nightly
codegen_flags: <defaults>
</compile_context>

<pallas_src>
import jax
import jax.numpy as jnp
import numpy as np
from jax import lax
from jax.experimental import pallas as pl
from jax.experimental.pallas import tpu as pltpu
from jax.experimental.pallas import tpu_sc as plsc

_A_IDX = [0, 0, 0, 0, 0, 0, 1, 1, 1, 1, 1, 2, 2, 2, 2, 1, 1, 1, 0, 0, 0]
_B_IDX = [0, 0, 0, 0, 0, 0, 1, 1, 1, 1, 1, 2, 2, 2, 2, 2, 2, 2, 2, 2, 1]
_C_IDX = [0, 1, 2, 1, 0, 0, 1, 2, 1, 0, 0, 2, 1, 0, 0, 1, 0, 0, 0, 0, 0]
_D_IDX = [0, 1, 2, 2, 2, 1, 1, 2, 2, 2, 1, 2, 2, 2, 1, 2, 2, 1, 2, 1, 1]


def _tables():
    flat = [27 * a + 9 * b + 3 * c + d
            for a, b, c, d in zip(_A_IDX, _B_IDX, _C_IDX, _D_IDX)]
    rows, cols = np.triu_indices(6)
    s2 = np.sqrt(2)
    m = np.array([[1, 1, 1, s2, s2, s2],
                  [1, 1, 1, s2, s2, s2],
                  [1, 1, 1, s2, s2, s2],
                  [s2, s2, s2, 2, 2, 2],
                  [s2, s2, s2, 2, 2, 2],
                  [s2, s2, s2, 2, 2, 2]], dtype=np.float32)
    comp_of = {}
    for k, (r, c) in enumerate(zip(rows, cols)):
        comp_of[(r, c)] = k
        comp_of[(c, r)] = k
    scale = [float(m[r, c]) for r, c in zip(rows, cols)]
    out_comp = [comp_of[(i, j)] for i in range(6) for j in range(6)]
    return flat, scale, out_comp, m

_FLAT, _SCALE, _OUT_COMP, _MASK = _tables()
_NK = 21
_SLABS = [(0, 0, 0, 3), (0, 1, 0, 1), (0, 2, 0, 1),
          (1, 1, 0, 3), (1, 2, 0, 2), (2, 2, 0, 3)]
_NG = len(_SLABS)


def _slab_of(f):
    ab, c, d = f // 9, (f // 3) % 3, f % 3
    a, b = ab // 3, ab % 3
    for s, (sa, sb, c0, nc) in enumerate(_SLABS):
        if sa == a and sb == b and c0 <= c < c0 + nc:
            return s, c - c0, d
    raise AssertionError(f)

_GRP = [_slab_of(f) for f in _FLAT]

_NB = 500000
_W = 384
_NCHUNK = _NB // _W
_TAIL = _NB - _NCHUNK * _W
_NW = 32
_ITERS = -(-_NCHUNK // _NW)
_ITERS_2 = -(-_ITERS // 2)


def _body(c_hbm, o_hbm, *rest):
    ins = (rest[:_NG], rest[_NG:2 * _NG])
    base = 2 * _NG
    outs = (rest[base], rest[base + 1])
    isems = rest[base + 2:base + 4]
    osems = rest[base + 4:base + 6]

    wid = lax.axis_index("s") * 2 + lax.axis_index("c")

    def in_copies(m, slot):
        n0 = (wid + m * _NW) * _W
        cps = []
        for g, (a, b, c0, nc) in enumerate(_SLABS):
            cps.append(pltpu.make_async_copy(
                c_hbm.at[a, b, pl.ds(c0, nc), :, pl.ds(n0, _W)],
                ins[slot][g], isems[slot]))
        return cps

    def out_copies(m, slot):
        n0 = (wid + m * _NW) * _W
        return [pltpu.make_async_copy(
                    outs[slot], o_hbm.at[:, :, pl.ds(n0, _W)],
                    osems[slot])]

    for cp in in_copies(0, 0):
        cp.start()

    def iter_body(it, _):
        for b in range(2):
            m = 2 * it + b
            chunk = wid + m * _NW
            valid = chunk < _NCHUNK

            @pl.when(valid)
            def _():
                for cp in in_copies(m, b):
                    cp.wait()

            @pl.when(wid + (m + 1) * _NW < _NCHUNK)
            def _():
                for cp in in_copies(m + 1, 1 - b):
                    cp.start()

            @pl.when(valid & (m >= 2))
            def _():
                for cp in out_copies(m - 2, b):
                    cp.wait()

            @pl.when(valid)
            def _():
                @plsc.parallel_loop(0, _W // 16, 1, unroll=2)
                def rep_step(g):
                    o = g * 16
                    vals = []
                    for k in range(_NK):
                        s, c, d = _GRP[k]
                        v = ins[b][s][c, d, pl.ds(o, 16)]
                        if _SCALE[k] != 1.0:
                            v = v * _SCALE[k]
                        vals.append(v)
                    for j36 in range(36):
                        i, j = divmod(j36, 6)
                        outs[b][i, j, pl.ds(o, 16)] = vals[_OUT_COMP[j36]]

                for cp in out_copies(m, b):
                    cp.start()

        return 0

    lax.fori_loop(0, _ITERS_2, iter_body, 0)

    for m in (2 * _ITERS_2 - 2, 2 * _ITERS_2 - 1):
        chunk = wid + m * _NW

        @pl.when(chunk < _NCHUNK)
        def _():
            for cp in out_copies(m, m % 2):
                cp.wait()


@jax.jit
def kernel(C):
    c5 = jnp.transpose(C, (1, 2, 3, 4, 0))
    mesh = plsc.VectorSubcoreMesh(core_axis_name="c", subcore_axis_name="s")
    scratch = [pltpu.VMEM((nc, 3, _W), jnp.float32)
               for _ in range(2) for (_, _, _, nc) in _SLABS]
    scratch += [pltpu.VMEM((6, 6, _W), jnp.float32) for _ in range(2)]
    scratch += [pltpu.SemaphoreType.DMA] * 4
    o_t = pl.kernel(
        _body,
        out_type=jax.ShapeDtypeStruct((6, 6, _NB), jnp.float32),
        mesh=mesh,
        scratch_types=scratch,
        compiler_params=pltpu.CompilerParams(needs_layout_passes=False),
    )(c5)
    ta = jnp.asarray([_A_IDX[k] for k in _OUT_COMP])
    tb = jnp.asarray([_B_IDX[k] for k in _OUT_COMP])
    tc = jnp.asarray([_C_IDX[k] for k in _OUT_COMP])
    td = jnp.asarray([_D_IDX[k] for k in _OUT_COMP])
    tail = C[_NCHUNK * _W:]
    tv = tail[:, ta, tb, tc, td] * jnp.asarray(_MASK.reshape(36))
    o_t = lax.dynamic_update_slice(
        o_t, jnp.transpose(tv, (1, 0)).reshape(6, 6, _TAIL),
        (0, 0, _NCHUNK * _W))
    return jnp.transpose(o_t, (2, 0, 1))

# --- scband reference (transcript-rebuilt; emitter-appended) ---
"""Pipeline reference for scband-cart-4-to-mandel-48137993454062 (READ-ONLY COPY).

The authoritative reference and input builder live on the scoring server;
editing this copy changes nothing except your own understanding.
"""

import jax, jax.numpy as jnp
import numpy as np

A_IDX = [0, 0, 0, 0, 0, 0, 1, 1, 1, 1, 1, 2, 2, 2, 2, 1, 1, 1, 0, 0, 0]
B_IDX = [0, 0, 0, 0, 0, 0, 1, 1, 1, 1, 1, 2, 2, 2, 2, 2, 2, 2, 2, 2, 1]
C_IDX = [0, 1, 2, 1, 0, 0, 1, 2, 1, 0, 0, 2, 1, 0, 0, 1, 0, 0, 0, 0, 0]
D_IDX = [0, 1, 2, 2, 2, 1, 1, 2, 2, 2, 1, 2, 2, 2, 1, 2, 2, 1, 2, 1, 1]


def _mask():
    s2 = np.sqrt(2)
    m = np.array([[1, 1, 1, s2, s2, s2],
                  [1, 1, 1, s2, s2, s2],
                  [1, 1, 1, s2, s2, s2],
                  [s2, s2, s2, 2, 2, 2],
                  [s2, s2, s2, 2, 2, 2],
                  [s2, s2, s2, 2, 2, 2]], dtype=np.float32)
    return jnp.asarray(m)


def setup_inputs(seed: int = 0) -> dict:
    key = jax.random.key(seed)
    C = jax.random.normal(key, (500000, 3, 3, 3, 3), dtype=jnp.float32)
    return {"C": C}


def reference(C):
    a = jnp.asarray(A_IDX)
    b = jnp.asarray(B_IDX)
    c = jnp.asarray(C_IDX)
    d = jnp.asarray(D_IDX)
    rows_np, cols_np = np.triu_indices(6)
    rows = jnp.asarray(rows_np)
    cols = jnp.asarray(cols_np)
    mask = _mask()
    vals = C[:, a, b, c, d]  # [B, 21] gather
    C2 = jnp.zeros((C.shape[0], 6, 6), dtype=C.dtype)
    C2 = C2.at[:, rows, cols].set(vals)
    C2 = C2.at[:, cols, rows].set(vals)
    C2 = C2 * mask[None, :, :]
    return C2

if __name__ == "__main__":
    import jax
    _d = setup_inputs()
    print(jax.jit(kernel)(*tuple(_d.values())))

</pallas_src>

<mosaic_0001>
#map = affine_map<(d0, d1) -> (0, 0, 0, 0, 0)>
#map1 = affine_map<(d0, d1) -> (0, 0, 0)>
module attributes {stable_mosaic.version = 14 : i64} {
  func.func @_body(%arg0: i32, %arg1: i32, %arg2: memref<3x3x3x3x500000xf32, #tpu.memory_space<hbm>>, %arg3: memref<6x6x500000xf32, #tpu.memory_space<hbm>>, %arg4: memref<3x3x384xf32, #tpu.memory_space<vmem>>, %arg5: memref<1x3x384xf32, #tpu.memory_space<vmem>>, %arg6: memref<1x3x384xf32, #tpu.memory_space<vmem>>, %arg7: memref<3x3x384xf32, #tpu.memory_space<vmem>>, %arg8: memref<2x3x384xf32, #tpu.memory_space<vmem>>, %arg9: memref<3x3x384xf32, #tpu.memory_space<vmem>>, %arg10: memref<3x3x384xf32, #tpu.memory_space<vmem>>, %arg11: memref<1x3x384xf32, #tpu.memory_space<vmem>>, %arg12: memref<1x3x384xf32, #tpu.memory_space<vmem>>, %arg13: memref<3x3x384xf32, #tpu.memory_space<vmem>>, %arg14: memref<2x3x384xf32, #tpu.memory_space<vmem>>, %arg15: memref<3x3x384xf32, #tpu.memory_space<vmem>>, %arg16: memref<6x6x384xf32, #tpu.memory_space<vmem>>, %arg17: memref<6x6x384xf32, #tpu.memory_space<vmem>>, %arg18: memref<!tpu.dma_semaphore, #tpu.memory_space<semaphore_mem>>, %arg19: memref<!tpu.dma_semaphore, #tpu.memory_space<semaphore_mem>>, %arg20: memref<!tpu.dma_semaphore, #tpu.memory_space<semaphore_mem>>, %arg21: memref<!tpu.dma_semaphore, #tpu.memory_space<semaphore_mem>>) attributes {dimension_semantics = [#tpu.dimension_semantics<core_parallel>, #tpu.dimension_semantics<subcore_parallel>], iteration_bounds = array<i64: 2, 16>, scalar_prefetch = 0 : i64, scratch_operands = 18 : i64, tpu.core_type = #tpu.core_type<sc_vector_subcore>, window_params = [{transform_indices = #map}, {transform_indices = #map1}]} {
    %mul3A = arith.constant 2 : i32
    %mul3A_0 = arith.muli %arg1, %mul3A : i32
    %add3A = arith.addi %mul3A_0, %arg0 : i32
    %add3A_1 = arith.constant 0 : i32
    %add3A_2 = arith.addi %add3A, %add3A_1 : i32
    %mul3A_3 = arith.constant 384 : i32
    %mul3A_4 = arith.muli %add3A_2, %mul3A_3 : i32
    %dma_start3A = arith.constant 0 : i32
    %dma_start3A_5 = arith.constant 0 : i32
    %dma_start3A_6 = arith.constant 0 : i32
    %dma_start3A_7 = arith.constant 0 : i32
    %dma_start3A_8 = tpu.memref_slice %arg2[%dma_start3A, %dma_start3A_5, %dma_start3A_6, %dma_start3A_7, %mul3A_4] : memref<3x3x3x3x500000xf32, #tpu.memory_space<hbm>> -> memref<1x1x3x3x384xf32, #tpu.memory_space<hbm>>
    %dma_start3A_9 = tpu.memref_squeeze %dma_start3A_8 : memref<1x1x3x3x384xf32, #tpu.memory_space<hbm>> -> memref<3x3x384xf32, #tpu.memory_space<hbm>>
    %dma_start3A_10 = arith.constant 0 : i32
    %dma_start3A_11 = arith.constant 0 : i32
    %dma_start3A_12 = tpu.memref_slice %arg2[%dma_start3A, %dma_start3A_5, %dma_start3A_10, %dma_start3A_11, %mul3A_4] : memref<3x3x3x3x500000xf32, #tpu.memory_space<hbm>> -> memref<1x1x3x3x384xf32, #tpu.memory_space<hbm>>
    %dma_start3A_13 = tpu.memref_squeeze %dma_start3A_12 : memref<1x1x3x3x384xf32, #tpu.memory_space<hbm>> -> memref<3x3x384xf32, #tpu.memory_space<hbm>>
    tpu.enqueue_dma source(%dma_start3A_13 : memref<3x3x384xf32, #tpu.memory_space<hbm>>) target(%arg4 : memref<3x3x384xf32, #tpu.memory_space<vmem>>) target_semaphore(%arg18 : memref<!tpu.dma_semaphore, #tpu.memory_space<semaphore_mem>>)
    %dma_start3A_14 = arith.constant 0 : i32
    %dma_start3A_15 = arith.constant 1 : i32
    %dma_start3A_16 = arith.constant 0 : i32
    %dma_start3A_17 = arith.constant 0 : i32
    %dma_start3A_18 = tpu.memref_slice %arg2[%dma_start3A_14, %dma_start3A_15, %dma_start3A_16, %dma_start3A_17, %mul3A_4] : memref<3x3x3x3x500000xf32, #tpu.memory_space<hbm>> -> memref<1x1x1x3x384xf32, #tpu.memory_space<hbm>>
    %dma_start3A_19 = tpu.memref_squeeze %dma_start3A_18 : memref<1x1x1x3x384xf32, #tpu.memory_space<hbm>> -> memref<1x3x384xf32, #tpu.memory_space<hbm>>
    %dma_start3A_20 = arith.constant 0 : i32
    %dma_start3A_21 = arith.constant 0 : i32
    %dma_start3A_22 = tpu.memref_slice %arg2[%dma_start3A_14, %dma_start3A_15, %dma_start3A_20, %dma_start3A_21, %mul3A_4] : memref<3x3x3x3x500000xf32, #tpu.memory_space<hbm>> -> memref<1x1x1x3x384xf32, #tpu.memory_space<hbm>>
    %dma_start3A_23 = tpu.memref_squeeze %dma_start3A_22 : memref<1x1x1x3x384xf32, #tpu.memory_space<hbm>> -> memref<1x3x384xf32, #tpu.memory_space<hbm>>
    tpu.enqueue_dma source(%dma_start3A_23 : memref<1x3x384xf32, #tpu.memory_space<hbm>>) target(%arg5 : memref<1x3x384xf32, #tpu.memory_space<vmem>>) target_semaphore(%arg18 : memref<!tpu.dma_semaphore, #tpu.memory_space<semaphore_mem>>)
    %dma_start3A_24 = arith.constant 0 : i32
    %dma_start3A_25 = arith.constant 2 : i32
    %dma_start3A_26 = arith.constant 0 : i32
    %dma_start3A_27 = arith.constant 0 : i32
    %dma_start3A_28 = tpu.memref_slice %arg2[%dma_start3A_24, %dma_start3A_25, %dma_start3A_26, %dma_start3A_27, %mul3A_4] : memref<3x3x3x3x500000xf32, #tpu.memory_space<hbm>> -> memref<1x1x1x3x384xf32, #tpu.memory_space<hbm>>
    %dma_start3A_29 = tpu.memref_squeeze %dma_start3A_28 : memref<1x1x1x3x384xf32, #tpu.memory_space<hbm>> -> memref<1x3x384xf32, #tpu.memory_space<hbm>>
    %dma_start3A_30 = arith.constant 0 : i32
    %dma_start3A_31 = arith.constant 0 : i32
    %dma_start3A_32 = tpu.memref_slice %arg2[%dma_start3A_24, %dma_start3A_25, %dma_start3A_30, %dma_start3A_31, %mul3A_4] : memref<3x3x3x3x500000xf32, #tpu.memory_space<hbm>> -> memref<1x1x1x3x384xf32, #tpu.memory_space<hbm>>
    %dma_start3A_33 = tpu.memref_squeeze %dma_start3A_32 : memref<1x1x1x3x384xf32, #tpu.memory_space<hbm>> -> memref<1x3x384xf32, #tpu.memory_space<hbm>>
    tpu.enqueue_dma source(%dma_start3A_33 : memref<1x3x384xf32, #tpu.memory_space<hbm>>) target(%arg6 : memref<1x3x384xf32, #tpu.memory_space<vmem>>) target_semaphore(%arg18 : memref<!tpu.dma_semaphore, #tpu.memory_space<semaphore_mem>>)
    %dma_start3A_34 = arith.constant 1 : i32
    %dma_start3A_35 = arith.constant 1 : i32
    %dma_start3A_36 = arith.constant 0 : i32
    %dma_start3A_37 = arith.constant 0 : i32
    %dma_start3A_38 = tpu.memref_slice %arg2[%dma_start3A_34, %dma_start3A_35, %dma_start3A_36, %dma_start3A_37, %mul3A_4] : memref<3x3x3x3x500000xf32, #tpu.memory_space<hbm>> -> memref<1x1x3x3x384xf32, #tpu.memory_space<hbm>>
    %dma_start3A_39 = tpu.memref_squeeze %dma_start3A_38 : memref<1x1x3x3x384xf32, #tpu.memory_space<hbm>> -> memref<3x3x384xf32, #tpu.memory_space<hbm>>
    %dma_start3A_40 = arith.constant 0 : i32
    %dma_start3A_41 = arith.constant 0 : i32
    %dma_start3A_42 = tpu.memref_slice %arg2[%dma_start3A_34, %dma_start3A_35, %dma_start3A_40, %dma_start3A_41, %mul3A_4] : memref<3x3x3x3x500000xf32, #tpu.memory_space<hbm>> -> memref<1x1x3x3x384xf32, #tpu.memory_space<hbm>>
    %dma_start3A_43 = tpu.memref_squeeze %dma_start3A_42 : memref<1x1x3x3x384xf32, #tpu.memory_space<hbm>> -> memref<3x3x384xf32, #tpu.memory_space<hbm>>
    tpu.enqueue_dma source(%dma_start3A_43 : memref<3x3x384xf32, #tpu.memory_space<hbm>>) target(%arg7 : memref<3x3x384xf32, #tpu.memory_space<vmem>>) target_semaphore(%arg18 : memref<!tpu.dma_semaphore, #tpu.memory_space<semaphore_mem>>)
    %dma_start3A_44 = arith.constant 1 : i32
    %dma_start3A_45 = arith.constant 2 : i32
    %dma_start3A_46 = arith.constant 0 : i32
    %dma_start3A_47 = arith.constant 0 : i32
    %dma_start3A_48 = tpu.memref_slice %arg2[%dma_start3A_44, %dma_start3A_45, %dma_start3A_46, %dma_start3A_47, %mul3A_4] : memref<3x3x3x3x500000xf32, #tpu.memory_space<hbm>> -> memref<1x1x2x3x384xf32, #tpu.memory_space<hbm>>
    %dma_start3A_49 = tpu.memref_squeeze %dma_start3A_48 : memref<1x1x2x3x384xf32, #tpu.memory_space<hbm>> -> memref<2x3x384xf32, #tpu.memory_space<hbm>>
    %dma_start3A_50 = arith.constant 0 : i32
    %dma_start3A_51 = arith.constant 0 : i32
    %dma_start3A_52 = tpu.memref_slice %arg2[%dma_start3A_44, %dma_start3A_45, %dma_start3A_50, %dma_start3A_51, %mul3A_4] : memref<3x3x3x3x500000xf32, #tpu.memory_space<hbm>> -> memref<1x1x2x3x384xf32, #tpu.memory_space<hbm>>
    %dma_start3A_53 = tpu.memref_squeeze %dma_start3A_52 : memref<1x1x2x3x384xf32, #tpu.memory_space<hbm>> -> memref<2x3x384xf32, #tpu.memory_space<hbm>>
    tpu.enqueue_dma source(%dma_start3A_53 : memref<2x3x384xf32, #tpu.memory_space<hbm>>) target(%arg8 : memref<2x3x384xf32, #tpu.memory_space<vmem>>) target_semaphore(%arg18 : memref<!tpu.dma_semaphore, #tpu.memory_space<semaphore_mem>>)
    %dma_start3A_54 = arith.constant 2 : i32
    %dma_start3A_55 = arith.constant 2 : i32
    %dma_start3A_56 = arith.constant 0 : i32
    %dma_start3A_57 = arith.constant 0 : i32
    %dma_start3A_58 = tpu.memref_slice %arg2[%dma_start3A_54, %dma_start3A_55, %dma_start3A_56, %dma_start3A_57, %mul3A_4] : memref<3x3x3x3x500000xf32, #tpu.memory_space<hbm>> -> memref<1x1x3x3x384xf32, #tpu.memory_space<hbm>>
    %dma_start3A_59 = tpu.memref_squeeze %dma_start3A_58 : memref<1x1x3x3x384xf32, #tpu.memory_space<hbm>> -> memref<3x3x384xf32, #tpu.memory_space<hbm>>
    %dma_start3A_60 = arith.constant 0 : i32
    %dma_start3A_61 = arith.constant 0 : i32
    %dma_start3A_62 = tpu.memref_slice %arg2[%dma_start3A_54, %dma_start3A_55, %dma_start3A_60, %dma_start3A_61, %mul3A_4] : memref<3x3x3x3x500000xf32, #tpu.memory_space<hbm>> -> memref<1x1x3x3x384xf32, #tpu.memory_space<hbm>>
    %dma_start3A_63 = tpu.memref_squeeze %dma_start3A_62 : memref<1x1x3x3x384xf32, #tpu.memory_space<hbm>> -> memref<3x3x384xf32, #tpu.memory_space<hbm>>
    tpu.enqueue_dma source(%dma_start3A_63 : memref<3x3x384xf32, #tpu.memory_space<hbm>>) target(%arg9 : memref<3x3x384xf32, #tpu.memory_space<vmem>>) target_semaphore(%arg18 : memref<!tpu.dma_semaphore, #tpu.memory_space<semaphore_mem>>)
    %scan3A = arith.constant 0 : i32
    %scan3A_64 = arith.constant 0 : i32
    %scan3A_65 = arith.constant 21 : i32
    %scan3A_66 = arith.addi %scan3A_64, %scan3A_65 : i32
    %scan3A_67 = arith.constant 1 : i32
    %scan3A_68 = scf.for %scan3A_81 = %scan3A_64 to %scan3A_66 step %scan3A_67 iter_args(%scan3A_82 = %scan3A) -> (i32)  : i32 {
      %mul3A_83 = arith.constant 2 : i32
      %mul3A_84 = arith.muli %mul3A_83, %scan3A_81 : i32
      %add3A_85 = arith.constant 0 : i32
      %add3A_86 = arith.addi %mul3A_84, %add3A_85 : i32
      %mul3A_87 = arith.constant 32 : i32
      %mul3A_88 = arith.muli %add3A_86, %mul3A_87 : i32
      %add3A_89 = arith.addi %add3A, %mul3A_88 : i32
      %lt3A_90 = arith.constant 1302 : i32
      %lt3A_91 = arith.cmpi slt, %add3A_89, %lt3A_90 : i32
      %convert_element_type3A_92 = arith.extui %lt3A_91 : i1 to i32
      %cond3A_93 = arith.constant 0 : i32
      %cond3A_94 = arith.cmpi ne, %convert_element_type3A_92, %cond3A_93 : i32
      scf.if %cond3A_94 {
        %mul3A_144 = arith.constant 32 : i32
        %mul3A_145 = arith.muli %add3A_86, %mul3A_144 : i32
        %add3A_146 = arith.addi %add3A, %mul3A_145 : i32
        %mul3A_147 = arith.constant 384 : i32
        %mul3A_148 = arith.muli %add3A_146, %mul3A_147 : i32
        %dma_wait3A = arith.constant 0 : i32
        %dma_wait3A_149 = arith.constant 0 : i32
        %dma_wait3A_150 = arith.constant 0 : i32
        %dma_wait3A_151 = arith.constant 0 : i32
        %dma_wait3A_152 = tpu.memref_slice %arg2[%dma_wait3A, %dma_wait3A_149, %dma_wait3A_150, %dma_wait3A_151, %mul3A_148] : memref<3x3x3x3x500000xf32, #tpu.memory_space<hbm>> -> memref<1x1x3x3x384xf32, #tpu.memory_space<hbm>>
        %dma_wait3A_153 = tpu.memref_squeeze %dma_wait3A_152 : memref<1x1x3x3x384xf32, #tpu.memory_space<hbm>> -> memref<3x3x384xf32, #tpu.memory_space<hbm>>
        %dma_wait3A_154 = arith.constant 0 : i32
        %dma_wait3A_155 = arith.constant 0 : i32
        %dma_wait3A_156 = tpu.memref_slice %arg2[%dma_wait3A, %dma_wait3A_149, %dma_wait3A_154, %dma_wait3A_155, %mul3A_148] : memref<3x3x3x3x500000xf32, #tpu.memory_space<hbm>> -> memref<1x1x3x3x384xf32, #tpu.memory_space<hbm>>
        %dma_wait3A_157 = tpu.memref_squeeze %dma_wait3A_156 : memref<1x1x3x3x384xf32, #tpu.memory_space<hbm>> -> memref<3x3x384xf32, #tpu.memory_space<hbm>>
        tpu.wait_dma2 semaphore(%arg18 : memref<!tpu.dma_semaphore, #tpu.memory_space<semaphore_mem>>) src(%dma_wait3A_157 : memref<3x3x384xf32, #tpu.memory_space<hbm>>) dst(%arg4 : memref<3x3x384xf32, #tpu.memory_space<vmem>>)
        %dma_wait3A_158 = arith.constant 0 : i32
        %dma_wait3A_159 = arith.constant 1 : i32
        %dma_wait3A_160 = arith.constant 0 : i32
        %dma_wait3A_161 = arith.constant 0 : i32
        %dma_wait3A_162 = tpu.memref_slice %arg2[%dma_wait3A_158, %dma_wait3A_159, %dma_wait3A_160, %dma_wait3A_161, %mul3A_148] : memref<3x3x3x3x500000xf32, #tpu.memory_space<hbm>> -> memref<1x1x1x3x384xf32, #tpu.memory_space<hbm>>
        %dma_wait3A_163 = tpu.memref_squeeze %dma_wait3A_162 : memref<1x1x1x3x384xf32, #tpu.memory_space<hbm>> -> memref<1x3x384xf32, #tpu.memory_space<hbm>>
        %dma_wait3A_164 = arith.constant 0 : i32
        %dma_wait3A_165 = arith.constant 0 : i32
        %dma_wait3A_166 = tpu.memref_slice %arg2[%dma_wait3A_158, %dma_wait3A_159, %dma_wait3A_164, %dma_wait3A_165, %mul3A_148] : memref<3x3x3x3x500000xf32, #tpu.memory_space<hbm>> -> memref<1x1x1x3x384xf32, #tpu.memory_space<hbm>>
        %dma_wait3A_167 = tpu.memref_squeeze %dma_wait3A_166 : memref<1x1x1x3x384xf32, #tpu.memory_space<hbm>> -> memref<1x3x384xf32, #tpu.memory_space<hbm>>
        tpu.wait_dma2 semaphore(%arg18 : memref<!tpu.dma_semaphore, #tpu.memory_space<semaphore_mem>>) src(%dma_wait3A_167 : memref<1x3x384xf32, #tpu.memory_space<hbm>>) dst(%arg5 : memref<1x3x384xf32, #tpu.memory_space<vmem>>)
        %dma_wait3A_168 = arith.constant 0 : i32
        %dma_wait3A_169 = arith.constant 2 : i32
        %dma_wait3A_170 = arith.constant 0 : i32
        %dma_wait3A_171 = arith.constant 0 : i32
        %dma_wait3A_172 = tpu.memref_slice %arg2[%dma_wait3A_168, %dma_wait3A_169, %dma_wait3A_170, %dma_wait3A_171, %mul3A_148] : memref<3x3x3x3x500000xf32, #tpu.memory_space<hbm>> -> memref<1x1x1x3x384xf32, #tpu.memory_space<hbm>>
        %dma_wait3A_173 = tpu.memref_squeeze %dma_wait3A_172 : memref<1x1x1x3x384xf32, #tpu.memory_space<hbm>> -> memref<1x3x384xf32, #tpu.memory_space<hbm>>
        %dma_wait3A_174 = arith.constant 0 : i32
        %dma_wait3A_175 = arith.constant 0 : i32
        %dma_wait3A_176 = tpu.memref_slice %arg2[%dma_wait3A_168, %dma_wait3A_169, %dma_wait3A_174, %dma_wait3A_175, %mul3A_148] : memref<3x3x3x3x500000xf32, #tpu.memory_space<hbm>> -> memref<1x1x1x3x384xf32, #tpu.memory_space<hbm>>
        %dma_wait3A_177 = tpu.memref_squeeze %dma_wait3A_176 : memref<1x1x1x3x384xf32, #tpu.memory_space<hbm>> -> memref<1x3x384xf32, #tpu.memory_space<hbm>>
        tpu.wait_dma2 semaphore(%arg18 : memref<!tpu.dma_semaphore, #tpu.memory_space<semaphore_mem>>) src(%dma_wait3A_177 : memref<1x3x384xf32, #tpu.memory_space<hbm>>) dst(%arg6 : memref<1x3x384xf32, #tpu.memory_space<vmem>>)
        %dma_wait3A_178 = arith.constant 1 : i32
        %dma_wait3A_179 = arith.constant 1 : i32
        %dma_wait3A_180 = arith.constant 0 : i32
        %dma_wait3A_181 = arith.constant 0 : i32
        %dma_wait3A_182 = tpu.memref_slice %arg2[%dma_wait3A_178, %dma_wait3A_179, %dma_wait3A_180, %dma_wait3A_181, %mul3A_148] : memref<3x3x3x3x500000xf32, #tpu.memory_space<hbm>> -> memref<1x1x3x3x384xf32, #tpu.memory_space<hbm>>
        %dma_wait3A_183 = tpu.memref_squeeze %dma_wait3A_182 : memref<1x1x3x3x384xf32, #tpu.memory_space<hbm>> -> memref<3x3x384xf32, #tpu.memory_space<hbm>>
        %dma_wait3A_184 = arith.constant 0 : i32
        %dma_wait3A_185 = arith.constant 0 : i32
        %dma_wait3A_186 = tpu.memref_slice %arg2[%dma_wait3A_178, %dma_wait3A_179, %dma_wait3A_184, %dma_wait3A_185, %mul3A_148] : memref<3x3x3x3x500000xf32, #tpu.memory_space<hbm>> -> memref<1x1x3x3x384xf32, #tpu.memory_space<hbm>>
        %dma_wait3A_187 = tpu.memref_squeeze %dma_wait3A_186 : memref<1x1x3x3x384xf32, #tpu.memory_space<hbm>> -> memref<3x3x384xf32, #tpu.memory_space<hbm>>
        tpu.wait_dma2 semaphore(%arg18 : memref<!tpu.dma_semaphore, #tpu.memory_space<semaphore_mem>>) src(%dma_wait3A_187 : memref<3x3x384xf32, #tpu.memory_space<hbm>>) dst(%arg7 : memref<3x3x384xf32, #tpu.memory_space<vmem>>)
        %dma_wait3A_188 = arith.constant 1 : i32
        %dma_wait3A_189 = arith.constant 2 : i32
        %dma_wait3A_190 = arith.constant 0 : i32
        %dma_wait3A_191 = arith.constant 0 : i32
        %dma_wait3A_192 = tpu.memref_slice %arg2[%dma_wait3A_188, %dma_wait3A_189, %dma_wait3A_190, %dma_wait3A_191, %mul3A_148] : memref<3x3x3x3x500000xf32, #tpu.memory_space<hbm>> -> memref<1x1x2x3x384xf32, #tpu.memory_space<hbm>>
        %dma_wait3A_193 = tpu.memref_squeeze %dma_wait3A_192 : memref<1x1x2x3x384xf32, #tpu.memory_space<hbm>> -> memref<2x3x384xf32, #tpu.memory_space<hbm>>
        %dma_wait3A_194 = arith.constant 0 : i32
        %dma_wait3A_195 = arith.constant 0 : i32
        %dma_wait3A_196 = tpu.memref_slice %arg2[%dma_wait3A_188, %dma_wait3A_189, %dma_wait3A_194, %dma_wait3A_195, %mul3A_148] : memref<3x3x3x3x500000xf32, #tpu.memory_space<hbm>> -> memref<1x1x2x3x384xf32, #tpu.memory_space<hbm>>
        %dma_wait3A_197 = tpu.memref_squeeze %dma_wait3A_196 : memref<1x1x2x3x384xf32, #tpu.memory_space<hbm>> -> memref<2x3x384xf32, #tpu.memory_space<hbm>>
        tpu.wait_dma2 semaphore(%arg18 : memref<!tpu.dma_semaphore, #tpu.memory_space<semaphore_mem>>) src(%dma_wait3A_197 : memref<2x3x384xf32, #tpu.memory_space<hbm>>) dst(%arg8 : memref<2x3x384xf32, #tpu.memory_space<vmem>>)
        %dma_wait3A_198 = arith.constant 2 : i32
        %dma_wait3A_199 = arith.constant 2 : i32
        %dma_wait3A_200 = arith.constant 0 : i32
        %dma_wait3A_201 = arith.constant 0 : i32
        %dma_wait3A_202 = tpu.memref_slice %arg2[%dma_wait3A_198, %dma_wait3A_199, %dma_wait3A_200, %dma_wait3A_201, %mul3A_148] : memref<3x3x3x3x500000xf32, #tpu.memory_space<hbm>> -> memref<1x1x3x3x384xf32, #tpu.memory_space<hbm>>
        %dma_wait3A_203 = tpu.memref_squeeze %dma_wait3A_202 : memref<1x1x3x3x384xf32, #tpu.memory_space<hbm>> -> memref<3x3x384xf32, #tpu.memory_space<hbm>>
        %dma_wait3A_204 = arith.constant 0 : i32
        %dma_wait3A_205 = arith.constant 0 : i32
        %dma_wait3A_206 = tpu.memref_slice %arg2[%dma_wait3A_198, %dma_wait3A_199, %dma_wait3A_204, %dma_wait3A_205, %mul3A_148] : memref<3x3x3x3x500000xf32, #tpu.memory_space<hbm>> -> memref<1x1x3x3x384xf32, #tpu.memory_space<hbm>>
        %dma_wait3A_207 = tpu.memref_squeeze %dma_wait3A_206 : memref<1x1x3x3x384xf32, #tpu.memory_space<hbm>> -> memref<3x3x384xf32, #tpu.memory_space<hbm>>
        tpu.wait_dma2 semaphore(%arg18 : memref<!tpu.dma_semaphore, #tpu.memory_space<semaphore_mem>>) src(%dma_wait3A_207 : memref<3x3x384xf32, #tpu.memory_space<hbm>>) dst(%arg9 : memref<3x3x384xf32, #tpu.memory_space<vmem>>)
      } else {
      }
      %add3A_95 = arith.constant 1 : i32
      %add3A_96 = arith.addi %add3A_86, %add3A_95 : i32
      %mul3A_97 = arith.constant 32 : i32
      %mul3A_98 = arith.muli %add3A_96, %mul3A_97 : i32
      %add3A_99 = arith.addi %add3A, %mul3A_98 : i32
      %lt3A_100 = arith.constant 1302 : i32
      %lt3A_101 = arith.cmpi slt, %add3A_99, %lt3A_100 : i32
      %convert_element_type3A_102 = arith.extui %lt3A_101 : i1 to i32
      %cond3A_103 = arith.constant 0 : i32
      %cond3A_104 = arith.cmpi ne, %convert_element_type3A_102, %cond3A_103 : i32
      scf.if %cond3A_104 {
        %add3A_144 = arith.constant 1 : i32
        %add3A_145 = arith.addi %add3A_86, %add3A_144 : i32
        %mul3A_146 = arith.constant 32 : i32
        %mul3A_147 = arith.muli %add3A_145, %mul3A_146 : i32
        %add3A_148 = arith.addi %add3A, %mul3A_147 : i32
        %mul3A_149 = arith.constant 384 : i32
        %mul3A_150 = arith.muli %add3A_148, %mul3A_149 : i32
        %dma_start3A_151 = arith.constant 0 : i32
        %dma_start3A_152 = arith.constant 0 : i32
        %dma_start3A_153 = arith.constant 0 : i32
        %dma_start3A_154 = arith.constant 0 : i32
        %dma_start3A_155 = tpu.memref_slice %arg2[%dma_start3A_151, %dma_start3A_152, %dma_start3A_153, %dma_start3A_154, %mul3A_150] : memref<3x3x3x3x500000xf32, #tpu.memory_space<hbm>> -> memref<1x1x3x3x384xf32, #tpu.memory_space<hbm>>
        %dma_start3A_156 = tpu.memref_squeeze %dma_start3A_155 : memref<1x1x3x3x384xf32, #tpu.memory_space<hbm>> -> memref<3x3x384xf32, #tpu.memory_space<hbm>>
        %dma_start3A_157 = arith.constant 0 : i32
        %dma_start3A_158 = arith.constant 0 : i32
        %dma_start3A_159 = tpu.memref_slice %arg2[%dma_start3A_151, %dma_start3A_152, %dma_start3A_157, %dma_start3A_158, %mul3A_150] : memref<3x3x3x3x500000xf32, #tpu.memory_space<hbm>> -> memref<1x1x3x3x384xf32, #tpu.memory_space<hbm>>
        %dma_start3A_160 = tpu.memref_squeeze %dma_start3A_159 : memref<1x1x3x3x384xf32, #tpu.memory_space<hbm>> -> memref<3x3x384xf32, #tpu.memory_space<hbm>>
        tpu.enqueue_dma source(%dma_start3A_160 : memref<3x3x384xf32, #tpu.memory_space<hbm>>) target(%arg10 : memref<3x3x384xf32, #tpu.memory_space<vmem>>) target_semaphore(%arg19 : memref<!tpu.dma_semaphore, #tpu.memory_space<semaphore_mem>>)
        %dma_start3A_161 = arith.constant 0 : i32
        %dma_start3A_162 = arith.constant 1 : i32
        %dma_start3A_163 = arith.constant 0 : i32
        %dma_start3A_164 = arith.constant 0 : i32
        %dma_start3A_165 = tpu.memref_slice %arg2[%dma_start3A_161, %dma_start3A_162, %dma_start3A_163, %dma_start3A_164, %mul3A_150] : memref<3x3x3x3x500000xf32, #tpu.memory_space<hbm>> -> memref<1x1x1x3x384xf32, #tpu.memory_space<hbm>>
        %dma_start3A_166 = tpu.memref_squeeze %dma_start3A_165 : memref<1x1x1x3x384xf32, #tpu.memory_space<hbm>> -> memref<1x3x384xf32, #tpu.memory_space<hbm>>
        %dma_start3A_167 = arith.constant 0 : i32
        %dma_start3A_168 = arith.constant 0 : i32
        %dma_start3A_169 = tpu.memref_slice %arg2[%dma_start3A_161, %dma_start3A_162, %dma_start3A_167, %dma_start3A_168, %mul3A_150] : memref<3x3x3x3x500000xf32, #tpu.memory_space<hbm>> -> memref<1x1x1x3x384xf32, #tpu.memory_space<hbm>>
        %dma_start3A_170 = tpu.memref_squeeze %dma_start3A_169 : memref<1x1x1x3x384xf32, #tpu.memory_space<hbm>> -> memref<1x3x384xf32, #tpu.memory_space<hbm>>
        tpu.enqueue_dma source(%dma_start3A_170 : memref<1x3x384xf32, #tpu.memory_space<hbm>>) target(%arg11 : memref<1x3x384xf32, #tpu.memory_space<vmem>>) target_semaphore(%arg19 : memref<!tpu.dma_semaphore, #tpu.memory_space<semaphore_mem>>)
        %dma_start3A_171 = arith.constant 0 : i32
        %dma_start3A_172 = arith.constant 2 : i32
        %dma_start3A_173 = arith.constant 0 : i32
        %dma_start3A_174 = arith.constant 0 : i32
        %dma_start3A_175 = tpu.memref_slice %arg2[%dma_start3A_171, %dma_start3A_172, %dma_start3A_173, %dma_start3A_174, %mul3A_150] : memref<3x3x3x3x500000xf32, #tpu.memory_space<hbm>> -> memref<1x1x1x3x384xf32, #tpu.memory_space<hbm>>
        %dma_start3A_176 = tpu.memref_squeeze %dma_start3A_175 : memref<1x1x1x3x384xf32, #tpu.memory_space<hbm>> -> memref<1x3x384xf32, #tpu.memory_space<hbm>>
        %dma_start3A_177 = arith.constant 0 : i32
        %dma_start3A_178 = arith.constant 0 : i32
        %dma_start3A_179 = tpu.memref_slice %arg2[%dma_start3A_171, %dma_start3A_172, %dma_start3A_177, %dma_start3A_178, %mul3A_150] : memref<3x3x3x3x500000xf32, #tpu.memory_space<hbm>> -> memref<1x1x1x3x384xf32, #tpu.memory_space<hbm>>
        %dma_start3A_180 = tpu.memref_squeeze %dma_start3A_179 : memref<1x1x1x3x384xf32, #tpu.memory_space<hbm>> -> memref<1x3x384xf32, #tpu.memory_space<hbm>>
        tpu.enqueue_dma source(%dma_start3A_180 : memref<1x3x384xf32, #tpu.memory_space<hbm>>) target(%arg12 : memref<1x3x384xf32, #tpu.memory_space<vmem>>) target_semaphore(%arg19 : memref<!tpu.dma_semaphore, #tpu.memory_space<semaphore_mem>>)
        %dma_start3A_181 = arith.constant 1 : i32
        %dma_start3A_182 = arith.constant 1 : i32
        %dma_start3A_183 = arith.constant 0 : i32
        %dma_start3A_184 = arith.constant 0 : i32
        %dma_start3A_185 = tpu.memref_slice %arg2[%dma_start3A_181, %dma_start3A_182, %dma_start3A_183, %dma_start3A_184, %mul3A_150] : memref<3x3x3x3x500000xf32, #tpu.memory_space<hbm>> -> memref<1x1x3x3x384xf32, #tpu.memory_space<hbm>>
        %dma_start3A_186 = tpu.memref_squeeze %dma_start3A_185 : memref<1x1x3x3x384xf32, #tpu.memory_space<hbm>> -> memref<3x3x384xf32, #tpu.memory_space<hbm>>
        %dma_start3A_187 = arith.constant 0 : i32
        %dma_start3A_188 = arith.constant 0 : i32
        %dma_start3A_189 = tpu.memref_slice %arg2[%dma_start3A_181, %dma_start3A_182, %dma_start3A_187, %dma_start3A_188, %mul3A_150] : memref<3x3x3x3x500000xf32, #tpu.memory_space<hbm>> -> memref<1x1x3x3x384xf32, #tpu.memory_space<hbm>>
        %dma_start3A_190 = tpu.memref_squeeze %dma_start3A_189 : memref<1x1x3x3x384xf32, #tpu.memory_space<hbm>> -> memref<3x3x384xf32, #tpu.memory_space<hbm>>
        tpu.enqueue_dma source(%dma_start3A_190 : memref<3x3x384xf32, #tpu.memory_space<hbm>>) target(%arg13 : memref<3x3x384xf32, #tpu.memory_space<vmem>>) target_semaphore(%arg19 : memref<!tpu.dma_semaphore, #tpu.memory_space<semaphore_mem>>)
        %dma_start3A_191 = arith.constant 1 : i32
        %dma_start3A_192 = arith.constant 2 : i32
        %dma_start3A_193 = arith.constant 0 : i32
        %dma_start3A_194 = arith.constant 0 : i32
        %dma_start3A_195 = tpu.memref_slice %arg2[%dma_start3A_191, %dma_start3A_192, %dma_start3A_193, %dma_start3A_194, %mul3A_150] : memref<3x3x3x3x500000xf32, #tpu.memory_space<hbm>> -> memref<1x1x2x3x384xf32, #tpu.memory_space<hbm>>
        %dma_start3A_196 = tpu.memref_squeeze %dma_start3A_195 : memref<1x1x2x3x384xf32, #tpu.memory_space<hbm>> -> memref<2x3x384xf32, #tpu.memory_space<hbm>>
        %dma_start3A_197 = arith.constant 0 : i32
        %dma_start3A_198 = arith.constant 0 : i32
        %dma_start3A_199 = tpu.memref_slice %arg2[%dma_start3A_191, %dma_start3A_192, %dma_start3A_197, %dma_start3A_198, %mul3A_150] : memref<3x3x3x3x500000xf32, #tpu.memory_space<hbm>> -> memref<1x1x2x3x384xf32, #tpu.memory_space<hbm>>
        %dma_start3A_200 = tpu.memref_squeeze %dma_start3A_199 : memref<1x1x2x3x384xf32, #tpu.memory_space<hbm>> -> memref<2x3x384xf32, #tpu.memory_space<hbm>>
        tpu.enqueue_dma source(%dma_start3A_200 : memref<2x3x384xf32, #tpu.memory_space<hbm>>) target(%arg14 : memref<2x3x384xf32, #tpu.memory_space<vmem>>) target_semaphore(%arg19 : memref<!tpu.dma_semaphore, #tpu.memory_space<semaphore_mem>>)
        %dma_start3A_201 = arith.constant 2 : i32
        %dma_start3A_202 = arith.constant 2 : i32
        %dma_start3A_203 = arith.constant 0 : i32
        %dma_start3A_204 = arith.constant 0 : i32
        %dma_start3A_205 = tpu.memref_slice %arg2[%dma_start3A_201, %dma_start3A_202, %dma_start3A_203, %dma_start3A_204, %mul3A_150] : memref<3x3x3x3x500000xf32, #tpu.memory_space<hbm>> -> memref<1x1x3x3x384xf32, #tpu.memory_space<hbm>>
        %dma_start3A_206 = tpu.memref_squeeze %dma_start3A_205 : memref<1x1x3x3x384xf32, #tpu.memory_space<hbm>> -> memref<3x3x384xf32, #tpu.memory_space<hbm>>
        %dma_start3A_207 = arith.constant 0 : i32
        %dma_start3A_208 = arith.constant 0 : i32
        %dma_start3A_209 = tpu.memref_slice %arg2[%dma_start3A_201, %dma_start3A_202, %dma_start3A_207, %dma_start3A_208, %mul3A_150] : memref<3x3x3x3x500000xf32, #tpu.memory_space<hbm>> -> memref<1x1x3x3x384xf32, #tpu.memory_space<hbm>>
        %dma_start3A_210 = tpu.memref_squeeze %dma_start3A_209 : memref<1x1x3x3x384xf32, #tpu.memory_space<hbm>> -> memref<3x3x384xf32, #tpu.memory_space<hbm>>
        tpu.enqueue_dma source(%dma_start3A_210 : memref<3x3x384xf32, #tpu.memory_space<hbm>>) target(%arg15 : memref<3x3x384xf32, #tpu.memory_space<vmem>>) target_semaphore(%arg19 : memref<!tpu.dma_semaphore, #tpu.memory_space<semaphore_mem>>)
      } else {
      }
      %ge3A = arith.constant 2 : i32
      %ge3A_105 = arith.cmpi sge, %add3A_86, %ge3A : i32
      %and3A = arith.andi %lt3A_91, %ge3A_105 : i1
      %convert_element_type3A_106 = arith.extui %and3A : i1 to i32
      %cond3A_107 = arith.constant 0 : i32
      %cond3A_108 = arith.cmpi ne, %convert_element_type3A_106, %cond3A_107 : i32
      scf.if %cond3A_108 {
        %sub3A = arith.constant 2 : i32
        %sub3A_144 = arith.subi %add3A_86, %sub3A : i32
        %mul3A_145 = arith.constant 32 : i32
        %mul3A_146 = arith.muli %sub3A_144, %mul3A_145 : i32
        %add3A_147 = arith.addi %add3A, %mul3A_146 : i32
        %mul3A_148 = arith.constant 384 : i32
        %mul3A_149 = arith.muli %add3A_147, %mul3A_148 : i32
        %dma_wait3A = arith.constant 0 : i32
        %dma_wait3A_150 = arith.constant 0 : i32
        %dma_wait3A_151 = tpu.memref_slice %arg3[%dma_wait3A, %dma_wait3A_150, %mul3A_149] : memref<6x6x500000xf32, #tpu.memory_space<hbm>> -> memref<6x6x384xf32, #tpu.memory_space<hbm>>
        %dma_wait3A_152 = arith.constant 0 : i32
        %dma_wait3A_153 = arith.constant 0 : i32
        %dma_wait3A_154 = tpu.memref_slice %arg3[%dma_wait3A_152, %dma_wait3A_153, %mul3A_149] : memref<6x6x500000xf32, #tpu.memory_space<hbm>> -> memref<6x6x384xf32, #tpu.memory_space<hbm>>
        tpu.wait_dma2 semaphore(%arg20 : memref<!tpu.dma_semaphore, #tpu.memory_space<semaphore_mem>>) src(%arg16 : memref<6x6x384xf32, #tpu.memory_space<vmem>>) dst(%dma_wait3A_154 : memref<6x6x384xf32, #tpu.memory_space<hbm>>)
      } else {
      }
      %convert_element_type3A_109 = arith.extui %lt3A_91 : i1 to i32
      %cond3A_110 = arith.constant 0 : i32
      %cond3A_111 = arith.cmpi ne, %convert_element_type3A_109, %cond3A_110 : i32
      scf.if %cond3A_111 {
        %parallel_loop3A = arith.constant 0 : i32
        %parallel_loop3A_144 = arith.constant 24 : i32
        %parallel_loop3A_145 = arith.constant 1 : i32
        scf.for %parallel_loop3A_157 = %parallel_loop3A to %parallel_loop3A_144 step %parallel_loop3A_145  : i32 {
          %parallel_loop3A_158 = arith.constant 16 : i32
          %parallel_loop3A_159 = arith.muli %parallel_loop3A_157, %parallel_loop3A_158 : i32
          %parallel_loop3A_160 = arith.constant 0 : i32
          %parallel_loop3A_161 = arith.constant 0 : i32
          %parallel_loop3A_162 = arith.index_cast %parallel_loop3A_160 : i32 to index
          %parallel_loop3A_163 = arith.index_cast %parallel_loop3A_161 : i32 to index
          %parallel_loop3A_164 = arith.index_cast %parallel_loop3A_159 : i32 to index
          %parallel_loop3A_165 = tpu.vector_load %arg4[%parallel_loop3A_162, %parallel_loop3A_163, %parallel_loop3A_164] {strides = array<i32>} : memref<3x3x384xf32, #tpu.memory_space<vmem>>, vector<16xf32>,
          %parallel_loop3A_166 = arith.constant 1 : i32
          %parallel_loop3A_167 = arith.constant 1 : i32
          %parallel_loop3A_168 = arith.index_cast %parallel_loop3A_166 : i32 to index
          %parallel_loop3A_169 = arith.index_cast %parallel_loop3A_167 : i32 to index
          %parallel_loop3A_170 = arith.index_cast %parallel_loop3A_159 : i32 to index
          %parallel_loop3A_171 = tpu.vector_load %arg4[%parallel_loop3A_168, %parallel_loop3A_169, %parallel_loop3A_170] {strides = array<i32>} : memref<3x3x384xf32, #tpu.memory_space<vmem>>, vector<16xf32>,
          %parallel_loop3A_172 = arith.constant 2 : i32
          %parallel_loop3A_173 = arith.constant 2 : i32
          %parallel_loop3A_174 = arith.index_cast %parallel_loop3A_172 : i32 to index
          %parallel_loop3A_175 = arith.index_cast %parallel_loop3A_173 : i32 to index
          %parallel_loop3A_176 = arith.index_cast %parallel_loop3A_159 : i32 to index
          %parallel_loop3A_177 = tpu.vector_load %arg4[%parallel_loop3A_174, %parallel_loop3A_175, %parallel_loop3A_176] {strides = array<i32>} : memref<3x3x384xf32, #tpu.memory_space<vmem>>, vector<16xf32>,
          %parallel_loop3A_178 = arith.constant 1 : i32
          %parallel_loop3A_179 = arith.constant 2 : i32
          %parallel_loop3A_180 = arith.index_cast %parallel_loop3A_178 : i32 to index
          %parallel_loop3A_181 = arith.index_cast %parallel_loop3A_179 : i32 to index
          %parallel_loop3A_182 = arith.index_cast %parallel_loop3A_159 : i32 to index
          %parallel_loop3A_183 = tpu.vector_load %arg4[%parallel_loop3A_180, %parallel_loop3A_181, %parallel_loop3A_182] {strides = array<i32>} : memref<3x3x384xf32, #tpu.memory_space<vmem>>, vector<16xf32>,
          %parallel_loop3A_184 = arith.constant 1.41421354 : f32
          %parallel_loop3A_185 = vector.broadcast %parallel_loop3A_184 : f32 to vector<16xf32>
          %parallel_loop3A_186 = arith.mulf %parallel_loop3A_183, %parallel_loop3A_185 : vector<16xf32>
          %parallel_loop3A_187 = arith.constant 0 : i32
          %parallel_loop3A_188 = arith.constant 2 : i32
          %parallel_loop3A_189 = arith.index_cast %parallel_loop3A_187 : i32 to index
          %parallel_loop3A_190 = arith.index_cast %parallel_loop3A_188 : i32 to index
          %parallel_loop3A_191 = arith.index_cast %parallel_loop3A_159 : i32 to index
          %parallel_loop3A_192 = tpu.vector_load %arg4[%parallel_loop3A_189, %parallel_loop3A_190, %parallel_loop3A_191] {strides = array<i32>} : memref<3x3x384xf32, #tpu.memory_space<vmem>>, vector<16xf32>,
          %parallel_loop3A_193 = arith.constant 1.41421354 : f32
          %parallel_loop3A_194 = vector.broadcast %parallel_loop3A_193 : f32 to vector<16xf32>
          %parallel_loop3A_195 = arith.mulf %parallel_loop3A_192, %parallel_loop3A_194 : vector<16xf32>
          %parallel_loop3A_196 = arith.constant 0 : i32
          %parallel_loop3A_197 = arith.constant 1 : i32
          %parallel_loop3A_198 = arith.index_cast %parallel_loop3A_196 : i32 to index
          %parallel_loop3A_199 = arith.index_cast %parallel_loop3A_197 : i32 to index
          %parallel_loop3A_200 = arith.index_cast %parallel_loop3A_159 : i32 to index
          %parallel_loop3A_201 = tpu.vector_load %arg4[%parallel_loop3A_198, %parallel_loop3A_199, %parallel_loop3A_200] {strides = array<i32>} : memref<3x3x384xf32, #tpu.memory_space<vmem>>, vector<16xf32>,
          %parallel_loop3A_202 = arith.constant 1.41421354 : f32
          %parallel_loop3A_203 = vector.broadcast %parallel_loop3A_202 : f32 to vector<16xf32>
          %parallel_loop3A_204 = arith.mulf %parallel_loop3A_201, %parallel_loop3A_203 : vector<16xf32>
          %parallel_loop3A_205 = arith.constant 1 : i32
          %parallel_loop3A_206 = arith.constant 1 : i32
          %parallel_loop3A_207 = arith.index_cast %parallel_loop3A_205 : i32 to index
          %parallel_loop3A_208 = arith.index_cast %parallel_loop3A_206 : i32 to index
          %parallel_loop3A_209 = arith.index_cast %parallel_loop3A_159 : i32 to index
          %parallel_loop3A_210 = tpu.vector_load %arg7[%parallel_loop3A_207, %parallel_loop3A_208, %parallel_loop3A_209] {strides = array<i32>} : memref<3x3x384xf32, #tpu.memory_space<vmem>>, vector<16xf32>,
          %parallel_loop3A_211 = arith.constant 2 : i32
          %parallel_loop3A_212 = arith.constant 2 : i32
          %parallel_loop3A_213 = arith.index_cast %parallel_loop3A_211 : i32 to index
          %parallel_loop3A_214 = arith.index_cast %parallel_loop3A_212 : i32 to index
          %parallel_loop3A_215 = arith.index_cast %parallel_loop3A_159 : i32 to index
          %parallel_loop3A_216 = tpu.vector_load %arg7[%parallel_loop3A_213, %parallel_loop3A_214, %parallel_loop3A_215] {strides = array<i32>} : memref<3x3x384xf32, #tpu.memory_space<vmem>>, vector<16xf32>,
          %parallel_loop3A_217 = arith.constant 1 : i32
          %parallel_loop3A_218 = arith.constant 2 : i32
          %parallel_loop3A_219 = arith.index_cast %parallel_loop3A_217 : i32 to index
          %parallel_loop3A_220 = arith.index_cast %parallel_loop3A_218 : i32 to index
          %parallel_loop3A_221 = arith.index_cast %parallel_loop3A_159 : i32 to index
          %parallel_loop3A_222 = tpu.vector_load %arg7[%parallel_loop3A_219, %parallel_loop3A_220, %parallel_loop3A_221] {strides = array<i32>} : memref<3x3x384xf32, #tpu.memory_space<vmem>>, vector<16xf32>,
          %parallel_loop3A_223 = arith.constant 1.41421354 : f32
          %parallel_loop3A_224 = vector.broadcast %parallel_loop3A_223 : f32 to vector<16xf32>
          %parallel_loop3A_225 = arith.mulf %parallel_loop3A_222, %parallel_loop3A_224 : vector<16xf32>
          %parallel_loop3A_226 = arith.constant 0 : i32
          %parallel_loop3A_227 = arith.constant 2 : i32
          %parallel_loop3A_228 = arith.index_cast %parallel_loop3A_226 : i32 to index
          %parallel_loop3A_229 = arith.index_cast %parallel_loop3A_227 : i32 to index
          %parallel_loop3A_230 = arith.index_cast %parallel_loop3A_159 : i32 to index
          %parallel_loop3A_231 = tpu.vector_load %arg7[%parallel_loop3A_228, %parallel_loop3A_229, %parallel_loop3A_230] {strides = array<i32>} : memref<3x3x384xf32, #tpu.memory_space<vmem>>, vector<16xf32>,
          %parallel_loop3A_232 = arith.constant 1.41421354 : f32
          %parallel_loop3A_233 = vector.broadcast %parallel_loop3A_232 : f32 to vector<16xf32>
          %parallel_loop3A_234 = arith.mulf %parallel_loop3A_231, %parallel_loop3A_233 : vector<16xf32>
          %parallel_loop3A_235 = arith.constant 0 : i32
          %parallel_loop3A_236 = arith.constant 1 : i32
          %parallel_loop3A_237 = arith.index_cast %parallel_loop3A_235 : i32 to index
          %parallel_loop3A_238 = arith.index_cast %parallel_loop3A_236 : i32 to index
          %parallel_loop3A_239 = arith.index_cast %parallel_loop3A_159 : i32 to index
          %parallel_loop3A_240 = tpu.vector_load %arg7[%parallel_loop3A_237, %parallel_loop3A_238, %parallel_loop3A_239] {strides = array<i32>} : memref<3x3x384xf32, #tpu.memory_space<vmem>>, vector<16xf32>,
          %parallel_loop3A_241 = arith.constant 1.41421354 : f32
          %parallel_loop3A_242 = vector.broadcast %parallel_loop3A_241 : f32 to vector<16xf32>
          %parallel_loop3A_243 = arith.mulf %parallel_loop3A_240, %parallel_loop3A_242 : vector<16xf32>
          %parallel_loop3A_244 = arith.constant 2 : i32
          %parallel_loop3A_245 = arith.constant 2 : i32
          %parallel_loop3A_246 = arith.index_cast %parallel_loop3A_244 : i32 to index
          %parallel_loop3A_247 = arith.index_cast %parallel_loop3A_245 : i32 to index
          %parallel_loop3A_248 = arith.index_cast %parallel_loop3A_159 : i32 to index
          %parallel_loop3A_249 = tpu.vector_load %arg9[%parallel_loop3A_246, %parallel_loop3A_247, %parallel_loop3A_248] {strides = array<i32>} : memref<3x3x384xf32, #tpu.memory_space<vmem>>, vector<16xf32>,
          %parallel_loop3A_250 = arith.constant 1 : i32
          %parallel_loop3A_251 = arith.constant 2 : i32
          %parallel_loop3A_252 = arith.index_cast %parallel_loop3A_250 : i32 to index
          %parallel_loop3A_253 = arith.index_cast %parallel_loop3A_251 : i32 to index
          %parallel_loop3A_254 = arith.index_cast %parallel_loop3A_159 : i32 to index
          %parallel_loop3A_255 = tpu.vector_load %arg9[%parallel_loop3A_252, %parallel_loop3A_253, %parallel_loop3A_254] {strides = array<i32>} : memref<3x3x384xf32, #tpu.memory_space<vmem>>, vector<16xf32>,
          %parallel_loop3A_256 = arith.constant 1.41421354 : f32
          %parallel_loop3A_257 = vector.broadcast %parallel_loop3A_256 : f32 to vector<16xf32>
          %parallel_loop3A_258 = arith.mulf %parallel_loop3A_255, %parallel_loop3A_257 : vector<16xf32>
          %parallel_loop3A_259 = arith.constant 0 : i32
          %parallel_loop3A_260 = arith.constant 2 : i32
          %parallel_loop3A_261 = arith.index_cast %parallel_loop3A_259 : i32 to index
          %parallel_loop3A_262 = arith.index_cast %parallel_loop3A_260 : i32 to index
          %parallel_loop3A_263 = arith.index_cast %parallel_loop3A_159 : i32 to index
          %parallel_loop3A_264 = tpu.vector_load %arg9[%parallel_loop3A_261, %parallel_loop3A_262, %parallel_loop3A_263] {strides = array<i32>} : memref<3x3x384xf32, #tpu.memory_space<vmem>>, vector<16xf32>,
          %parallel_loop3A_265 = arith.constant 1.41421354 : f32
          %parallel_loop3A_266 = vector.broadcast %parallel_loop3A_265 : f32 to vector<16xf32>
          %parallel_loop3A_267 = arith.mulf %parallel_loop3A_264, %parallel_loop3A_266 : vector<16xf32>
          %parallel_loop3A_268 = arith.constant 0 : i32
          %parallel_loop3A_269 = arith.constant 1 : i32
          %parallel_loop3A_270 = arith.index_cast %parallel_loop3A_268 : i32 to index
          %parallel_loop3A_271 = arith.index_cast %parallel_loop3A_269 : i32 to index
          %parallel_loop3A_272 = arith.index_cast %parallel_loop3A_159 : i32 to index
          %parallel_loop3A_273 = tpu.vector_load %arg9[%parallel_loop3A_270, %parallel_loop3A_271, %parallel_loop3A_272] {strides = array<i32>} : memref<3x3x384xf32, #tpu.memory_space<vmem>>, vector<16xf32>,
          %parallel_loop3A_274 = arith.constant 1.41421354 : f32
          %parallel_loop3A_275 = vector.broadcast %parallel_loop3A_274 : f32 to vector<16xf32>
          %parallel_loop3A_276 = arith.mulf %parallel_loop3A_273, %parallel_loop3A_275 : vector<16xf32>
          %parallel_loop3A_277 = arith.constant 1 : i32
          %parallel_loop3A_278 = arith.constant 2 : i32
          %parallel_loop3A_279 = arith.index_cast %parallel_loop3A_277 : i32 to index
          %parallel_loop3A_280 = arith.index_cast %parallel_loop3A_278 : i32 to index
          %parallel_loop3A_281 = arith.index_cast %parallel_loop3A_159 : i32 to index
          %parallel_loop3A_282 = tpu.vector_load %arg8[%parallel_loop3A_279, %parallel_loop3A_280, %parallel_loop3A_281] {strides = array<i32>} : memref<2x3x384xf32, #tpu.memory_space<vmem>>, vector<16xf32>,
          %parallel_loop3A_283 = arith.constant 2.000000e+00 : f32
          %parallel_loop3A_284 = vector.broadcast %parallel_loop3A_283 : f32 to vector<16xf32>
          %parallel_loop3A_285 = arith.mulf %parallel_loop3A_282, %parallel_loop3A_284 : vector<16xf32>
          %parallel_loop3A_286 = arith.constant 0 : i32
          %parallel_loop3A_287 = arith.constant 2 : i32
          %parallel_loop3A_288 = arith.index_cast %parallel_loop3A_286 : i32 to index
          %parallel_loop3A_289 = arith.index_cast %parallel_loop3A_287 : i32 to index
          %parallel_loop3A_290 = arith.index_cast %parallel_loop3A_159 : i32 to index
          %parallel_loop3A_291 = tpu.vector_load %arg8[%parallel_loop3A_288, %parallel_loop3A_289, %parallel_loop3A_290] {strides = array<i32>} : memref<2x3x384xf32, #tpu.memory_space<vmem>>, vector<16xf32>,
          %parallel_loop3A_292 = arith.constant 2.000000e+00 : f32
          %parallel_loop3A_293 = vector.broadcast %parallel_loop3A_292 : f32 to vector<16xf32>
          %parallel_loop3A_294 = arith.mulf %parallel_loop3A_291, %parallel_loop3A_293 : vector<16xf32>
          %parallel_loop3A_295 = arith.constant 0 : i32
          %parallel_loop3A_296 = arith.constant 1 : i32
          %parallel_loop3A_297 = arith.index_cast %parallel_loop3A_295 : i32 to index
          %parallel_loop3A_298 = arith.index_cast %parallel_loop3A_296 : i32 to index
          %parallel_loop3A_299 = arith.index_cast %parallel_loop3A_159 : i32 to index
          %parallel_loop3A_300 = tpu.vector_load %arg8[%parallel_loop3A_297, %parallel_loop3A_298, %parallel_loop3A_299] {strides = array<i32>} : memref<2x3x384xf32, #tpu.memory_space<vmem>>, vector<16xf32>,
          %parallel_loop3A_301 = arith.constant 2.000000e+00 : f32
          %parallel_loop3A_302 = vector.broadcast %parallel_loop3A_301 : f32 to vector<16xf32>
          %parallel_loop3A_303 = arith.mulf %parallel_loop3A_300, %parallel_loop3A_302 : vector<16xf32>
          %parallel_loop3A_304 = arith.constant 0 : i32
          %parallel_loop3A_305 = arith.constant 2 : i32
          %parallel_loop3A_306 = arith.index_cast %parallel_loop3A_304 : i32 to index
          %parallel_loop3A_307 = arith.index_cast %parallel_loop3A_305 : i32 to index
          %parallel_loop3A_308 = arith.index_cast %parallel_loop3A_159 : i32 to index
          %parallel_loop3A_309 = tpu.vector_load %arg6[%parallel_loop3A_306, %parallel_loop3A_307, %parallel_loop3A_308] {strides = array<i32>} : memref<1x3x384xf32, #tpu.memory_space<vmem>>, vector<16xf32>,
          %parallel_loop3A_310 = arith.constant 2.000000e+00 : f32
          %parallel_loop3A_311 = vector.broadcast %parallel_loop3A_310 : f32 to vector<16xf32>
          %parallel_loop3A_312 = arith.mulf %parallel_loop3A_309, %parallel_loop3A_311 : vector<16xf32>
          %parallel_loop3A_313 = arith.constant 0 : i32
          %parallel_loop3A_314 = arith.constant 1 : i32
          %parallel_loop3A_315 = arith.index_cast %parallel_loop3A_313 : i32 to index
          %parallel_loop3A_316 = arith.index_cast %parallel_loop3A_314 : i32 to index
          %parallel_loop3A_317 = arith.index_cast %parallel_loop3A_159 : i32 to index
          %parallel_loop3A_318 = tpu.vector_load %arg6[%parallel_loop3A_315, %parallel_loop3A_316, %parallel_loop3A_317] {strides = array<i32>} : memref<1x3x384xf32, #tpu.memory_space<vmem>>, vector<16xf32>,
          %parallel_loop3A_319 = arith.constant 2.000000e+00 : f32
          %parallel_loop3A_320 = vector.broadcast %parallel_loop3A_319 : f32 to vector<16xf32>
          %parallel_loop3A_321 = arith.mulf %parallel_loop3A_318, %parallel_loop3A_320 : vector<16xf32>
          %parallel_loop3A_322 = arith.constant 0 : i32
          %parallel_loop3A_323 = arith.constant 1 : i32
          %parallel_loop3A_324 = arith.index_cast %parallel_loop3A_322 : i32 to index
          %parallel_loop3A_325 = arith.index_cast %parallel_loop3A_323 : i32 to index
          %parallel_loop3A_326 = arith.index_cast %parallel_loop3A_159 : i32 to index
          %parallel_loop3A_327 = tpu.vector_load %arg5[%parallel_loop3A_324, %parallel_loop3A_325, %parallel_loop3A_326] {strides = array<i32>} : memref<1x3x384xf32, #tpu.memory_space<vmem>>, vector<16xf32>,
          %parallel_loop3A_328 = arith.constant 2.000000e+00 : f32
          %parallel_loop3A_329 = vector.broadcast %parallel_loop3A_328 : f32 to vector<16xf32>
          %parallel_loop3A_330 = arith.mulf %parallel_loop3A_327, %parallel_loop3A_329 : vector<16xf32>
          %parallel_loop3A_331 = arith.constant 0 : i32
          %parallel_loop3A_332 = arith.constant 0 : i32
          %parallel_loop3A_333 = arith.index_cast %parallel_loop3A_331 : i32 to index
          %parallel_loop3A_334 = arith.index_cast %parallel_loop3A_332 : i32 to index
          %parallel_loop3A_335 = arith.index_cast %parallel_loop3A_159 : i32 to index
          %parallel_loop3A_336 = tpu.vector_load %arg16[%parallel_loop3A_333, %parallel_loop3A_334, %parallel_loop3A_335] {strides = array<i32>} : memref<6x6x384xf32, #tpu.memory_space<vmem>>, vector<16xf32>,
          tpu.vector_store %arg16[%parallel_loop3A_333, %parallel_loop3A_334, %parallel_loop3A_335], %parallel_loop3A_165 {strides = array<i32>} : memref<6x6x384xf32, #tpu.memory_space<vmem>>, vector<16xf32>,
          %parallel_loop3A_337 = arith.constant 0 : i32
          %parallel_loop3A_338 = arith.constant 1 : i32
          %parallel_loop3A_339 = arith.index_cast %parallel_loop3A_337 : i32 to index
          %parallel_loop3A_340 = arith.index_cast %parallel_loop3A_338 : i32 to index
          %parallel_loop3A_341 = arith.index_cast %parallel_loop3A_159 : i32 to index
          %parallel_loop3A_342 = tpu.vector_load %arg16[%parallel_loop3A_339, %parallel_loop3A_340, %parallel_loop3A_341] {strides = array<i32>} : memref<6x6x384xf32, #tpu.memory_space<vmem>>, vector<16xf32>,
          tpu.vector_store %arg16[%parallel_loop3A_339, %parallel_loop3A_340, %parallel_loop3A_341], %parallel_loop3A_171 {strides = array<i32>} : memref<6x6x384xf32, #tpu.memory_space<vmem>>, vector<16xf32>,
          %parallel_loop3A_343 = arith.constant 0 : i32
          %parallel_loop3A_344 = arith.constant 2 : i32
          %parallel_loop3A_345 = arith.index_cast %parallel_loop3A_343 : i32 to index
          %parallel_loop3A_346 = arith.index_cast %parallel_loop3A_344 : i32 to index
          %parallel_loop3A_347 = arith.index_cast %parallel_loop3A_159 : i32 to index
          %parallel_loop3A_348 = tpu.vector_load %arg16[%parallel_loop3A_345, %parallel_loop3A_346, %parallel_loop3A_347] {strides = array<i32>} : memref<6x6x384xf32, #tpu.memory_space<vmem>>, vector<16xf32>,
          tpu.vector_store %arg16[%parallel_loop3A_345, %parallel_loop3A_346, %parallel_loop3A_347], %parallel_loop3A_177 {strides = array<i32>} : memref<6x6x384xf32, #tpu.memory_space<vmem>>, vector<16xf32>,
          %parallel_loop3A_349 = arith.constant 0 : i32
          %parallel_loop3A_350 = arith.constant 3 : i32
          %parallel_loop3A_351 = arith.index_cast %parallel_loop3A_349 : i32 to index
          %parallel_loop3A_352 = arith.index_cast %parallel_loop3A_350 : i32 to index
          %parallel_loop3A_353 = arith.index_cast %parallel_loop3A_159 : i32 to index
          %parallel_loop3A_354 = tpu.vector_load %arg16[%parallel_loop3A_351, %parallel_loop3A_352, %parallel_loop3A_353] {strides = array<i32>} : memref<6x6x384xf32, #tpu.memory_space<vmem>>, vector<16xf32>,
          tpu.vector_store %arg16[%parallel_loop3A_351, %parallel_loop3A_352, %parallel_loop3A_353], %parallel_loop3A_186 {strides = array<i32>} : memref<6x6x384xf32, #tpu.memory_space<vmem>>, vector<16xf32>,
          %parallel_loop3A_355 = arith.constant 0 : i32
          %parallel_loop3A_356 = arith.constant 4 : i32
          %parallel_loop3A_357 = arith.index_cast %parallel_loop3A_355 : i32 to index
          %parallel_loop3A_358 = arith.index_cast %parallel_loop3A_356 : i32 to index
          %parallel_loop3A_359 = arith.index_cast %parallel_loop3A_159 : i32 to index
          %parallel_loop3A_360 = tpu.vector_load %arg16[%parallel_loop3A_357, %parallel_loop3A_358, %parallel_loop3A_359] {strides = array<i32>} : memref<6x6x384xf32, #tpu.memory_space<vmem>>, vector<16xf32>,
          tpu.vector_store %arg16[%parallel_loop3A_357, %parallel_loop3A_358, %parallel_loop3A_359], %parallel_loop3A_195 {strides = array<i32>} : memref<6x6x384xf32, #tpu.memory_space<vmem>>, vector<16xf32>,
          %parallel_loop3A_361 = arith.constant 0 : i32
          %parallel_loop3A_362 = arith.constant 5 : i32
          %parallel_loop3A_363 = arith.index_cast %parallel_loop3A_361 : i32 to index
          %parallel_loop3A_364 = arith.index_cast %parallel_loop3A_362 : i32 to index
          %parallel_loop3A_365 = arith.index_cast %parallel_loop3A_159 : i32 to index
          %parallel_loop3A_366 = tpu.vector_load %arg16[%parallel_loop3A_363, %parallel_loop3A_364, %parallel_loop3A_365] {strides = array<i32>} : memref<6x6x384xf32, #tpu.memory_space<vmem>>, vector<16xf32>,
          tpu.vector_store %arg16[%parallel_loop3A_363, %parallel_loop3A_364, %parallel_loop3A_365], %parallel_loop3A_204 {strides = array<i32>} : memref<6x6x384xf32, #tpu.memory_space<vmem>>, vector<16xf32>,
          %parallel_loop3A_367 = arith.constant 1 : i32
          %parallel_loop3A_368 = arith.constant 0 : i32
          %parallel_loop3A_369 = arith.index_cast %parallel_loop3A_367 : i32 to index
          %parallel_loop3A_370 = arith.index_cast %parallel_loop3A_368 : i32 to index
          %parallel_loop3A_371 = arith.index_cast %parallel_loop3A_159 : i32 to index
          %parallel_loop3A_372 = tpu.vector_load %arg16[%parallel_loop3A_369, %parallel_loop3A_370, %parallel_loop3A_371] {strides = array<i32>} : memref<6x6x384xf32, #tpu.memory_space<vmem>>, vector<16xf32>,
          tpu.vector_store %arg16[%parallel_loop3A_369, %parallel_loop3A_370, %parallel_loop3A_371], %parallel_loop3A_171 {strides = array<i32>} : memref<6x6x384xf32, #tpu.memory_space<vmem>>, vector<16xf32>,
          %parallel_loop3A_373 = arith.constant 1 : i32
          %parallel_loop3A_374 = arith.constant 1 : i32
          %parallel_loop3A_375 = arith.index_cast %parallel_loop3A_373 : i32 to index
          %parallel_loop3A_376 = arith.index_cast %parallel_loop3A_374 : i32 to index
          %parallel_loop3A_377 = arith.index_cast %parallel_loop3A_159 : i32 to index
          %parallel_loop3A_378 = tpu.vector_load %arg16[%parallel_loop3A_375, %parallel_loop3A_376, %parallel_loop3A_377] {strides = array<i32>} : memref<6x6x384xf32, #tpu.memory_space<vmem>>, vector<16xf32>,
          tpu.vector_store %arg16[%parallel_loop3A_375, %parallel_loop3A_376, %parallel_loop3A_377], %parallel_loop3A_210 {strides = array<i32>} : memref<6x6x384xf32, #tpu.memory_space<vmem>>, vector<16xf32>,
          %parallel_loop3A_379 = arith.constant 1 : i32
          %parallel_loop3A_380 = arith.constant 2 : i32
          %parallel_loop3A_381 = arith.index_cast %parallel_loop3A_379 : i32 to index
          %parallel_loop3A_382 = arith.index_cast %parallel_loop3A_380 : i32 to index
          %parallel_loop3A_383 = arith.index_cast %parallel_loop3A_159 : i32 to index
          %parallel_loop3A_384 = tpu.vector_load %arg16[%parallel_loop3A_381, %parallel_loop3A_382, %parallel_loop3A_383] {strides = array<i32>} : memref<6x6x384xf32, #tpu.memory_space<vmem>>, vector<16xf32>,
          tpu.vector_store %arg16[%parallel_loop3A_381, %parallel_loop3A_382, %parallel_loop3A_383], %parallel_loop3A_216 {strides = array<i32>} : memref<6x6x384xf32, #tpu.memory_space<vmem>>, vector<16xf32>,
          %parallel_loop3A_385 = arith.constant 1 : i32
          %parallel_loop3A_386 = arith.constant 3 : i32
          %parallel_loop3A_387 = arith.index_cast %parallel_loop3A_385 : i32 to index
          %parallel_loop3A_388 = arith.index_cast %parallel_loop3A_386 : i32 to index
          %parallel_loop3A_389 = arith.index_cast %parallel_loop3A_159 : i32 to index
          %parallel_loop3A_390 = tpu.vector_load %arg16[%parallel_loop3A_387, %parallel_loop3A_388, %parallel_loop3A_389] {strides = array<i32>} : memref<6x6x384xf32, #tpu.memory_space<vmem>>, vector<16xf32>,
          tpu.vector_store %arg16[%parallel_loop3A_387, %parallel_loop3A_388, %parallel_loop3A_389], %parallel_loop3A_225 {strides = array<i32>} : memref<6x6x384xf32, #tpu.memory_space<vmem>>, vector<16xf32>,
          %parallel_loop3A_391 = arith.constant 1 : i32
          %parallel_loop3A_392 = arith.constant 4 : i32
          %parallel_loop3A_393 = arith.index_cast %parallel_loop3A_391 : i32 to index
          %parallel_loop3A_394 = arith.index_cast %parallel_loop3A_392 : i32 to index
          %parallel_loop3A_395 = arith.index_cast %parallel_loop3A_159 : i32 to index
          %parallel_loop3A_396 = tpu.vector_load %arg16[%parallel_loop3A_393, %parallel_loop3A_394, %parallel_loop3A_395] {strides = array<i32>} : memref<6x6x384xf32, #tpu.memory_space<vmem>>, vector<16xf32>,
          tpu.vector_store %arg16[%parallel_loop3A_393, %parallel_loop3A_394, %parallel_loop3A_395], %parallel_loop3A_234 {strides = array<i32>} : memref<6x6x384xf32, #tpu.memory_space<vmem>>, vector<16xf32>,
          %parallel_loop3A_397 = arith.constant 1 : i32
          %parallel_loop3A_398 = arith.constant 5 : i32
          %parallel_loop3A_399 = arith.index_cast %parallel_loop3A_397 : i32 to index
          %parallel_loop3A_400 = arith.index_cast %parallel_loop3A_398 : i32 to index
          %parallel_loop3A_401 = arith.index_cast %parallel_loop3A_159 : i32 to index
          %parallel_loop3A_402 = tpu.vector_load %arg16[%parallel_loop3A_399, %parallel_loop3A_400, %parallel_loop3A_401] {strides = array<i32>} : memref<6x6x384xf32, #tpu.memory_space<vmem>>, vector<16xf32>,
          tpu.vector_store %arg16[%parallel_loop3A_399, %parallel_loop3A_400, %parallel_loop3A_401], %parallel_loop3A_243 {strides = array<i32>} : memref<6x6x384xf32, #tpu.memory_space<vmem>>, vector<16xf32>,
          %parallel_loop3A_403 = arith.constant 2 : i32
          %parallel_loop3A_404 = arith.constant 0 : i32
          %parallel_loop3A_405 = arith.index_cast %parallel_loop3A_403 : i32 to index
          %parallel_loop3A_406 = arith.index_cast %parallel_loop3A_404 : i32 to index
          %parallel_loop3A_407 = arith.index_cast %parallel_loop3A_159 : i32 to index
          %parallel_loop3A_408 = tpu.vector_load %arg16[%parallel_loop3A_405, %parallel_loop3A_406, %parallel_loop3A_407] {strides = array<i32>} : memref<6x6x384xf32, #tpu.memory_space<vmem>>, vector<16xf32>,
          tpu.vector_store %arg16[%parallel_loop3A_405, %parallel_loop3A_406, %parallel_loop3A_407], %parallel_loop3A_177 {strides = array<i32>} : memref<6x6x384xf32, #tpu.memory_space<vmem>>, vector<16xf32>,
          %parallel_loop3A_409 = arith.constant 2 : i32
          %parallel_loop3A_410 = arith.constant 1 : i32
          %parallel_loop3A_411 = arith.index_cast %parallel_loop3A_409 : i32 to index
          %parallel_loop3A_412 = arith.index_cast %parallel_loop3A_410 : i32 to index
          %parallel_loop3A_413 = arith.index_cast %parallel_loop3A_159 : i32 to index
          %parallel_loop3A_414 = tpu.vector_load %arg16[%parallel_loop3A_411, %parallel_loop3A_412, %parallel_loop3A_413] {strides = array<i32>} : memref<6x6x384xf32, #tpu.memory_space<vmem>>, vector<16xf32>,
          tpu.vector_store %arg16[%parallel_loop3A_411, %parallel_loop3A_412, %parallel_loop3A_413], %parallel_loop3A_216 {strides = array<i32>} : memref<6x6x384xf32, #tpu.memory_space<vmem>>, vector<16xf32>,
          %parallel_loop3A_415 = arith.constant 2 : i32
          %parallel_loop3A_416 = arith.constant 2 : i32
          %parallel_loop3A_417 = arith.index_cast %parallel_loop3A_415 : i32 to index
          %parallel_loop3A_418 = arith.index_cast %parallel_loop3A_416 : i32 to index
          %parallel_loop3A_419 = arith.index_cast %parallel_loop3A_159 : i32 to index
          %parallel_loop3A_420 = tpu.vector_load %arg16[%parallel_loop3A_417, %parallel_loop3A_418, %parallel_loop3A_419] {strides = array<i32>} : memref<6x6x384xf32, #tpu.memory_space<vmem>>, vector<16xf32>,
          tpu.vector_store %arg16[%parallel_loop3A_417, %parallel_loop3A_418, %parallel_loop3A_419], %parallel_loop3A_249 {strides = array<i32>} : memref<6x6x384xf32, #tpu.memory_space<vmem>>, vector<16xf32>,
          %parallel_loop3A_421 = arith.constant 2 : i32
          %parallel_loop3A_422 = arith.constant 3 : i32
          %parallel_loop3A_423 = arith.index_cast %parallel_loop3A_421 : i32 to index
          %parallel_loop3A_424 = arith.index_cast %parallel_loop3A_422 : i32 to index
          %parallel_loop3A_425 = arith.index_cast %parallel_loop3A_159 : i32 to index
          %parallel_loop3A_426 = tpu.vector_load %arg16[%parallel_loop3A_423, %parallel_loop3A_424, %parallel_loop3A_425] {strides = array<i32>} : memref<6x6x384xf32, #tpu.memory_space<vmem>>, vector<16xf32>,
          tpu.vector_store %arg16[%parallel_loop3A_423, %parallel_loop3A_424, %parallel_loop3A_425], %parallel_loop3A_258 {strides = array<i32>} : memref<6x6x384xf32, #tpu.memory_space<vmem>>, vector<16xf32>,
          %parallel_loop3A_427 = arith.constant 2 : i32
          %parallel_loop3A_428 = arith.constant 4 : i32
          %parallel_loop3A_429 = arith.index_cast %parallel_loop3A_427 : i32 to index
          %parallel_loop3A_430 = arith.index_cast %parallel_loop3A_428 : i32 to index
          %parallel_loop3A_431 = arith.index_cast %parallel_loop3A_159 : i32 to index
          %parallel_loop3A_432 = tpu.vector_load %arg16[%parallel_loop3A_429, %parallel_loop3A_430, %parallel_loop3A_431] {strides = array<i32>} : memref<6x6x384xf32, #tpu.memory_space<vmem>>, vector<16xf32>,
          tpu.vector_store %arg16[%parallel_loop3A_429, %parallel_loop3A_430, %parallel_loop3A_431], %parallel_loop3A_267 {strides = array<i32>} : memref<6x6x384xf32, #tpu.memory_space<vmem>>, vector<16xf32>,
          %parallel_loop3A_433 = arith.constant 2 : i32
          %parallel_loop3A_434 = arith.constant 5 : i32
          %parallel_loop3A_435 = arith.index_cast %parallel_loop3A_433 : i32 to index
          %parallel_loop3A_436 = arith.index_cast %parallel_loop3A_434 : i32 to index
          %parallel_loop3A_437 = arith.index_cast %parallel_loop3A_159 : i32 to index
          %parallel_loop3A_438 = tpu.vector_load %arg16[%parallel_loop3A_435, %parallel_loop3A_436, %parallel_loop3A_437] {strides = array<i32>} : memref<6x6x384xf32, #tpu.memory_space<vmem>>, vector<16xf32>,
          tpu.vector_store %arg16[%parallel_loop3A_435, %parallel_loop3A_436, %parallel_loop3A_437], %parallel_loop3A_276 {strides = array<i32>} : memref<6x6x384xf32, #tpu.memory_space<vmem>>, vector<16xf32>,
          %parallel_loop3A_439 = arith.constant 3 : i32
          %parallel_loop3A_440 = arith.constant 0 : i32
          %parallel_loop3A_441 = arith.index_cast %parallel_loop3A_439 : i32 to index
          %parallel_loop3A_442 = arith.index_cast %parallel_loop3A_440 : i32 to index
          %parallel_loop3A_443 = arith.index_cast %parallel_loop3A_159 : i32 to index
          %parallel_loop3A_444 = tpu.vector_load %arg16[%parallel_loop3A_441, %parallel_loop3A_442, %parallel_loop3A_443] {strides = array<i32>} : memref<6x6x384xf32, #tpu.memory_space<vmem>>, vector<16xf32>,
          tpu.vector_store %arg16[%parallel_loop3A_441, %parallel_loop3A_442, %parallel_loop3A_443], %parallel_loop3A_186 {strides = array<i32>} : memref<6x6x384xf32, #tpu.memory_space<vmem>>, vector<16xf32>,
          %parallel_loop3A_445 = arith.constant 3 : i32
          %parallel_loop3A_446 = arith.constant 1 : i32
          %parallel_loop3A_447 = arith.index_cast %parallel_loop3A_445 : i32 to index
          %parallel_loop3A_448 = arith.index_cast %parallel_loop3A_446 : i32 to index
          %parallel_loop3A_449 = arith.index_cast %parallel_loop3A_159 : i32 to index
          %parallel_loop3A_450 = tpu.vector_load %arg16[%parallel_loop3A_447, %parallel_loop3A_448, %parallel_loop3A_449] {strides = array<i32>} : memref<6x6x384xf32, #tpu.memory_space<vmem>>, vector<16xf32>,
          tpu.vector_store %arg16[%parallel_loop3A_447, %parallel_loop3A_448, %parallel_loop3A_449], %parallel_loop3A_225 {strides = array<i32>} : memref<6x6x384xf32, #tpu.memory_space<vmem>>, vector<16xf32>,
          %parallel_loop3A_451 = arith.constant 3 : i32
          %parallel_loop3A_452 = arith.constant 2 : i32
          %parallel_loop3A_453 = arith.index_cast %parallel_loop3A_451 : i32 to index
          %parallel_loop3A_454 = arith.index_cast %parallel_loop3A_452 : i32 to index
          %parallel_loop3A_455 = arith.index_cast %parallel_loop3A_159 : i32 to index
          %parallel_loop3A_456 = tpu.vector_load %arg16[%parallel_loop3A_453, %parallel_loop3A_454, %parallel_loop3A_455] {strides = array<i32>} : memref<6x6x384xf32, #tpu.memory_space<vmem>>, vector<16xf32>,
          tpu.vector_store %arg16[%parallel_loop3A_453, %parallel_loop3A_454, %parallel_loop3A_455], %parallel_loop3A_258 {strides = array<i32>} : memref<6x6x384xf32, #tpu.memory_space<vmem>>, vector<16xf32>,
          %parallel_loop3A_457 = arith.constant 3 : i32
          %parallel_loop3A_458 = arith.constant 3 : i32
          %parallel_loop3A_459 = arith.index_cast %parallel_loop3A_457 : i32 to index
          %parallel_loop3A_460 = arith.index_cast %parallel_loop3A_458 : i32 to index
          %parallel_loop3A_461 = arith.index_cast %parallel_loop3A_159 : i32 to index
          %parallel_loop3A_462 = tpu.vector_load %arg16[%parallel_loop3A_459, %parallel_loop3A_460, %parallel_loop3A_461] {strides = array<i32>} : memref<6x6x384xf32, #tpu.memory_space<vmem>>, vector<16xf32>,
          tpu.vector_store %arg16[%parallel_loop3A_459, %parallel_loop3A_460, %parallel_loop3A_461], %parallel_loop3A_285 {strides = array<i32>} : memref<6x6x384xf32, #tpu.memory_space<vmem>>, vector<16xf32>,
          %parallel_loop3A_463 = arith.constant 3 : i32
          %parallel_loop3A_464 = arith.constant 4 : i32
          %parallel_loop3A_465 = arith.index_cast %parallel_loop3A_463 : i32 to index
          %parallel_loop3A_466 = arith.index_cast %parallel_loop3A_464 : i32 to index
          %parallel_loop3A_467 = arith.index_cast %parallel_loop3A_159 : i32 to index
          %parallel_loop3A_468 = tpu.vector_load %arg16[%parallel_loop3A_465, %parallel_loop3A_466, %parallel_loop3A_467] {strides = array<i32>} : memref<6x6x384xf32, #tpu.memory_space<vmem>>, vector<16xf32>,
          tpu.vector_store %arg16[%parallel_loop3A_465, %parallel_loop3A_466, %parallel_loop3A_467], %parallel_loop3A_294 {strides = array<i32>} : memref<6x6x384xf32, #tpu.memory_space<vmem>>, vector<16xf32>,
          %parallel_loop3A_469 = arith.constant 3 : i32
          %parallel_loop3A_470 = arith.constant 5 : i32
          %parallel_loop3A_471 = arith.index_cast %parallel_loop3A_469 : i32 to index
          %parallel_loop3A_472 = arith.index_cast %parallel_loop3A_470 : i32 to index
          %parallel_loop3A_473 = arith.index_cast %parallel_loop3A_159 : i32 to index
          %parallel_loop3A_474 = tpu.vector_load %arg16[%parallel_loop3A_471, %parallel_loop3A_472, %parallel_loop3A_473] {strides = array<i32>} : memref<6x6x384xf32, #tpu.memory_space<vmem>>, vector<16xf32>,
          tpu.vector_store %arg16[%parallel_loop3A_471, %parallel_loop3A_472, %parallel_loop3A_473], %parallel_loop3A_303 {strides = array<i32>} : memref<6x6x384xf32, #tpu.memory_space<vmem>>, vector<16xf32>,
          %parallel_loop3A_475 = arith.constant 4 : i32
          %parallel_loop3A_476 = arith.constant 0 : i32
          %parallel_loop3A_477 = arith.index_cast %parallel_loop3A_475 : i32 to index
          %parallel_loop3A_478 = arith.index_cast %parallel_loop3A_476 : i32 to index
          %parallel_loop3A_479 = arith.index_cast %parallel_loop3A_159 : i32 to index
          %parallel_loop3A_480 = tpu.vector_load %arg16[%parallel_loop3A_477, %parallel_loop3A_478, %parallel_loop3A_479] {strides = array<i32>} : memref<6x6x384xf32, #tpu.memory_space<vmem>>, vector<16xf32>,
          tpu.vector_store %arg16[%parallel_loop3A_477, %parallel_loop3A_478, %parallel_loop3A_479], %parallel_loop3A_195 {strides = array<i32>} : memref<6x6x384xf32, #tpu.memory_space<vmem>>, vector<16xf32>,
          %parallel_loop3A_481 = arith.constant 4 : i32
          %parallel_loop3A_482 = arith.constant 1 : i32
          %parallel_loop3A_483 = arith.index_cast %parallel_loop3A_481 : i32 to index
          %parallel_loop3A_484 = arith.index_cast %parallel_loop3A_482 : i32 to index
          %parallel_loop3A_485 = arith.index_cast %parallel_loop3A_159 : i32 to index
          %parallel_loop3A_486 = tpu.vector_load %arg16[%parallel_loop3A_483, %parallel_loop3A_484, %parallel_loop3A_485] {strides = array<i32>} : memref<6x6x384xf32, #tpu.memory_space<vmem>>, vector<16xf32>,
          tpu.vector_store %arg16[%parallel_loop3A_483, %parallel_loop3A_484, %parallel_loop3A_485], %parallel_loop3A_234 {strides = array<i32>} : memref<6x6x384xf32, #tpu.memory_space<vmem>>, vector<16xf32>,
          %parallel_loop3A_487 = arith.constant 4 : i32
          %parallel_loop3A_488 = arith.constant 2 : i32
          %parallel_loop3A_489 = arith.index_cast %parallel_loop3A_487 : i32 to index
          %parallel_loop3A_490 = arith.index_cast %parallel_loop3A_488 : i32 to index
          %parallel_loop3A_491 = arith.index_cast %parallel_loop3A_159 : i32 to index
          %parallel_loop3A_492 = tpu.vector_load %arg16[%parallel_loop3A_489, %parallel_loop3A_490, %parallel_loop3A_491] {strides = array<i32>} : memref<6x6x384xf32, #tpu.memory_space<vmem>>, vector<16xf32>,
          tpu.vector_store %arg16[%parallel_loop3A_489, %parallel_loop3A_490, %parallel_loop3A_491], %parallel_loop3A_267 {strides = array<i32>} : memref<6x6x384xf32, #tpu.memory_space<vmem>>, vector<16xf32>,
          %parallel_loop3A_493 = arith.constant 4 : i32
          %parallel_loop3A_494 = arith.constant 3 : i32
          %parallel_loop3A_495 = arith.index_cast %parallel_loop3A_493 : i32 to index
          %parallel_loop3A_496 = arith.index_cast %parallel_loop3A_494 : i32 to index
          %parallel_loop3A_497 = arith.index_cast %parallel_loop3A_159 : i32 to index
          %parallel_loop3A_498 = tpu.vector_load %arg16[%parallel_loop3A_495, %parallel_loop3A_496, %parallel_loop3A_497] {strides = array<i32>} : memref<6x6x384xf32, #tpu.memory_space<vmem>>, vector<16xf32>,
          tpu.vector_store %arg16[%parallel_loop3A_495, %parallel_loop3A_496, %parallel_loop3A_497], %parallel_loop3A_294 {strides = array<i32>} : memref<6x6x384xf32, #tpu.memory_space<vmem>>, vector<16xf32>,
          %parallel_loop3A_499 = arith.constant 4 : i32
          %parallel_loop3A_500 = arith.constant 4 : i32
          %parallel_loop3A_501 = arith.index_cast %parallel_loop3A_499 : i32 to index
          %parallel_loop3A_502 = arith.index_cast %parallel_loop3A_500 : i32 to index
          %parallel_loop3A_503 = arith.index_cast %parallel_loop3A_159 : i32 to index
          %parallel_loop3A_504 = tpu.vector_load %arg16[%parallel_loop3A_501, %parallel_loop3A_502, %parallel_loop3A_503] {strides = array<i32>} : memref<6x6x384xf32, #tpu.memory_space<vmem>>, vector<16xf32>,
          tpu.vector_store %arg16[%parallel_loop3A_501, %parallel_loop3A_502, %parallel_loop3A_503], %parallel_loop3A_312 {strides = array<i32>} : memref<6x6x384xf32, #tpu.memory_space<vmem>>, vector<16xf32>,
          %parallel_loop3A_505 = arith.constant 4 : i32
          %parallel_loop3A_506 = arith.constant 5 : i32
          %parallel_loop3A_507 = arith.index_cast %parallel_loop3A_505 : i32 to index
          %parallel_loop3A_508 = arith.index_cast %parallel_loop3A_506 : i32 to index
          %parallel_loop3A_509 = arith.index_cast %parallel_loop3A_159 : i32 to index
          %parallel_loop3A_510 = tpu.vector_load %arg16[%parallel_loop3A_507, %parallel_loop3A_508, %parallel_loop3A_509] {strides = array<i32>} : memref<6x6x384xf32, #tpu.memory_space<vmem>>, vector<16xf32>,
          tpu.vector_store %arg16[%parallel_loop3A_507, %parallel_loop3A_508, %parallel_loop3A_509], %parallel_loop3A_321 {strides = array<i32>} : memref<6x6x384xf32, #tpu.memory_space<vmem>>, vector<16xf32>,
          %parallel_loop3A_511 = arith.constant 5 : i32
          %parallel_loop3A_512 = arith.constant 0 : i32
          %parallel_loop3A_513 = arith.index_cast %parallel_loop3A_511 : i32 to index
          %parallel_loop3A_514 = arith.index_cast %parallel_loop3A_512 : i32 to index
          %parallel_loop3A_515 = arith.index_cast %parallel_loop3A_159 : i32 to index
          %parallel_loop3A_516 = tpu.vector_load %arg16[%parallel_loop3A_513, %parallel_loop3A_514, %parallel_loop3A_515] {strides = array<i32>} : memref<6x6x384xf32, #tpu.memory_space<vmem>>, vector<16xf32>,
          tpu.vector_store %arg16[%parallel_loop3A_513, %parallel_loop3A_514, %parallel_loop3A_515], %parallel_loop3A_204 {strides = array<i32>} : memref<6x6x384xf32, #tpu.memory_space<vmem>>, vector<16xf32>,
          %parallel_loop3A_517 = arith.constant 5 : i32
          %parallel_loop3A_518 = arith.constant 1 : i32
          %parallel_loop3A_519 = arith.index_cast %parallel_loop3A_517 : i32 to index
          %parallel_loop3A_520 = arith.index_cast %parallel_loop3A_518 : i32 to index
          %parallel_loop3A_521 = arith.index_cast %parallel_loop3A_159 : i32 to index
          %parallel_loop3A_522 = tpu.vector_load %arg16[%parallel_loop3A_519, %parallel_loop3A_520, %parallel_loop3A_521] {strides = array<i32>} : memref<6x6x384xf32, #tpu.memory_space<vmem>>, vector<16xf32>,
          tpu.vector_store %arg16[%parallel_loop3A_519, %parallel_loop3A_520, %parallel_loop3A_521], %parallel_loop3A_243 {strides = array<i32>} : memref<6x6x384xf32, #tpu.memory_space<vmem>>, vector<16xf32>,
          %parallel_loop3A_523 = arith.constant 5 : i32
          %parallel_loop3A_524 = arith.constant 2 : i32
          %parallel_loop3A_525 = arith.index_cast %parallel_loop3A_523 : i32 to index
          %parallel_loop3A_526 = arith.index_cast %parallel_loop3A_524 : i32 to index
          %parallel_loop3A_527 = arith.index_cast %parallel_loop3A_159 : i32 to index
          %parallel_loop3A_528 = tpu.vector_load %arg16[%parallel_loop3A_525, %parallel_loop3A_526, %parallel_loop3A_527] {strides = array<i32>} : memref<6x6x384xf32, #tpu.memory_space<vmem>>, vector<16xf32>,
          tpu.vector_store %arg16[%parallel_loop3A_525, %parallel_loop3A_526, %parallel_loop3A_527], %parallel_loop3A_276 {strides = array<i32>} : memref<6x6x384xf32, #tpu.memory_space<vmem>>, vector<16xf32>,
          %parallel_loop3A_529 = arith.constant 5 : i32
          %parallel_loop3A_530 = arith.constant 3 : i32
          %parallel_loop3A_531 = arith.index_cast %parallel_loop3A_529 : i32 to index
          %parallel_loop3A_532 = arith.index_cast %parallel_loop3A_530 : i32 to index
          %parallel_loop3A_533 = arith.index_cast %parallel_loop3A_159 : i32 to index
          %parallel_loop3A_534 = tpu.vector_load %arg16[%parallel_loop3A_531, %parallel_loop3A_532, %parallel_loop3A_533] {strides = array<i32>} : memref<6x6x384xf32, #tpu.memory_space<vmem>>, vector<16xf32>,
          tpu.vector_store %arg16[%parallel_loop3A_531, %parallel_loop3A_532, %parallel_loop3A_533], %parallel_loop3A_303 {strides = array<i32>} : memref<6x6x384xf32, #tpu.memory_space<vmem>>, vector<16xf32>,
          %parallel_loop3A_535 = arith.constant 5 : i32
          %parallel_loop3A_536 = arith.constant 4 : i32
          %parallel_loop3A_537 = arith.index_cast %parallel_loop3A_535 : i32 to index
          %parallel_loop3A_538 = arith.index_cast %parallel_loop3A_536 : i32 to index
          %parallel_loop3A_539 = arith.index_cast %parallel_loop3A_159 : i32 to index
          %parallel_loop3A_540 = tpu.vector_load %arg16[%parallel_loop3A_537, %parallel_loop3A_538, %parallel_loop3A_539] {strides = array<i32>} : memref<6x6x384xf32, #tpu.memory_space<vmem>>, vector<16xf32>,
          tpu.vector_store %arg16[%parallel_loop3A_537, %parallel_loop3A_538, %parallel_loop3A_539], %parallel_loop3A_321 {strides = array<i32>} : memref<6x6x384xf32, #tpu.memory_space<vmem>>, vector<16xf32>,
          %parallel_loop3A_541 = arith.constant 5 : i32
          %parallel_loop3A_542 = arith.constant 5 : i32
          %parallel_loop3A_543 = arith.index_cast %parallel_loop3A_541 : i32 to index
          %parallel_loop3A_544 = arith.index_cast %parallel_loop3A_542 : i32 to index
          %parallel_loop3A_545 = arith.index_cast %parallel_loop3A_159 : i32 to index
          %parallel_loop3A_546 = tpu.vector_load %arg16[%parallel_loop3A_543, %parallel_loop3A_544, %parallel_loop3A_545] {strides = array<i32>} : memref<6x6x384xf32, #tpu.memory_space<vmem>>, vector<16xf32>,
          tpu.vector_store %arg16[%parallel_loop3A_543, %parallel_loop3A_544, %parallel_loop3A_545], %parallel_loop3A_330 {strides = array<i32>} : memref<6x6x384xf32, #tpu.memory_space<vmem>>, vector<16xf32>,
        } {sc.loop_unroll_factor = 2 : i64, sc.parallel_access}
        %mul3A_146 = arith.constant 32 : i32
        %mul3A_147 = arith.muli %add3A_86, %mul3A_146 : i32
        %add3A_148 = arith.addi %add3A, %mul3A_147 : i32
        %mul3A_149 = arith.constant 384 : i32
        %mul3A_150 = arith.muli %add3A_148, %mul3A_149 : i32
        %dma_start3A_151 = arith.constant 0 : i32
        %dma_start3A_152 = arith.constant 0 : i32
        %dma_start3A_153 = tpu.memref_slice %arg3[%dma_start3A_151, %dma_start3A_152, %mul3A_150] : memref<6x6x500000xf32, #tpu.memory_space<hbm>> -> memref<6x6x384xf32, #tpu.memory_space<hbm>>
        %dma_start3A_154 = arith.constant 0 : i32
        %dma_start3A_155 = arith.constant 0 : i32
        %dma_start3A_156 = tpu.memref_slice %arg3[%dma_start3A_154, %dma_start3A_155, %mul3A_150] : memref<6x6x500000xf32, #tpu.memory_space<hbm>> -> memref<6x6x384xf32, #tpu.memory_space<hbm>>
        tpu.enqueue_dma source(%arg16 : memref<6x6x384xf32, #tpu.memory_space<vmem>>) target(%dma_start3A_156 : memref<6x6x384xf32, #tpu.memory_space<hbm>>) target_semaphore(%arg20 : memref<!tpu.dma_semaphore, #tpu.memory_space<semaphore_mem>>)
      } else {
      }
      %mul3A_112 = arith.constant 2 : i32
      %mul3A_113 = arith.muli %mul3A_112, %scan3A_81 : i32
      %add3A_114 = arith.constant 1 : i32
      %add3A_115 = arith.addi %mul3A_113, %add3A_114 : i32
      %mul3A_116 = arith.constant 32 : i32
      %mul3A_117 = arith.muli %add3A_115, %mul3A_116 : i32
      %add3A_118 = arith.addi %add3A, %mul3A_117 : i32
      %lt3A_119 = arith.constant 1302 : i32
      %lt3A_120 = arith.cmpi slt, %add3A_118, %lt3A_119 : i32
      %convert_element_type3A_121 = arith.extui %lt3A_120 : i1 to i32
      %cond3A_122 = arith.constant 0 : i32
      %cond3A_123 = arith.cmpi ne, %convert_element_type3A_121, %cond3A_122 : i32
      scf.if %cond3A_123 {
        %mul3A_144 = arith.constant 32 : i32
        %mul3A_145 = arith.muli %add3A_115, %mul3A_144 : i32
        %add3A_146 = arith.addi %add3A, %mul3A_145 : i32
        %mul3A_147 = arith.constant 384 : i32
        %mul3A_148 = arith.muli %add3A_146, %mul3A_147 : i32
        %dma_wait3A = arith.constant 0 : i32
        %dma_wait3A_149 = arith.constant 0 : i32
        %dma_wait3A_150 = arith.constant 0 : i32
        %dma_wait3A_151 = arith.constant 0 : i32
        %dma_wait3A_152 = tpu.memref_slice %arg2[%dma_wait3A, %dma_wait3A_149, %dma_wait3A_150, %dma_wait3A_151, %mul3A_148] : memref<3x3x3x3x500000xf32, #tpu.memory_space<hbm>> -> memref<1x1x3x3x384xf32, #tpu.memory_space<hbm>>
        %dma_wait3A_153 = tpu.memref_squeeze %dma_wait3A_152 : memref<1x1x3x3x384xf32, #tpu.memory_space<hbm>> -> memref<3x3x384xf32, #tpu.memory_space<hbm>>
        %dma_wait3A_154 = arith.constant 0 : i32
        %dma_wait3A_155 = arith.constant 0 : i32
        %dma_wait3A_156 = tpu.memref_slice %arg2[%dma_wait3A, %dma_wait3A_149, %dma_wait3A_154, %dma_wait3A_155, %mul3A_148] : memref<3x3x3x3x500000xf32, #tpu.memory_space<hbm>> -> memref<1x1x3x3x384xf32, #tpu.memory_space<hbm>>
        %dma_wait3A_157 = tpu.memref_squeeze %dma_wait3A_156 : memref<1x1x3x3x384xf32, #tpu.memory_space<hbm>> -> memref<3x3x384xf32, #tpu.memory_space<hbm>>
        tpu.wait_dma2 semaphore(%arg19 : memref<!tpu.dma_semaphore, #tpu.memory_space<semaphore_mem>>) src(%dma_wait3A_157 : memref<3x3x384xf32, #tpu.memory_space<hbm>>) dst(%arg10 : memref<3x3x384xf32, #tpu.memory_space<vmem>>)
        %dma_wait3A_158 = arith.constant 0 : i32
        %dma_wait3A_159 = arith.constant 1 : i32
        %dma_wait3A_160 = arith.constant 0 : i32
        %dma_wait3A_161 = arith.constant 0 : i32
        %dma_wait3A_162 = tpu.memref_slice %arg2[%dma_wait3A_158, %dma_wait3A_159, %dma_wait3A_160, %dma_wait3A_161, %mul3A_148] : memref<3x3x3x3x500000xf32, #tpu.memory_space<hbm>> -> memref<1x1x1x3x384xf32, #tpu.memory_space<hbm>>
        %dma_wait3A_163 = tpu.memref_squeeze %dma_wait3A_162 : memref<1x1x1x3x384xf32, #tpu.memory_space<hbm>> -> memref<1x3x384xf32, #tpu.memory_space<hbm>>
        %dma_wait3A_164 = arith.constant 0 : i32
        %dma_wait3A_165 = arith.constant 0 : i32
        %dma_wait3A_166 = tpu.memref_slice %arg2[%dma_wait3A_158, %dma_wait3A_159, %dma_wait3A_164, %dma_wait3A_165, %mul3A_148] : memref<3x3x3x3x500000xf32, #tpu.memory_space<hbm>> -> memref<1x1x1x3x384xf32, #tpu.memory_space<hbm>>
        %dma_wait3A_167 = tpu.memref_squeeze %dma_wait3A_166 : memref<1x1x1x3x384xf32, #tpu.memory_space<hbm>> -> memref<1x3x384xf32, #tpu.memory_space<hbm>>
        tpu.wait_dma2 semaphore(%arg19 : memref<!tpu.dma_semaphore, #tpu.memory_space<semaphore_mem>>) src(%dma_wait3A_167 : memref<1x3x384xf32, #tpu.memory_space<hbm>>) dst(%arg11 : memref<1x3x384xf32, #tpu.memory_space<vmem>>)
        %dma_wait3A_168 = arith.constant 0 : i32
        %dma_wait3A_169 = arith.constant 2 : i32
        %dma_wait3A_170 = arith.constant 0 : i32
        %dma_wait3A_171 = arith.constant 0 : i32
        %dma_wait3A_172 = tpu.memref_slice %arg2[%dma_wait3A_168, %dma_wait3A_169, %dma_wait3A_170, %dma_wait3A_171, %mul3A_148] : memref<3x3x3x3x500000xf32, #tpu.memory_space<hbm>> -> memref<1x1x1x3x384xf32, #tpu.memory_space<hbm>>
        %dma_wait3A_173 = tpu.memref_squeeze %dma_wait3A_172 : memref<1x1x1x3x384xf32, #tpu.memory_space<hbm>> -> memref<1x3x384xf32, #tpu.memory_space<hbm>>
        %dma_wait3A_174 = arith.constant 0 : i32
        %dma_wait3A_175 = arith.constant 0 : i32
        %dma_wait3A_176 = tpu.memref_slice %arg2[%dma_wait3A_168, %dma_wait3A_169, %dma_wait3A_174, %dma_wait3A_175, %mul3A_148] : memref<3x3x3x3x500000xf32, #tpu.memory_space<hbm>> -> memref<1x1x1x3x384xf32, #tpu.memory_space<hbm>>
        %dma_wait3A_177 = tpu.memref_squeeze %dma_wait3A_176 : memref<1x1x1x3x384xf32, #tpu.memory_space<hbm>> -> memref<1x3x384xf32, #tpu.memory_space<hbm>>
        tpu.wait_dma2 semaphore(%arg19 : memref<!tpu.dma_semaphore, #tpu.memory_space<semaphore_mem>>) src(%dma_wait3A_177 : memref<1x3x384xf32, #tpu.memory_space<hbm>>) dst(%arg12 : memref<1x3x384xf32, #tpu.memory_space<vmem>>)
        %dma_wait3A_178 = arith.constant 1 : i32
        %dma_wait3A_179 = arith.constant 1 : i32
        %dma_wait3A_180 = arith.constant 0 : i32
        %dma_wait3A_181 = arith.constant 0 : i32
        %dma_wait3A_182 = tpu.memref_slice %arg2[%dma_wait3A_178, %dma_wait3A_179, %dma_wait3A_180, %dma_wait3A_181, %mul3A_148] : memref<3x3x3x3x500000xf32, #tpu.memory_space<hbm>> -> memref<1x1x3x3x384xf32, #tpu.memory_space<hbm>>
        %dma_wait3A_183 = tpu.memref_squeeze %dma_wait3A_182 : memref<1x1x3x3x384xf32, #tpu.memory_space<hbm>> -> memref<3x3x384xf32, #tpu.memory_space<hbm>>
        %dma_wait3A_184 = arith.constant 0 : i32
        %dma_wait3A_185 = arith.constant 0 : i32
        %dma_wait3A_186 = tpu.memref_slice %arg2[%dma_wait3A_178, %dma_wait3A_179, %dma_wait3A_184, %dma_wait3A_185, %mul3A_148] : memref<3x3x3x3x500000xf32, #tpu.memory_space<hbm>> -> memref<1x1x3x3x384xf32, #tpu.memory_space<hbm>>
        %dma_wait3A_187 = tpu.memref_squeeze %dma_wait3A_186 : memref<1x1x3x3x384xf32, #tpu.memory_space<hbm>> -> memref<3x3x384xf32, #tpu.memory_space<hbm>>
        tpu.wait_dma2 semaphore(%arg19 : memref<!tpu.dma_semaphore, #tpu.memory_space<semaphore_mem>>) src(%dma_wait3A_187 : memref<3x3x384xf32, #tpu.memory_space<hbm>>) dst(%arg13 : memref<3x3x384xf32, #tpu.memory_space<vmem>>)
        %dma_wait3A_188 = arith.constant 1 : i32
        %dma_wait3A_189 = arith.constant 2 : i32
        %dma_wait3A_190 = arith.constant 0 : i32
        %dma_wait3A_191 = arith.constant 0 : i32
        %dma_wait3A_192 = tpu.memref_slice %arg2[%dma_wait3A_188, %dma_wait3A_189, %dma_wait3A_190, %dma_wait3A_191, %mul3A_148] : memref<3x3x3x3x500000xf32, #tpu.memory_space<hbm>> -> memref<1x1x2x3x384xf32, #tpu.memory_space<hbm>>
        %dma_wait3A_193 = tpu.memref_squeeze %dma_wait3A_192 : memref<1x1x2x3x384xf32, #tpu.memory_space<hbm>> -> memref<2x3x384xf32, #tpu.memory_space<hbm>>
        %dma_wait3A_194 = arith.constant 0 : i32
        %dma_wait3A_195 = arith.constant 0 : i32
        %dma_wait3A_196 = tpu.memref_slice %arg2[%dma_wait3A_188, %dma_wait3A_189, %dma_wait3A_194, %dma_wait3A_195, %mul3A_148] : memref<3x3x3x3x500000xf32, #tpu.memory_space<hbm>> -> memref<1x1x2x3x384xf32, #tpu.memory_space<hbm>>
        %dma_wait3A_197 = tpu.memref_squeeze %dma_wait3A_196 : memref<1x1x2x3x384xf32, #tpu.memory_space<hbm>> -> memref<2x3x384xf32, #tpu.memory_space<hbm>>
        tpu.wait_dma2 semaphore(%arg19 : memref<!tpu.dma_semaphore, #tpu.memory_space<semaphore_mem>>) src(%dma_wait3A_197 : memref<2x3x384xf32, #tpu.memory_space<hbm>>) dst(%arg14 : memref<2x3x384xf32, #tpu.memory_space<vmem>>)
        %dma_wait3A_198 = arith.constant 2 : i32
        %dma_wait3A_199 = arith.constant 2 : i32
        %dma_wait3A_200 = arith.constant 0 : i32
        %dma_wait3A_201 = arith.constant 0 : i32
        %dma_wait3A_202 = tpu.memref_slice %arg2[%dma_wait3A_198, %dma_wait3A_199, %dma_wait3A_200, %dma_wait3A_201, %mul3A_148] : memref<3x3x3x3x500000xf32, #tpu.memory_space<hbm>> -> memref<1x1x3x3x384xf32, #tpu.memory_space<hbm>>
        %dma_wait3A_203 = tpu.memref_squeeze %dma_wait3A_202 : memref<1x1x3x3x384xf32, #tpu.memory_space<hbm>> -> memref<3x3x384xf32, #tpu.memory_space<hbm>>
        %dma_wait3A_204 = arith.constant 0 : i32
        %dma_wait3A_205 = arith.constant 0 : i32
        %dma_wait3A_206 = tpu.memref_slice %arg2[%dma_wait3A_198, %dma_wait3A_199, %dma_wait3A_204, %dma_wait3A_205, %mul3A_148] : memref<3x3x3x3x500000xf32, #tpu.memory_space<hbm>> -> memref<1x1x3x3x384xf32, #tpu.memory_space<hbm>>
        %dma_wait3A_207 = tpu.memref_squeeze %dma_wait3A_206 : memref<1x1x3x3x384xf32, #tpu.memory_space<hbm>> -> memref<3x3x384xf32, #tpu.memory_space<hbm>>
        tpu.wait_dma2 semaphore(%arg19 : memref<!tpu.dma_semaphore, #tpu.memory_space<semaphore_mem>>) src(%dma_wait3A_207 : memref<3x3x384xf32, #tpu.memory_space<hbm>>) dst(%arg15 : memref<3x3x384xf32, #tpu.memory_space<vmem>>)
      } else {
      }
      %add3A_124 = arith.constant 1 : i32
      %add3A_125 = arith.addi %add3A_115, %add3A_124 : i32
      %mul3A_126 = arith.constant 32 : i32
      %mul3A_127 = arith.muli %add3A_125, %mul3A_126 : i32
      %add3A_128 = arith.addi %add3A, %mul3A_127 : i32
      %lt3A_129 = arith.constant 1302 : i32
      %lt3A_130 = arith.cmpi slt, %add3A_128, %lt3A_129 : i32
      %convert_element_type3A_131 = arith.extui %lt3A_130 : i1 to i32
      %cond3A_132 = arith.constant 0 : i32
      %cond3A_133 = arith.cmpi ne, %convert_element_type3A_131, %cond3A_132 : i32
      scf.if %cond3A_133 {
        %add3A_144 = arith.constant 1 : i32
        %add3A_145 = arith.addi %add3A_115, %add3A_144 : i32
        %mul3A_146 = arith.constant 32 : i32
        %mul3A_147 = arith.muli %add3A_145, %mul3A_146 : i32
        %add3A_148 = arith.addi %add3A, %mul3A_147 : i32
        %mul3A_149 = arith.constant 384 : i32
        %mul3A_150 = arith.muli %add3A_148, %mul3A_149 : i32
        %dma_start3A_151 = arith.constant 0 : i32
        %dma_start3A_152 = arith.constant 0 : i32
        %dma_start3A_153 = arith.constant 0 : i32
        %dma_start3A_154 = arith.constant 0 : i32
        %dma_start3A_155 = tpu.memref_slice %arg2[%dma_start3A_151, %dma_start3A_152, %dma_start3A_153, %dma_start3A_154, %mul3A_150] : memref<3x3x3x3x500000xf32, #tpu.memory_space<hbm>> -> memref<1x1x3x3x384xf32, #tpu.memory_space<hbm>>
        %dma_start3A_156 = tpu.memref_squeeze %dma_start3A_155 : memref<1x1x3x3x384xf32, #tpu.memory_space<hbm>> -> memref<3x3x384xf32, #tpu.memory_space<hbm>>
        %dma_start3A_157 = arith.constant 0 : i32
        %dma_start3A_158 = arith.constant 0 : i32
        %dma_start3A_159 = tpu.memref_slice %arg2[%dma_start3A_151, %dma_start3A_152, %dma_start3A_157, %dma_start3A_158, %mul3A_150] : memref<3x3x3x3x500000xf32, #tpu.memory_space<hbm>> -> memref<1x1x3x3x384xf32, #tpu.memory_space<hbm>>
        %dma_start3A_160 = tpu.memref_squeeze %dma_start3A_159 : memref<1x1x3x3x384xf32, #tpu.memory_space<hbm>> -> memref<3x3x384xf32, #tpu.memory_space<hbm>>
        tpu.enqueue_dma source(%dma_start3A_160 : memref<3x3x384xf32, #tpu.memory_space<hbm>>) target(%arg4 : memref<3x3x384xf32, #tpu.memory_space<vmem>>) target_semaphore(%arg18 : memref<!tpu.dma_semaphore, #tpu.memory_space<semaphore_mem>>)
        %dma_start3A_161 = arith.constant 0 : i32
        %dma_start3A_162 = arith.constant 1 : i32
        %dma_start3A_163 = arith.constant 0 : i32
        %dma_start3A_164 = arith.constant 0 : i32
        %dma_start3A_165 = tpu.memref_slice %arg2[%dma_start3A_161, %dma_start3A_162, %dma_start3A_163, %dma_start3A_164, %mul3A_150] : memref<3x3x3x3x500000xf32, #tpu.memory_space<hbm>> -> memref<1x1x1x3x384xf32, #tpu.memory_space<hbm>>
        %dma_start3A_166 = tpu.memref_squeeze %dma_start3A_165 : memref<1x1x1x3x384xf32, #tpu.memory_space<hbm>> -> memref<1x3x384xf32, #tpu.memory_space<hbm>>
        %dma_start3A_167 = arith.constant 0 : i32
        %dma_start3A_168 = arith.constant 0 : i32
        %dma_start3A_169 = tpu.memref_slice %arg2[%dma_start3A_161, %dma_start3A_162, %dma_start3A_167, %dma_start3A_168, %mul3A_150] : memref<3x3x3x3x500000xf32, #tpu.memory_space<hbm>> -> memref<1x1x1x3x384xf32, #tpu.memory_space<hbm>>
        %dma_start3A_170 = tpu.memref_squeeze %dma_start3A_169 : memref<1x1x1x3x384xf32, #tpu.memory_space<hbm>> -> memref<1x3x384xf32, #tpu.memory_space<hbm>>
        tpu.enqueue_dma source(%dma_start3A_170 : memref<1x3x384xf32, #tpu.memory_space<hbm>>) target(%arg5 : memref<1x3x384xf32, #tpu.memory_space<vmem>>) target_semaphore(%arg18 : memref<!tpu.dma_semaphore, #tpu.memory_space<semaphore_mem>>)
        %dma_start3A_171 = arith.constant 0 : i32
        %dma_start3A_172 = arith.constant 2 : i32
        %dma_start3A_173 = arith.constant 0 : i32
        %dma_start3A_174 = arith.constant 0 : i32
        %dma_start3A_175 = tpu.memref_slice %arg2[%dma_start3A_171, %dma_start3A_172, %dma_start3A_173, %dma_start3A_174, %mul3A_150] : memref<3x3x3x3x500000xf32, #tpu.memory_space<hbm>> -> memref<1x1x1x3x384xf32, #tpu.memory_space<hbm>>
        %dma_start3A_176 = tpu.memref_squeeze %dma_start3A_175 : memref<1x1x1x3x384xf32, #tpu.memory_space<hbm>> -> memref<1x3x384xf32, #tpu.memory_space<hbm>>
        %dma_start3A_177 = arith.constant 0 : i32
        %dma_start3A_178 = arith.constant 0 : i32
        %dma_start3A_179 = tpu.memref_slice %arg2[%dma_start3A_171, %dma_start3A_172, %dma_start3A_177, %dma_start3A_178, %mul3A_150] : memref<3x3x3x3x500000xf32, #tpu.memory_space<hbm>> -> memref<1x1x1x3x384xf32, #tpu.memory_space<hbm>>
        %dma_start3A_180 = tpu.memref_squeeze %dma_start3A_179 : memref<1x1x1x3x384xf32, #tpu.memory_space<hbm>> -> memref<1x3x384xf32, #tpu.memory_space<hbm>>
        tpu.enqueue_dma source(%dma_start3A_180 : memref<1x3x384xf32, #tpu.memory_space<hbm>>) target(%arg6 : memref<1x3x384xf32, #tpu.memory_space<vmem>>) target_semaphore(%arg18 : memref<!tpu.dma_semaphore, #tpu.memory_space<semaphore_mem>>)
        %dma_start3A_181 = arith.constant 1 : i32
        %dma_start3A_182 = arith.constant 1 : i32
        %dma_start3A_183 = arith.constant 0 : i32
        %dma_start3A_184 = arith.constant 0 : i32
        %dma_start3A_185 = tpu.memref_slice %arg2[%dma_start3A_181, %dma_start3A_182, %dma_start3A_183, %dma_start3A_184, %mul3A_150] : memref<3x3x3x3x500000xf32, #tpu.memory_space<hbm>> -> memref<1x1x3x3x384xf32, #tpu.memory_space<hbm>>
        %dma_start3A_186 = tpu.memref_squeeze %dma_start3A_185 : memref<1x1x3x3x384xf32, #tpu.memory_space<hbm>> -> memref<3x3x384xf32, #tpu.memory_space<hbm>>
        %dma_start3A_187 = arith.constant 0 : i32
        %dma_start3A_188 = arith.constant 0 : i32
        %dma_start3A_189 = tpu.memref_slice %arg2[%dma_start3A_181, %dma_start3A_182, %dma_start3A_187, %dma_start3A_188, %mul3A_150] : memref<3x3x3x3x500000xf32, #tpu.memory_space<hbm>> -> memref<1x1x3x3x384xf32, #tpu.memory_space<hbm>>
        %dma_start3A_190 = tpu.memref_squeeze %dma_start3A_189 : memref<1x1x3x3x384xf32, #tpu.memory_space<hbm>> -> memref<3x3x384xf32, #tpu.memory_space<hbm>>
        tpu.enqueue_dma source(%dma_start3A_190 : memref<3x3x384xf32, #tpu.memory_space<hbm>>) target(%arg7 : memref<3x3x384xf32, #tpu.memory_space<vmem>>) target_semaphore(%arg18 : memref<!tpu.dma_semaphore, #tpu.memory_space<semaphore_mem>>)
        %dma_start3A_191 = arith.constant 1 : i32
        %dma_start3A_192 = arith.constant 2 : i32
        %dma_start3A_193 = arith.constant 0 : i32
        %dma_start3A_194 = arith.constant 0 : i32
        %dma_start3A_195 = tpu.memref_slice %arg2[%dma_start3A_191, %dma_start3A_192, %dma_start3A_193, %dma_start3A_194, %mul3A_150] : memref<3x3x3x3x500000xf32, #tpu.memory_space<hbm>> -> memref<1x1x2x3x384xf32, #tpu.memory_space<hbm>>
        %dma_start3A_196 = tpu.memref_squeeze %dma_start3A_195 : memref<1x1x2x3x384xf32, #tpu.memory_space<hbm>> -> memref<2x3x384xf32, #tpu.memory_space<hbm>>
        %dma_start3A_197 = arith.constant 0 : i32
        %dma_start3A_198 = arith.constant 0 : i32
        %dma_start3A_199 = tpu.memref_slice %arg2[%dma_start3A_191, %dma_start3A_192, %dma_start3A_197, %dma_start3A_198, %mul3A_150] : memref<3x3x3x3x500000xf32, #tpu.memory_space<hbm>> -> memref<1x1x2x3x384xf32, #tpu.memory_space<hbm>>
        %dma_start3A_200 = tpu.memref_squeeze %dma_start3A_199 : memref<1x1x2x3x384xf32, #tpu.memory_space<hbm>> -> memref<2x3x384xf32, #tpu.memory_space<hbm>>
        tpu.enqueue_dma source(%dma_start3A_200 : memref<2x3x384xf32, #tpu.memory_space<hbm>>) target(%arg8 : memref<2x3x384xf32, #tpu.memory_space<vmem>>) target_semaphore(%arg18 : memref<!tpu.dma_semaphore, #tpu.memory_space<semaphore_mem>>)
        %dma_start3A_201 = arith.constant 2 : i32
        %dma_start3A_202 = arith.constant 2 : i32
        %dma_start3A_203 = arith.constant 0 : i32
        %dma_start3A_204 = arith.constant 0 : i32
        %dma_start3A_205 = tpu.memref_slice %arg2[%dma_start3A_201, %dma_start3A_202, %dma_start3A_203, %dma_start3A_204, %mul3A_150] : memref<3x3x3x3x500000xf32, #tpu.memory_space<hbm>> -> memref<1x1x3x3x384xf32, #tpu.memory_space<hbm>>
        %dma_start3A_206 = tpu.memref_squeeze %dma_start3A_205 : memref<1x1x3x3x384xf32, #tpu.memory_space<hbm>> -> memref<3x3x384xf32, #tpu.memory_space<hbm>>
        %dma_start3A_207 = arith.constant 0 : i32
        %dma_start3A_208 = arith.constant 0 : i32
        %dma_start3A_209 = tpu.memref_slice %arg2[%dma_start3A_201, %dma_start3A_202, %dma_start3A_207, %dma_start3A_208, %mul3A_150] : memref<3x3x3x3x500000xf32, #tpu.memory_space<hbm>> -> memref<1x1x3x3x384xf32, #tpu.memory_space<hbm>>
        %dma_start3A_210 = tpu.memref_squeeze %dma_start3A_209 : memref<1x1x3x3x384xf32, #tpu.memory_space<hbm>> -> memref<3x3x384xf32, #tpu.memory_space<hbm>>
        tpu.enqueue_dma source(%dma_start3A_210 : memref<3x3x384xf32, #tpu.memory_space<hbm>>) target(%arg9 : memref<3x3x384xf32, #tpu.memory_space<vmem>>) target_semaphore(%arg18 : memref<!tpu.dma_semaphore, #tpu.memory_space<semaphore_mem>>)
      } else {
      }
      %ge3A_134 = arith.constant 2 : i32
      %ge3A_135 = arith.cmpi sge, %add3A_115, %ge3A_134 : i32
      %and3A_136 = arith.andi %lt3A_120, %ge3A_135 : i1
      %convert_element_type3A_137 = arith.extui %and3A_136 : i1 to i32
      %cond3A_138 = arith.constant 0 : i32
      %cond3A_139 = arith.cmpi ne, %convert_element_type3A_137, %cond3A_138 : i32
      scf.if %cond3A_139 {
        %sub3A = arith.constant 2 : i32
        %sub3A_144 = arith.subi %add3A_115, %sub3A : i32
        %mul3A_145 = arith.constant 32 : i32
        %mul3A_146 = arith.muli %sub3A_144, %mul3A_145 : i32
        %add3A_147 = arith.addi %add3A, %mul3A_146 : i32
        %mul3A_148 = arith.constant 384 : i32
        %mul3A_149 = arith.muli %add3A_147, %mul3A_148 : i32
        %dma_wait3A = arith.constant 0 : i32
        %dma_wait3A_150 = arith.constant 0 : i32
        %dma_wait3A_151 = tpu.memref_slice %arg3[%dma_wait3A, %dma_wait3A_150, %mul3A_149] : memref<6x6x500000xf32, #tpu.memory_space<hbm>> -> memref<6x6x384xf32, #tpu.memory_space<hbm>>
        %dma_wait3A_152 = arith.constant 0 : i32
        %dma_wait3A_153 = arith.constant 0 : i32
        %dma_wait3A_154 = tpu.memref_slice %arg3[%dma_wait3A_152, %dma_wait3A_153, %mul3A_149] : memref<6x6x500000xf32, #tpu.memory_space<hbm>> -> memref<6x6x384xf32, #tpu.memory_space<hbm>>
        tpu.wait_dma2 semaphore(%arg21 : memref<!tpu.dma_semaphore, #tpu.memory_space<semaphore_mem>>) src(%arg17 : memref<6x6x384xf32, #tpu.memory_space<vmem>>) dst(%dma_wait3A_154 : memref<6x6x384xf32, #tpu.memory_space<hbm>>)
      } else {
      }
      %convert_element_type3A_140 = arith.extui %lt3A_120 : i1 to i32
      %cond3A_141 = arith.constant 0 : i32
      %cond3A_142 = arith.cmpi ne, %convert_element_type3A_140, %cond3A_141 : i32
      scf.if %cond3A_142 {
        %parallel_loop3A = arith.constant 0 : i32
        %parallel_loop3A_144 = arith.constant 24 : i32
        %parallel_loop3A_145 = arith.constant 1 : i32
        scf.for %parallel_loop3A_157 = %parallel_loop3A to %parallel_loop3A_144 step %parallel_loop3A_145  : i32 {
          %parallel_loop3A_158 = arith.constant 16 : i32
          %parallel_loop3A_159 = arith.muli %parallel_loop3A_157, %parallel_loop3A_158 : i32
          %parallel_loop3A_160 = arith.constant 0 : i32
          %parallel_loop3A_161 = arith.constant 0 : i32
          %parallel_loop3A_162 = arith.index_cast %parallel_loop3A_160 : i32 to index
          %parallel_loop3A_163 = arith.index_cast %parallel_loop3A_161 : i32 to index
          %parallel_loop3A_164 = arith.index_cast %parallel_loop3A_159 : i32 to index
          %parallel_loop3A_165 = tpu.vector_load %arg10[%parallel_loop3A_162, %parallel_loop3A_163, %parallel_loop3A_164] {strides = array<i32>} : memref<3x3x384xf32, #tpu.memory_space<vmem>>, vector<16xf32>,
          %parallel_loop3A_166 = arith.constant 1 : i32
          %parallel_loop3A_167 = arith.constant 1 : i32
          %parallel_loop3A_168 = arith.index_cast %parallel_loop3A_166 : i32 to index
          %parallel_loop3A_169 = arith.index_cast %parallel_loop3A_167 : i32 to index
          %parallel_loop3A_170 = arith.index_cast %parallel_loop3A_159 : i32 to index
          %parallel_loop3A_171 = tpu.vector_load %arg10[%parallel_loop3A_168, %parallel_loop3A_169, %parallel_loop3A_170] {strides = array<i32>} : memref<3x3x384xf32, #tpu.memory_space<vmem>>, vector<16xf32>,
          %parallel_loop3A_172 = arith.constant 2 : i32
          %parallel_loop3A_173 = arith.constant 2 : i32
          %parallel_loop3A_174 = arith.index_cast %parallel_loop3A_172 : i32 to index
          %parallel_loop3A_175 = arith.index_cast %parallel_loop3A_173 : i32 to index
          %parallel_loop3A_176 = arith.index_cast %parallel_loop3A_159 : i32 to index
          %parallel_loop3A_177 = tpu.vector_load %arg10[%parallel_loop3A_174, %parallel_loop3A_175, %parallel_loop3A_176] {strides = array<i32>} : memref<3x3x384xf32, #tpu.memory_space<vmem>>, vector<16xf32>,
          %parallel_loop3A_178 = arith.constant 1 : i32
          %parallel_loop3A_179 = arith.constant 2 : i32
          %parallel_loop3A_180 = arith.index_cast %parallel_loop3A_178 : i32 to index
          %parallel_loop3A_181 = arith.index_cast %parallel_loop3A_179 : i32 to index
          %parallel_loop3A_182 = arith.index_cast %parallel_loop3A_159 : i32 to index
          %parallel_loop3A_183 = tpu.vector_load %arg10[%parallel_loop3A_180, %parallel_loop3A_181, %parallel_loop3A_182] {strides = array<i32>} : memref<3x3x384xf32, #tpu.memory_space<vmem>>, vector<16xf32>,
          %parallel_loop3A_184 = arith.constant 1.41421354 : f32
          %parallel_loop3A_185 = vector.broadcast %parallel_loop3A_184 : f32 to vector<16xf32>
          %parallel_loop3A_186 = arith.mulf %parallel_loop3A_183, %parallel_loop3A_185 : vector<16xf32>
          %parallel_loop3A_187 = arith.constant 0 : i32
          %parallel_loop3A_188 = arith.constant 2 : i32
          %parallel_loop3A_189 = arith.index_cast %parallel_loop3A_187 : i32 to index
          %parallel_loop3A_190 = arith.index_cast %parallel_loop3A_188 : i32 to index
          %parallel_loop3A_191 = arith.index_cast %parallel_loop3A_159 : i32 to index
          %parallel_loop3A_192 = tpu.vector_load %arg10[%parallel_loop3A_189, %parallel_loop3A_190, %parallel_loop3A_191] {strides = array<i32>} : memref<3x3x384xf32, #tpu.memory_space<vmem>>, vector<16xf32>,
          %parallel_loop3A_193 = arith.constant 1.41421354 : f32
          %parallel_loop3A_194 = vector.broadcast %parallel_loop3A_193 : f32 to vector<16xf32>
          %parallel_loop3A_195 = arith.mulf %parallel_loop3A_192, %parallel_loop3A_194 : vector<16xf32>
          %parallel_loop3A_196 = arith.constant 0 : i32
          %parallel_loop3A_197 = arith.constant 1 : i32
          %parallel_loop3A_198 = arith.index_cast %parallel_loop3A_196 : i32 to index
          %parallel_loop3A_199 = arith.index_cast %parallel_loop3A_197 : i32 to index
          %parallel_loop3A_200 = arith.index_cast %parallel_loop3A_159 : i32 to index
          %parallel_loop3A_201 = tpu.vector_load %arg10[%parallel_loop3A_198, %parallel_loop3A_199, %parallel_loop3A_200] {strides = array<i32>} : memref<3x3x384xf32, #tpu.memory_space<vmem>>, vector<16xf32>,
          %parallel_loop3A_202 = arith.constant 1.41421354 : f32
          %parallel_loop3A_203 = vector.broadcast %parallel_loop3A_202 : f32 to vector<16xf32>
          %parallel_loop3A_204 = arith.mulf %parallel_loop3A_201, %parallel_loop3A_203 : vector<16xf32>
          %parallel_loop3A_205 = arith.constant 1 : i32
          %parallel_loop3A_206 = arith.constant 1 : i32
          %parallel_loop3A_207 = arith.index_cast %parallel_loop3A_205 : i32 to index
          %parallel_loop3A_208 = arith.index_cast %parallel_loop3A_206 : i32 to index
          %parallel_loop3A_209 = arith.index_cast %parallel_loop3A_159 : i32 to index
          %parallel_loop3A_210 = tpu.vector_load %arg13[%parallel_loop3A_207, %parallel_loop3A_208, %parallel_loop3A_209] {strides = array<i32>} : memref<3x3x384xf32, #tpu.memory_space<vmem>>, vector<16xf32>,
          %parallel_loop3A_211 = arith.constant 2 : i32
          %parallel_loop3A_212 = arith.constant 2 : i32
          %parallel_loop3A_213 = arith.index_cast %parallel_loop3A_211 : i32 to index
          %parallel_loop3A_214 = arith.index_cast %parallel_loop3A_212 : i32 to index
          %parallel_loop3A_215 = arith.index_cast %parallel_loop3A_159 : i32 to index
          %parallel_loop3A_216 = tpu.vector_load %arg13[%parallel_loop3A_213, %parallel_loop3A_214, %parallel_loop3A_215] {strides = array<i32>} : memref<3x3x384xf32, #tpu.memory_space<vmem>>, vector<16xf32>,
          %parallel_loop3A_217 = arith.constant 1 : i32
          %parallel_loop3A_218 = arith.constant 2 : i32
          %parallel_loop3A_219 = arith.index_cast %parallel_loop3A_217 : i32 to index
          %parallel_loop3A_220 = arith.index_cast %parallel_loop3A_218 : i32 to index
          %parallel_loop3A_221 = arith.index_cast %parallel_loop3A_159 : i32 to index
          %parallel_loop3A_222 = tpu.vector_load %arg13[%parallel_loop3A_219, %parallel_loop3A_220, %parallel_loop3A_221] {strides = array<i32>} : memref<3x3x384xf32, #tpu.memory_space<vmem>>, vector<16xf32>,
          %parallel_loop3A_223 = arith.constant 1.41421354 : f32
          %parallel_loop3A_224 = vector.broadcast %parallel_loop3A_223 : f32 to vector<16xf32>
          %parallel_loop3A_225 = arith.mulf %parallel_loop3A_222, %parallel_loop3A_224 : vector<16xf32>
          %parallel_loop3A_226 = arith.constant 0 : i32
          %parallel_loop3A_227 = arith.constant 2 : i32
          %parallel_loop3A_228 = arith.index_cast %parallel_loop3A_226 : i32 to index
          %parallel_loop3A_229 = arith.index_cast %parallel_loop3A_227 : i32 to index
          %parallel_loop3A_230 = arith.index_cast %parallel_loop3A_159 : i32 to index
          %parallel_loop3A_231 = tpu.vector_load %arg13[%parallel_loop3A_228, %parallel_loop3A_229, %parallel_loop3A_230] {strides = array<i32>} : memref<3x3x384xf32, #tpu.memory_space<vmem>>, vector<16xf32>,
          %parallel_loop3A_232 = arith.constant 1.41421354 : f32
          %parallel_loop3A_233 = vector.broadcast %parallel_loop3A_232 : f32 to vector<16xf32>
          %parallel_loop3A_234 = arith.mulf %parallel_loop3A_231, %parallel_loop3A_233 : vector<16xf32>
          %parallel_loop3A_235 = arith.constant 0 : i32
          %parallel_loop3A_236 = arith.constant 1 : i32
          %parallel_loop3A_237 = arith.index_cast %parallel_loop3A_235 : i32 to index
          %parallel_loop3A_238 = arith.index_cast %parallel_loop3A_236 : i32 to index
          %parallel_loop3A_239 = arith.index_cast %parallel_loop3A_159 : i32 to index
          %parallel_loop3A_240 = tpu.vector_load %arg13[%parallel_loop3A_237, %parallel_loop3A_238, %parallel_loop3A_239] {strides = array<i32>} : memref<3x3x384xf32, #tpu.memory_space<vmem>>, vector<16xf32>,
          %parallel_loop3A_241 = arith.constant 1.41421354 : f32
          %parallel_loop3A_242 = vector.broadcast %parallel_loop3A_241 : f32 to vector<16xf32>
          %parallel_loop3A_243 = arith.mulf %parallel_loop3A_240, %parallel_loop3A_242 : vector<16xf32>
          %parallel_loop3A_244 = arith.constant 2 : i32
          %parallel_loop3A_245 = arith.constant 2 : i32
          %parallel_loop3A_246 = arith.index_cast %parallel_loop3A_244 : i32 to index
          %parallel_loop3A_247 = arith.index_cast %parallel_loop3A_245 : i32 to index
          %parallel_loop3A_248 = arith.index_cast %parallel_loop3A_159 : i32 to index
          %parallel_loop3A_249 = tpu.vector_load %arg15[%parallel_loop3A_246, %parallel_loop3A_247, %parallel_loop3A_248] {strides = array<i32>} : memref<3x3x384xf32, #tpu.memory_space<vmem>>, vector<16xf32>,
          %parallel_loop3A_250 = arith.constant 1 : i32
          %parallel_loop3A_251 = arith.constant 2 : i32
          %parallel_loop3A_252 = arith.index_cast %parallel_loop3A_250 : i32 to index
          %parallel_loop3A_253 = arith.index_cast %parallel_loop3A_251 : i32 to index
          %parallel_loop3A_254 = arith.index_cast %parallel_loop3A_159 : i32 to index
          %parallel_loop3A_255 = tpu.vector_load %arg15[%parallel_loop3A_252, %parallel_loop3A_253, %parallel_loop3A_254] {strides = array<i32>} : memref<3x3x384xf32, #tpu.memory_space<vmem>>, vector<16xf32>,
          %parallel_loop3A_256 = arith.constant 1.41421354 : f32
          %parallel_loop3A_257 = vector.broadcast %parallel_loop3A_256 : f32 to vector<16xf32>
          %parallel_loop3A_258 = arith.mulf %parallel_loop3A_255, %parallel_loop3A_257 : vector<16xf32>
          %parallel_loop3A_259 = arith.constant 0 : i32
          %parallel_loop3A_260 = arith.constant 2 : i32
          %parallel_loop3A_261 = arith.index_cast %parallel_loop3A_259 : i32 to index
          %parallel_loop3A_262 = arith.index_cast %parallel_loop3A_260 : i32 to index
          %parallel_loop3A_263 = arith.index_cast %parallel_loop3A_159 : i32 to index
          %parallel_loop3A_264 = tpu.vector_load %arg15[%parallel_loop3A_261, %parallel_loop3A_262, %parallel_loop3A_263] {strides = array<i32>} : memref<3x3x384xf32, #tpu.memory_space<vmem>>, vector<16xf32>,
          %parallel_loop3A_265 = arith.constant 1.41421354 : f32
          %parallel_loop3A_266 = vector.broadcast %parallel_loop3A_265 : f32 to vector<16xf32>
          %parallel_loop3A_267 = arith.mulf %parallel_loop3A_264, %parallel_loop3A_266 : vector<16xf32>
          %parallel_loop3A_268 = arith.constant 0 : i32
          %parallel_loop3A_269 = arith.constant 1 : i32
          %parallel_loop3A_270 = arith.index_cast %parallel_loop3A_268 : i32 to index
          %parallel_loop3A_271 = arith.index_cast %parallel_loop3A_269 : i32 to index
          %parallel_loop3A_272 = arith.index_cast %parallel_loop3A_159 : i32 to index
          %parallel_loop3A_273 = tpu.vector_load %arg15[%parallel_loop3A_270, %parallel_loop3A_271, %parallel_loop3A_272] {strides = array<i32>} : memref<3x3x384xf32, #tpu.memory_space<vmem>>, vector<16xf32>,
          %parallel_loop3A_274 = arith.constant 1.41421354 : f32
          %parallel_loop3A_275 = vector.broadcast %parallel_loop3A_274 : f32 to vector<16xf32>
          %parallel_loop3A_276 = arith.mulf %parallel_loop3A_273, %parallel_loop3A_275 : vector<16xf32>
          %parallel_loop3A_277 = arith.constant 1 : i32
          %parallel_loop3A_278 = arith.constant 2 : i32
          %parallel_loop3A_279 = arith.index_cast %parallel_loop3A_277 : i32 to index
          %parallel_loop3A_280 = arith.index_cast %parallel_loop3A_278 : i32 to index
          %parallel_loop3A_281 = arith.index_cast %parallel_loop3A_159 : i32 to index
          %parallel_loop3A_282 = tpu.vector_load %arg14[%parallel_loop3A_279, %parallel_loop3A_280, %parallel_loop3A_281] {strides = array<i32>} : memref<2x3x384xf32, #tpu.memory_space<vmem>>, vector<16xf32>,
          %parallel_loop3A_283 = arith.constant 2.000000e+00 : f32
          %parallel_loop3A_284 = vector.broadcast %parallel_loop3A_283 : f32 to vector<16xf32>
          %parallel_loop3A_285 = arith.mulf %parallel_loop3A_282, %parallel_loop3A_284 : vector<16xf32>
          %parallel_loop3A_286 = arith.constant 0 : i32
          %parallel_loop3A_287 = arith.constant 2 : i32
          %parallel_loop3A_288 = arith.index_cast %parallel_loop3A_286 : i32 to index
          %parallel_loop3A_289 = arith.index_cast %parallel_loop3A_287 : i32 to index
          %parallel_loop3A_290 = arith.index_cast %parallel_loop3A_159 : i32 to index
          %parallel_loop3A_291 = tpu.vector_load %arg14[%parallel_loop3A_288, %parallel_loop3A_289, %parallel_loop3A_290] {strides = array<i32>} : memref<2x3x384xf32, #tpu.memory_space<vmem>>, vector<16xf32>,
          %parallel_loop3A_292 = arith.constant 2.000000e+00 : f32
          %parallel_loop3A_293 = vector.broadcast %parallel_loop3A_292 : f32 to vector<16xf32>
          %parallel_loop3A_294 = arith.mulf %parallel_loop3A_291, %parallel_loop3A_293 : vector<16xf32>
          %parallel_loop3A_295 = arith.constant 0 : i32
          %parallel_loop3A_296 = arith.constant 1 : i32
          %parallel_loop3A_297 = arith.index_cast %parallel_loop3A_295 : i32 to index
          %parallel_loop3A_298 = arith.index_cast %parallel_loop3A_296 : i32 to index
          %parallel_loop3A_299 = arith.index_cast %parallel_loop3A_159 : i32 to index
          %parallel_loop3A_300 = tpu.vector_load %arg14[%parallel_loop3A_297, %parallel_loop3A_298, %parallel_loop3A_299] {strides = array<i32>} : memref<2x3x384xf32, #tpu.memory_space<vmem>>, vector<16xf32>,
          %parallel_loop3A_301 = arith.constant 2.000000e+00 : f32
          %parallel_loop3A_302 = vector.broadcast %parallel_loop3A_301 : f32 to vector<16xf32>
          %parallel_loop3A_303 = arith.mulf %parallel_loop3A_300, %parallel_loop3A_302 : vector<16xf32>
          %parallel_loop3A_304 = arith.constant 0 : i32
          %parallel_loop3A_305 = arith.constant 2 : i32
          %parallel_loop3A_306 = arith.index_cast %parallel_loop3A_304 : i32 to index
          %parallel_loop3A_307 = arith.index_cast %parallel_loop3A_305 : i32 to index
          %parallel_loop3A_308 = arith.index_cast %parallel_loop3A_159 : i32 to index
          %parallel_loop3A_309 = tpu.vector_load %arg12[%parallel_loop3A_306, %parallel_loop3A_307, %parallel_loop3A_308] {strides = array<i32>} : memref<1x3x384xf32, #tpu.memory_space<vmem>>, vector<16xf32>,
          %parallel_loop3A_310 = arith.constant 2.000000e+00 : f32
          %parallel_loop3A_311 = vector.broadcast %parallel_loop3A_310 : f32 to vector<16xf32>
          %parallel_loop3A_312 = arith.mulf %parallel_loop3A_309, %parallel_loop3A_311 : vector<16xf32>
          %parallel_loop3A_313 = arith.constant 0 : i32
          %parallel_loop3A_314 = arith.constant 1 : i32
          %parallel_loop3A_315 = arith.index_cast %parallel_loop3A_313 : i32 to index
          %parallel_loop3A_316 = arith.index_cast %parallel_loop3A_314 : i32 to index
          %parallel_loop3A_317 = arith.index_cast %parallel_loop3A_159 : i32 to index
          %parallel_loop3A_318 = tpu.vector_load %arg12[%parallel_loop3A_315, %parallel_loop3A_316, %parallel_loop3A_317] {strides = array<i32>} : memref<1x3x384xf32, #tpu.memory_space<vmem>>, vector<16xf32>,
          %parallel_loop3A_319 = arith.constant 2.000000e+00 : f32
          %parallel_loop3A_320 = vector.broadcast %parallel_loop3A_319 : f32 to vector<16xf32>
          %parallel_loop3A_321 = arith.mulf %parallel_loop3A_318, %parallel_loop3A_320 : vector<16xf32>
          %parallel_loop3A_322 = arith.constant 0 : i32
          %parallel_loop3A_323 = arith.constant 1 : i32
          %parallel_loop3A_324 = arith.index_cast %parallel_loop3A_322 : i32 to index
          %parallel_loop3A_325 = arith.index_cast %parallel_loop3A_323 : i32 to index
          %parallel_loop3A_326 = arith.index_cast %parallel_loop3A_159 : i32 to index
          %parallel_loop3A_327 = tpu.vector_load %arg11[%parallel_loop3A_324, %parallel_loop3A_325, %parallel_loop3A_326] {strides = array<i32>} : memref<1x3x384xf32, #tpu.memory_space<vmem>>, vector<16xf32>,
          %parallel_loop3A_328 = arith.constant 2.000000e+00 : f32
          %parallel_loop3A_329 = vector.broadcast %parallel_loop3A_328 : f32 to vector<16xf32>
          %parallel_loop3A_330 = arith.mulf %parallel_loop3A_327, %parallel_loop3A_329 : vector<16xf32>
          %parallel_loop3A_331 = arith.constant 0 : i32
          %parallel_loop3A_332 = arith.constant 0 : i32
          %parallel_loop3A_333 = arith.index_cast %parallel_loop3A_331 : i32 to index
          %parallel_loop3A_334 = arith.index_cast %parallel_loop3A_332 : i32 to index
          %parallel_loop3A_335 = arith.index_cast %parallel_loop3A_159 : i32 to index
          %parallel_loop3A_336 = tpu.vector_load %arg17[%parallel_loop3A_333, %parallel_loop3A_334, %parallel_loop3A_335] {strides = array<i32>} : memref<6x6x384xf32, #tpu.memory_space<vmem>>, vector<16xf32>,
          tpu.vector_store %arg17[%parallel_loop3A_333, %parallel_loop3A_334, %parallel_loop3A_335], %parallel_loop3A_165 {strides = array<i32>} : memref<6x6x384xf32, #tpu.memory_space<vmem>>, vector<16xf32>,
          %parallel_loop3A_337 = arith.constant 0 : i32
          %parallel_loop3A_338 = arith.constant 1 : i32
          %parallel_loop3A_339 = arith.index_cast %parallel_loop3A_337 : i32 to index
          %parallel_loop3A_340 = arith.index_cast %parallel_loop3A_338 : i32 to index
          %parallel_loop3A_341 = arith.index_cast %parallel_loop3A_159 : i32 to index
          %parallel_loop3A_342 = tpu.vector_load %arg17[%parallel_loop3A_339, %parallel_loop3A_340, %parallel_loop3A_341] {strides = array<i32>} : memref<6x6x384xf32, #tpu.memory_space<vmem>>, vector<16xf32>,
          tpu.vector_store %arg17[%parallel_loop3A_339, %parallel_loop3A_340, %parallel_loop3A_341], %parallel_loop3A_171 {strides = array<i32>} : memref<6x6x384xf32, #tpu.memory_space<vmem>>, vector<16xf32>,
          %parallel_loop3A_343 = arith.constant 0 : i32
          %parallel_loop3A_344 = arith.constant 2 : i32
          %parallel_loop3A_345 = arith.index_cast %parallel_loop3A_343 : i32 to index
          %parallel_loop3A_346 = arith.index_cast %parallel_loop3A_344 : i32 to index
          %parallel_loop3A_347 = arith.index_cast %parallel_loop3A_159 : i32 to index
          %parallel_loop3A_348 = tpu.vector_load %arg17[%parallel_loop3A_345, %parallel_loop3A_346, %parallel_loop3A_347] {strides = array<i32>} : memref<6x6x384xf32, #tpu.memory_space<vmem>>, vector<16xf32>,
          tpu.vector_store %arg17[%parallel_loop3A_345, %parallel_loop3A_346, %parallel_loop3A_347], %parallel_loop3A_177 {strides = array<i32>} : memref<6x6x384xf32, #tpu.memory_space<vmem>>, vector<16xf32>,
          %parallel_loop3A_349 = arith.constant 0 : i32
          %parallel_loop3A_350 = arith.constant 3 : i32
          %parallel_loop3A_351 = arith.index_cast %parallel_loop3A_349 : i32 to index
          %parallel_loop3A_352 = arith.index_cast %parallel_loop3A_350 : i32 to index
          %parallel_loop3A_353 = arith.index_cast %parallel_loop3A_159 : i32 to index
          %parallel_loop3A_354 = tpu.vector_load %arg17[%parallel_loop3A_351, %parallel_loop3A_352, %parallel_loop3A_353] {strides = array<i32>} : memref<6x6x384xf32, #tpu.memory_space<vmem>>, vector<16xf32>,
          tpu.vector_store %arg17[%parallel_loop3A_351, %parallel_loop3A_352, %parallel_loop3A_353], %parallel_loop3A_186 {strides = array<i32>} : memref<6x6x384xf32, #tpu.memory_space<vmem>>, vector<16xf32>,
          %parallel_loop3A_355 = arith.constant 0 : i32
          %parallel_loop3A_356 = arith.constant 4 : i32
          %parallel_loop3A_357 = arith.index_cast %parallel_loop3A_355 : i32 to index
          %parallel_loop3A_358 = arith.index_cast %parallel_loop3A_356 : i32 to index
          %parallel_loop3A_359 = arith.index_cast %parallel_loop3A_159 : i32 to index
          %parallel_loop3A_360 = tpu.vector_load %arg17[%parallel_loop3A_357, %parallel_loop3A_358, %parallel_loop3A_359] {strides = array<i32>} : memref<6x6x384xf32, #tpu.memory_space<vmem>>, vector<16xf32>,
          tpu.vector_store %arg17[%parallel_loop3A_357, %parallel_loop3A_358, %parallel_loop3A_359], %parallel_loop3A_195 {strides = array<i32>} : memref<6x6x384xf32, #tpu.memory_space<vmem>>, vector<16xf32>,
          %parallel_loop3A_361 = arith.constant 0 : i32
          %parallel_loop3A_362 = arith.constant 5 : i32
          %parallel_loop3A_363 = arith.index_cast %parallel_loop3A_361 : i32 to index
          %parallel_loop3A_364 = arith.index_cast %parallel_loop3A_362 : i32 to index
          %parallel_loop3A_365 = arith.index_cast %parallel_loop3A_159 : i32 to index
          %parallel_loop3A_366 = tpu.vector_load %arg17[%parallel_loop3A_363, %parallel_loop3A_364, %parallel_loop3A_365] {strides = array<i32>} : memref<6x6x384xf32, #tpu.memory_space<vmem>>, vector<16xf32>,
          tpu.vector_store %arg17[%parallel_loop3A_363, %parallel_loop3A_364, %parallel_loop3A_365], %parallel_loop3A_204 {strides = array<i32>} : memref<6x6x384xf32, #tpu.memory_space<vmem>>, vector<16xf32>,
          %parallel_loop3A_367 = arith.constant 1 : i32
          %parallel_loop3A_368 = arith.constant 0 : i32
          %parallel_loop3A_369 = arith.index_cast %parallel_loop3A_367 : i32 to index
          %parallel_loop3A_370 = arith.index_cast %parallel_loop3A_368 : i32 to index
          %parallel_loop3A_371 = arith.index_cast %parallel_loop3A_159 : i32 to index
          %parallel_loop3A_372 = tpu.vector_load %arg17[%parallel_loop3A_369, %parallel_loop3A_370, %parallel_loop3A_371] {strides = array<i32>} : memref<6x6x384xf32, #tpu.memory_space<vmem>>, vector<16xf32>,
          tpu.vector_store %arg17[%parallel_loop3A_369, %parallel_loop3A_370, %parallel_loop3A_371], %parallel_loop3A_171 {strides = array<i32>} : memref<6x6x384xf32, #tpu.memory_space<vmem>>, vector<16xf32>,
          %parallel_loop3A_373 = arith.constant 1 : i32
          %parallel_loop3A_374 = arith.constant 1 : i32
          %parallel_loop3A_375 = arith.index_cast %parallel_loop3A_373 : i32 to index
          %parallel_loop3A_376 = arith.index_cast %parallel_loop3A_374 : i32 to index
          %parallel_loop3A_377 = arith.index_cast %parallel_loop3A_159 : i32 to index
          %parallel_loop3A_378 = tpu.vector_load %arg17[%parallel_loop3A_375, %parallel_loop3A_376, %parallel_loop3A_377] {strides = array<i32>} : memref<6x6x384xf32, #tpu.memory_space<vmem>>, vector<16xf32>,
          tpu.vector_store %arg17[%parallel_loop3A_375, %parallel_loop3A_376, %parallel_loop3A_377], %parallel_loop3A_210 {strides = array<i32>} : memref<6x6x384xf32, #tpu.memory_space<vmem>>, vector<16xf32>,
          %parallel_loop3A_379 = arith.constant 1 : i32
          %parallel_loop3A_380 = arith.constant 2 : i32
          %parallel_loop3A_381 = arith.index_cast %parallel_loop3A_379 : i32 to index
          %parallel_loop3A_382 = arith.index_cast %parallel_loop3A_380 : i32 to index
          %parallel_loop3A_383 = arith.index_cast %parallel_loop3A_159 : i32 to index
          %parallel_loop3A_384 = tpu.vector_load %arg17[%parallel_loop3A_381, %parallel_loop3A_382, %parallel_loop3A_383] {strides = array<i32>} : memref<6x6x384xf32, #tpu.memory_space<vmem>>, vector<16xf32>,
          tpu.vector_store %arg17[%parallel_loop3A_381, %parallel_loop3A_382, %parallel_loop3A_383], %parallel_loop3A_216 {strides = array<i32>} : memref<6x6x384xf32, #tpu.memory_space<vmem>>, vector<16xf32>,
          %parallel_loop3A_385 = arith.constant 1 : i32
          %parallel_loop3A_386 = arith.constant 3 : i32
          %parallel_loop3A_387 = arith.index_cast %parallel_loop3A_385 : i32 to index
          %parallel_loop3A_388 = arith.index_cast %parallel_loop3A_386 : i32 to index
          %parallel_loop3A_389 = arith.index_cast %parallel_loop3A_159 : i32 to index
          %parallel_loop3A_390 = tpu.vector_load %arg17[%parallel_loop3A_387, %parallel_loop3A_388, %parallel_loop3A_389] {strides = array<i32>} : memref<6x6x384xf32, #tpu.memory_space<vmem>>, vector<16xf32>,
          tpu.vector_store %arg17[%parallel_loop3A_387, %parallel_loop3A_388, %parallel_loop3A_389], %parallel_loop3A_225 {strides = array<i32>} : memref<6x6x384xf32, #tpu.memory_space<vmem>>, vector<16xf32>,
          %parallel_loop3A_391 = arith.constant 1 : i32
          %parallel_loop3A_392 = arith.constant 4 : i32
          %parallel_loop3A_393 = arith.index_cast %parallel_loop3A_391 : i32 to index
          %parallel_loop3A_394 = arith.index_cast %parallel_loop3A_392 : i32 to index
          %parallel_loop3A_395 = arith.index_cast %parallel_loop3A_159 : i32 to index
          %parallel_loop3A_396 = tpu.vector_load %arg17[%parallel_loop3A_393, %parallel_loop3A_394, %parallel_loop3A_395] {strides = array<i32>} : memref<6x6x384xf32, #tpu.memory_space<vmem>>, vector<16xf32>,
          tpu.vector_store %arg17[%parallel_loop3A_393, %parallel_loop3A_394, %parallel_loop3A_395], %parallel_loop3A_234 {strides = array<i32>} : memref<6x6x384xf32, #tpu.memory_space<vmem>>, vector<16xf32>,
          %parallel_loop3A_397 = arith.constant 1 : i32
          %parallel_loop3A_398 = arith.constant 5 : i32
          %parallel_loop3A_399 = arith.index_cast %parallel_loop3A_397 : i32 to index
          %parallel_loop3A_400 = arith.index_cast %parallel_loop3A_398 : i32 to index
          %parallel_loop3A_401 = arith.index_cast %parallel_loop3A_159 : i32 to index
          %parallel_loop3A_402 = tpu.vector_load %arg17[%parallel_loop3A_399, %parallel_loop3A_400, %parallel_loop3A_401] {strides = array<i32>} : memref<6x6x384xf32, #tpu.memory_space<vmem>>, vector<16xf32>,
          tpu.vector_store %arg17[%parallel_loop3A_399, %parallel_loop3A_400, %parallel_loop3A_401], %parallel_loop3A_243 {strides = array<i32>} : memref<6x6x384xf32, #tpu.memory_space<vmem>>, vector<16xf32>,
          %parallel_loop3A_403 = arith.constant 2 : i32
          %parallel_loop3A_404 = arith.constant 0 : i32
          %parallel_loop3A_405 = arith.index_cast %parallel_loop3A_403 : i32 to index
          %parallel_loop3A_406 = arith.index_cast %parallel_loop3A_404 : i32 to index
          %parallel_loop3A_407 = arith.index_cast %parallel_loop3A_159 : i32 to index
          %parallel_loop3A_408 = tpu.vector_load %arg17[%parallel_loop3A_405, %parallel_loop3A_406, %parallel_loop3A_407] {strides = array<i32>} : memref<6x6x384xf32, #tpu.memory_space<vmem>>, vector<16xf32>,
          tpu.vector_store %arg17[%parallel_loop3A_405, %parallel_loop3A_406, %parallel_loop3A_407], %parallel_loop3A_177 {strides = array<i32>} : memref<6x6x384xf32, #tpu.memory_space<vmem>>, vector<16xf32>,
          %parallel_loop3A_409 = arith.constant 2 : i32
          %parallel_loop3A_410 = arith.constant 1 : i32
          %parallel_loop3A_411 = arith.index_cast %parallel_loop3A_409 : i32 to index
          %parallel_loop3A_412 = arith.index_cast %parallel_loop3A_410 : i32 to index
          %parallel_loop3A_413 = arith.index_cast %parallel_loop3A_159 : i32 to index
          %parallel_loop3A_414 = tpu.vector_load %arg17[%parallel_loop3A_411, %parallel_loop3A_412, %parallel_loop3A_413] {strides = array<i32>} : memref<6x6x384xf32, #tpu.memory_space<vmem>>, vector<16xf32>,
          tpu.vector_store %arg17[%parallel_loop3A_411, %parallel_loop3A_412, %parallel_loop3A_413], %parallel_loop3A_216 {strides = array<i32>} : memref<6x6x384xf32, #tpu.memory_space<vmem>>, vector<16xf32>,
          %parallel_loop3A_415 = arith.constant 2 : i32
          %parallel_loop3A_416 = arith.constant 2 : i32
          %parallel_loop3A_417 = arith.index_cast %parallel_loop3A_415 : i32 to index
          %parallel_loop3A_418 = arith.index_cast %parallel_loop3A_416 : i32 to index
          %parallel_loop3A_419 = arith.index_cast %parallel_loop3A_159 : i32 to index
          %parallel_loop3A_420 = tpu.vector_load %arg17[%parallel_loop3A_417, %parallel_loop3A_418, %parallel_loop3A_419] {strides = array<i32>} : memref<6x6x384xf32, #tpu.memory_space<vmem>>, vector<16xf32>,
          tpu.vector_store %arg17[%parallel_loop3A_417, %parallel_loop3A_418, %parallel_loop3A_419], %parallel_loop3A_249 {strides = array<i32>} : memref<6x6x384xf32, #tpu.memory_space<vmem>>, vector<16xf32>,
          %parallel_loop3A_421 = arith.constant 2 : i32
          %parallel_loop3A_422 = arith.constant 3 : i32
          %parallel_loop3A_423 = arith.index_cast %parallel_loop3A_421 : i32 to index
          %parallel_loop3A_424 = arith.index_cast %parallel_loop3A_422 : i32 to index
          %parallel_loop3A_425 = arith.index_cast %parallel_loop3A_159 : i32 to index
          %parallel_loop3A_426 = tpu.vector_load %arg17[%parallel_loop3A_423, %parallel_loop3A_424, %parallel_loop3A_425] {strides = array<i32>} : memref<6x6x384xf32, #tpu.memory_space<vmem>>, vector<16xf32>,
          tpu.vector_store %arg17[%parallel_loop3A_423, %parallel_loop3A_424, %parallel_loop3A_425], %parallel_loop3A_258 {strides = array<i32>} : memref<6x6x384xf32, #tpu.memory_space<vmem>>, vector<16xf32>,
          %parallel_loop3A_427 = arith.constant 2 : i32
          %parallel_loop3A_428 = arith.constant 4 : i32
          %parallel_loop3A_429 = arith.index_cast %parallel_loop3A_427 : i32 to index
          %parallel_loop3A_430 = arith.index_cast %parallel_loop3A_428 : i32 to index
          %parallel_loop3A_431 = arith.index_cast %parallel_loop3A_159 : i32 to index
          %parallel_loop3A_432 = tpu.vector_load %arg17[%parallel_loop3A_429, %parallel_loop3A_430, %parallel_loop3A_431] {strides = array<i32>} : memref<6x6x384xf32, #tpu.memory_space<vmem>>, vector<16xf32>,
          tpu.vector_store %arg17[%parallel_loop3A_429, %parallel_loop3A_430, %parallel_loop3A_431], %parallel_loop3A_267 {strides = array<i32>} : memref<6x6x384xf32, #tpu.memory_space<vmem>>, vector<16xf32>,
          %parallel_loop3A_433 = arith.constant 2 : i32
          %parallel_loop3A_434 = arith.constant 5 : i32
          %parallel_loop3A_435 = arith.index_cast %parallel_loop3A_433 : i32 to index
          %parallel_loop3A_436 = arith.index_cast %parallel_loop3A_434 : i32 to index
          %parallel_loop3A_437 = arith.index_cast %parallel_loop3A_159 : i32 to index
          %parallel_loop3A_438 = tpu.vector_load %arg17[%parallel_loop3A_435, %parallel_loop3A_436, %parallel_loop3A_437] {strides = array<i32>} : memref<6x6x384xf32, #tpu.memory_space<vmem>>, vector<16xf32>,
          tpu.vector_store %arg17[%parallel_loop3A_435, %parallel_loop3A_436, %parallel_loop3A_437], %parallel_loop3A_276 {strides = array<i32>} : memref<6x6x384xf32, #tpu.memory_space<vmem>>, vector<16xf32>,
          %parallel_loop3A_439 = arith.constant 3 : i32
          %parallel_loop3A_440 = arith.constant 0 : i32
          %parallel_loop3A_441 = arith.index_cast %parallel_loop3A_439 : i32 to index
          %parallel_loop3A_442 = arith.index_cast %parallel_loop3A_440 : i32 to index
          %parallel_loop3A_443 = arith.index_cast %parallel_loop3A_159 : i32 to index
          %parallel_loop3A_444 = tpu.vector_load %arg17[%parallel_loop3A_441, %parallel_loop3A_442, %parallel_loop3A_443] {strides = array<i32>} : memref<6x6x384xf32, #tpu.memory_space<vmem>>, vector<16xf32>,
          tpu.vector_store %arg17[%parallel_loop3A_441, %parallel_loop3A_442, %parallel_loop3A_443], %parallel_loop3A_186 {strides = array<i32>} : memref<6x6x384xf32, #tpu.memory_space<vmem>>, vector<16xf32>,
          %parallel_loop3A_445 = arith.constant 3 : i32
          %parallel_loop3A_446 = arith.constant 1 : i32
          %parallel_loop3A_447 = arith.index_cast %parallel_loop3A_445 : i32 to index
          %parallel_loop3A_448 = arith.index_cast %parallel_loop3A_446 : i32 to index
          %parallel_loop3A_449 = arith.index_cast %parallel_loop3A_159 : i32 to index
          %parallel_loop3A_450 = tpu.vector_load %arg17[%parallel_loop3A_447, %parallel_loop3A_448, %parallel_loop3A_449] {strides = array<i32>} : memref<6x6x384xf32, #tpu.memory_space<vmem>>, vector<16xf32>,
          tpu.vector_store %arg17[%parallel_loop3A_447, %parallel_loop3A_448, %parallel_loop3A_449], %parallel_loop3A_225 {strides = array<i32>} : memref<6x6x384xf32, #tpu.memory_space<vmem>>, vector<16xf32>,
          %parallel_loop3A_451 = arith.constant 3 : i32
          %parallel_loop3A_452 = arith.constant 2 : i32
          %parallel_loop3A_453 = arith.index_cast %parallel_loop3A_451 : i32 to index
          %parallel_loop3A_454 = arith.index_cast %parallel_loop3A_452 : i32 to index
          %parallel_loop3A_455 = arith.index_cast %parallel_loop3A_159 : i32 to index
          %parallel_loop3A_456 = tpu.vector_load %arg17[%parallel_loop3A_453, %parallel_loop3A_454, %parallel_loop3A_455] {strides = array<i32>} : memref<6x6x384xf32, #tpu.memory_space<vmem>>, vector<16xf32>,
          tpu.vector_store %arg17[%parallel_loop3A_453, %parallel_loop3A_454, %parallel_loop3A_455], %parallel_loop3A_258 {strides = array<i32>} : memref<6x6x384xf32, #tpu.memory_space<vmem>>, vector<16xf32>,
          %parallel_loop3A_457 = arith.constant 3 : i32
          %parallel_loop3A_458 = arith.constant 3 : i32
          %parallel_loop3A_459 = arith.index_cast %parallel_loop3A_457 : i32 to index
          %parallel_loop3A_460 = arith.index_cast %parallel_loop3A_458 : i32 to index
          %parallel_loop3A_461 = arith.index_cast %parallel_loop3A_159 : i32 to index
          %parallel_loop3A_462 = tpu.vector_load %arg17[%parallel_loop3A_459, %parallel_loop3A_460, %parallel_loop3A_461] {strides = array<i32>} : memref<6x6x384xf32, #tpu.memory_space<vmem>>, vector<16xf32>,
          tpu.vector_store %arg17[%parallel_loop3A_459, %parallel_loop3A_460, %parallel_loop3A_461], %parallel_loop3A_285 {strides = array<i32>} : memref<6x6x384xf32, #tpu.memory_space<vmem>>, vector<16xf32>,
          %parallel_loop3A_463 = arith.constant 3 : i32
          %parallel_loop3A_464 = arith.constant 4 : i32
          %parallel_loop3A_465 = arith.index_cast %parallel_loop3A_463 : i32 to index
          %parallel_loop3A_466 = arith.index_cast %parallel_loop3A_464 : i32 to index
          %parallel_loop3A_467 = arith.index_cast %parallel_loop3A_159 : i32 to index
          %parallel_loop3A_468 = tpu.vector_load %arg17[%parallel_loop3A_465, %parallel_loop3A_466, %parallel_loop3A_467] {strides = array<i32>} : memref<6x6x384xf32, #tpu.memory_space<vmem>>, vector<16xf32>,
          tpu.vector_store %arg17[%parallel_loop3A_465, %parallel_loop3A_466, %parallel_loop3A_467], %parallel_loop3A_294 {strides = array<i32>} : memref<6x6x384xf32, #tpu.memory_space<vmem>>, vector<16xf32>,
          %parallel_loop3A_469 = arith.constant 3 : i32
          %parallel_loop3A_470 = arith.constant 5 : i32
          %parallel_loop3A_471 = arith.index_cast %parallel_loop3A_469 : i32 to index
          %parallel_loop3A_472 = arith.index_cast %parallel_loop3A_470 : i32 to index
          %parallel_loop3A_473 = arith.index_cast %parallel_loop3A_159 : i32 to index
          %parallel_loop3A_474 = tpu.vector_load %arg17[%parallel_loop3A_471, %parallel_loop3A_472, %parallel_loop3A_473] {strides = array<i32>} : memref<6x6x384xf32, #tpu.memory_space<vmem>>, vector<16xf32>,
          tpu.vector_store %arg17[%parallel_loop3A_471, %parallel_loop3A_472, %parallel_loop3A_473], %parallel_loop3A_303 {strides = array<i32>} : memref<6x6x384xf32, #tpu.memory_space<vmem>>, vector<16xf32>,
          %parallel_loop3A_475 = arith.constant 4 : i32
          %parallel_loop3A_476 = arith.constant 0 : i32
          %parallel_loop3A_477 = arith.index_cast %parallel_loop3A_475 : i32 to index
          %parallel_loop3A_478 = arith.index_cast %parallel_loop3A_476 : i32 to index
          %parallel_loop3A_479 = arith.index_cast %parallel_loop3A_159 : i32 to index
          %parallel_loop3A_480 = tpu.vector_load %arg17[%parallel_loop3A_477, %parallel_loop3A_478, %parallel_loop3A_479] {strides = array<i32>} : memref<6x6x384xf32, #tpu.memory_space<vmem>>, vector<16xf32>,
          tpu.vector_store %arg17[%parallel_loop3A_477, %parallel_loop3A_478, %parallel_loop3A_479], %parallel_loop3A_195 {strides = array<i32>} : memref<6x6x384xf32, #tpu.memory_space<vmem>>, vector<16xf32>,
          %parallel_loop3A_481 = arith.constant 4 : i32
          %parallel_loop3A_482 = arith.constant 1 : i32
          %parallel_loop3A_483 = arith.index_cast %parallel_loop3A_481 : i32 to index
          %parallel_loop3A_484 = arith.index_cast %parallel_loop3A_482 : i32 to index
          %parallel_loop3A_485 = arith.index_cast %parallel_loop3A_159 : i32 to index
          %parallel_loop3A_486 = tpu.vector_load %arg17[%parallel_loop3A_483, %parallel_loop3A_484, %parallel_loop3A_485] {strides = array<i32>} : memref<6x6x384xf32, #tpu.memory_space<vmem>>, vector<16xf32>,
          tpu.vector_store %arg17[%parallel_loop3A_483, %parallel_loop3A_484, %parallel_loop3A_485], %parallel_loop3A_234 {strides = array<i32>} : memref<6x6x384xf32, #tpu.memory_space<vmem>>, vector<16xf32>,
          %parallel_loop3A_487 = arith.constant 4 : i32
          %parallel_loop3A_488 = arith.constant 2 : i32
          %parallel_loop3A_489 = arith.index_cast %parallel_loop3A_487 : i32 to index
          %parallel_loop3A_490 = arith.index_cast %parallel_loop3A_488 : i32 to index
          %parallel_loop3A_491 = arith.index_cast %parallel_loop3A_159 : i32 to index
          %parallel_loop3A_492 = tpu.vector_load %arg17[%parallel_loop3A_489, %parallel_loop3A_490, %parallel_loop3A_491] {strides = array<i32>} : memref<6x6x384xf32, #tpu.memory_space<vmem>>, vector<16xf32>,
          tpu.vector_store %arg17[%parallel_loop3A_489, %parallel_loop3A_490, %parallel_loop3A_491], %parallel_loop3A_267 {strides = array<i32>} : memref<6x6x384xf32, #tpu.memory_space<vmem>>, vector<16xf32>,
          %parallel_loop3A_493 = arith.constant 4 : i32
          %parallel_loop3A_494 = arith.constant 3 : i32
          %parallel_loop3A_495 = arith.index_cast %parallel_loop3A_493 : i32 to index
          %parallel_loop3A_496 = arith.index_cast %parallel_loop3A_494 : i32 to index
          %parallel_loop3A_497 = arith.index_cast %parallel_loop3A_159 : i32 to index
          %parallel_loop3A_498 = tpu.vector_load %arg17[%parallel_loop3A_495, %parallel_loop3A_496, %parallel_loop3A_497] {strides = array<i32>} : memref<6x6x384xf32, #tpu.memory_space<vmem>>, vector<16xf32>,
          tpu.vector_store %arg17[%parallel_loop3A_495, %parallel_loop3A_496, %parallel_loop3A_497], %parallel_loop3A_294 {strides = array<i32>} : memref<6x6x384xf32, #tpu.memory_space<vmem>>, vector<16xf32>,
          %parallel_loop3A_499 = arith.constant 4 : i32
          %parallel_loop3A_500 = arith.constant 4 : i32
          %parallel_loop3A_501 = arith.index_cast %parallel_loop3A_499 : i32 to index
          %parallel_loop3A_502 = arith.index_cast %parallel_loop3A_500 : i32 to index
          %parallel_loop3A_503 = arith.index_cast %parallel_loop3A_159 : i32 to index
          %parallel_loop3A_504 = tpu.vector_load %arg17[%parallel_loop3A_501, %parallel_loop3A_502, %parallel_loop3A_503] {strides = array<i32>} : memref<6x6x384xf32, #tpu.memory_space<vmem>>, vector<16xf32>,
          tpu.vector_store %arg17[%parallel_loop3A_501, %parallel_loop3A_502, %parallel_loop3A_503], %parallel_loop3A_312 {strides = array<i32>} : memref<6x6x384xf32, #tpu.memory_space<vmem>>, vector<16xf32>,
          %parallel_loop3A_505 = arith.constant 4 : i32
          %parallel_loop3A_506 = arith.constant 5 : i32
          %parallel_loop3A_507 = arith.index_cast %parallel_loop3A_505 : i32 to index
          %parallel_loop3A_508 = arith.index_cast %parallel_loop3A_506 : i32 to index
          %parallel_loop3A_509 = arith.index_cast %parallel_loop3A_159 : i32 to index
          %parallel_loop3A_510 = tpu.vector_load %arg17[%parallel_loop3A_507, %parallel_loop3A_508, %parallel_loop3A_509] {strides = array<i32>} : memref<6x6x384xf32, #tpu.memory_space<vmem>>, vector<16xf32>,
          tpu.vector_store %arg17[%parallel_loop3A_507, %parallel_loop3A_508, %parallel_loop3A_509], %parallel_loop3A_321 {strides = array<i32>} : memref<6x6x384xf32, #tpu.memory_space<vmem>>, vector<16xf32>,
          %parallel_loop3A_511 = arith.constant 5 : i32
          %parallel_loop3A_512 = arith.constant 0 : i32
          %parallel_loop3A_513 = arith.index_cast %parallel_loop3A_511 : i32 to index
          %parallel_loop3A_514 = arith.index_cast %parallel_loop3A_512 : i32 to index
          %parallel_loop3A_515 = arith.index_cast %parallel_loop3A_159 : i32 to index
          %parallel_loop3A_516 = tpu.vector_load %arg17[%parallel_loop3A_513, %parallel_loop3A_514, %parallel_loop3A_515] {strides = array<i32>} : memref<6x6x384xf32, #tpu.memory_space<vmem>>, vector<16xf32>,
          tpu.vector_store %arg17[%parallel_loop3A_513, %parallel_loop3A_514, %parallel_loop3A_515], %parallel_loop3A_204 {strides = array<i32>} : memref<6x6x384xf32, #tpu.memory_space<vmem>>, vector<16xf32>,
          %parallel_loop3A_517 = arith.constant 5 : i32
          %parallel_loop3A_518 = arith.constant 1 : i32
          %parallel_loop3A_519 = arith.index_cast %parallel_loop3A_517 : i32 to index
          %parallel_loop3A_520 = arith.index_cast %parallel_loop3A_518 : i32 to index
          %parallel_loop3A_521 = arith.index_cast %parallel_loop3A_159 : i32 to index
          %parallel_loop3A_522 = tpu.vector_load %arg17[%parallel_loop3A_519, %parallel_loop3A_520, %parallel_loop3A_521] {strides = array<i32>} : memref<6x6x384xf32, #tpu.memory_space<vmem>>, vector<16xf32>,
          tpu.vector_store %arg17[%parallel_loop3A_519, %parallel_loop3A_520, %parallel_loop3A_521], %parallel_loop3A_243 {strides = array<i32>} : memref<6x6x384xf32, #tpu.memory_space<vmem>>, vector<16xf32>,
          %parallel_loop3A_523 = arith.constant 5 : i32
          %parallel_loop3A_524 = arith.constant 2 : i32
          %parallel_loop3A_525 = arith.index_cast %parallel_loop3A_523 : i32 to index
          %parallel_loop3A_526 = arith.index_cast %parallel_loop3A_524 : i32 to index
          %parallel_loop3A_527 = arith.index_cast %parallel_loop3A_159 : i32 to index
          %parallel_loop3A_528 = tpu.vector_load %arg17[%parallel_loop3A_525, %parallel_loop3A_526, %parallel_loop3A_527] {strides = array<i32>} : memref<6x6x384xf32, #tpu.memory_space<vmem>>, vector<16xf32>,
          tpu.vector_store %arg17[%parallel_loop3A_525, %parallel_loop3A_526, %parallel_loop3A_527], %parallel_loop3A_276 {strides = array<i32>} : memref<6x6x384xf32, #tpu.memory_space<vmem>>, vector<16xf32>,
          %parallel_loop3A_529 = arith.constant 5 : i32
          %parallel_loop3A_530 = arith.constant 3 : i32
          %parallel_loop3A_531 = arith.index_cast %parallel_loop3A_529 : i32 to index
          %parallel_loop3A_532 = arith.index_cast %parallel_loop3A_530 : i32 to index
          %parallel_loop3A_533 = arith.index_cast %parallel_loop3A_159 : i32 to index
          %parallel_loop3A_534 = tpu.vector_load %arg17[%parallel_loop3A_531, %parallel_loop3A_532, %parallel_loop3A_533] {strides = array<i32>} : memref<6x6x384xf32, #tpu.memory_space<vmem>>, vector<16xf32>,
          tpu.vector_store %arg17[%parallel_loop3A_531, %parallel_loop3A_532, %parallel_loop3A_533], %parallel_loop3A_303 {strides = array<i32>} : memref<6x6x384xf32, #tpu.memory_space<vmem>>, vector<16xf32>,
          %parallel_loop3A_535 = arith.constant 5 : i32
          %parallel_loop3A_536 = arith.constant 4 : i32
          %parallel_loop3A_537 = arith.index_cast %parallel_loop3A_535 : i32 to index
          %parallel_loop3A_538 = arith.index_cast %parallel_loop3A_536 : i32 to index
          %parallel_loop3A_539 = arith.index_cast %parallel_loop3A_159 : i32 to index
          %parallel_loop3A_540 = tpu.vector_load %arg17[%parallel_loop3A_537, %parallel_loop3A_538, %parallel_loop3A_539] {strides = array<i32>} : memref<6x6x384xf32, #tpu.memory_space<vmem>>, vector<16xf32>,
          tpu.vector_store %arg17[%parallel_loop3A_537, %parallel_loop3A_538, %parallel_loop3A_539], %parallel_loop3A_321 {strides = array<i32>} : memref<6x6x384xf32, #tpu.memory_space<vmem>>, vector<16xf32>,
          %parallel_loop3A_541 = arith.constant 5 : i32
          %parallel_loop3A_542 = arith.constant 5 : i32
          %parallel_loop3A_543 = arith.index_cast %parallel_loop3A_541 : i32 to index
          %parallel_loop3A_544 = arith.index_cast %parallel_loop3A_542 : i32 to index
          %parallel_loop3A_545 = arith.index_cast %parallel_loop3A_159 : i32 to index
          %parallel_loop3A_546 = tpu.vector_load %arg17[%parallel_loop3A_543, %parallel_loop3A_544, %parallel_loop3A_545] {strides = array<i32>} : memref<6x6x384xf32, #tpu.memory_space<vmem>>, vector<16xf32>,
          tpu.vector_store %arg17[%parallel_loop3A_543, %parallel_loop3A_544, %parallel_loop3A_545], %parallel_loop3A_330 {strides = array<i32>} : memref<6x6x384xf32, #tpu.memory_space<vmem>>, vector<16xf32>,
        } {sc.loop_unroll_factor = 2 : i64, sc.parallel_access}
        %mul3A_146 = arith.constant 32 : i32
        %mul3A_147 = arith.muli %add3A_115, %mul3A_146 : i32
        %add3A_148 = arith.addi %add3A, %mul3A_147 : i32
        %mul3A_149 = arith.constant 384 : i32
        %mul3A_150 = arith.muli %add3A_148, %mul3A_149 : i32
        %dma_start3A_151 = arith.constant 0 : i32
        %dma_start3A_152 = arith.constant 0 : i32
        %dma_start3A_153 = tpu.memref_slice %arg3[%dma_start3A_151, %dma_start3A_152, %mul3A_150] : memref<6x6x500000xf32, #tpu.memory_space<hbm>> -> memref<6x6x384xf32, #tpu.memory_space<hbm>>
        %dma_start3A_154 = arith.constant 0 : i32
        %dma_start3A_155 = arith.constant 0 : i32
        %dma_start3A_156 = tpu.memref_slice %arg3[%dma_start3A_154, %dma_start3A_155, %mul3A_150] : memref<6x6x500000xf32, #tpu.memory_space<hbm>> -> memref<6x6x384xf32, #tpu.memory_space<hbm>>
        tpu.enqueue_dma source(%arg17 : memref<6x6x384xf32, #tpu.memory_space<vmem>>) target(%dma_start3A_156 : memref<6x6x384xf32, #tpu.memory_space<hbm>>) target_semaphore(%arg21 : memref<!tpu.dma_semaphore, #tpu.memory_space<semaphore_mem>>)
      } else {
      }
      %scan3A_143 = arith.constant 0 : i32
      scf.yield %scan3A_143 : i32
    }
    %scan3A_69 = arith.constant 21 : i32
    %add3A_70 = arith.constant 1280 : i32
    %add3A_71 = arith.addi %add3A, %add3A_70 : i32
    %lt3A = arith.constant 1302 : i32
    %lt3A_72 = arith.cmpi slt, %add3A_71, %lt3A : i32
    %convert_element_type3A = arith.extui %lt3A_72 : i1 to i32
    %cond3A = arith.constant 0 : i32
    %cond3A_73 = arith.cmpi ne, %convert_element_type3A, %cond3A : i32
    scf.if %cond3A_73 {
      %add3A_81 = arith.constant 1280 : i32
      %add3A_82 = arith.addi %add3A, %add3A_81 : i32
      %mul3A_83 = arith.constant 384 : i32
      %mul3A_84 = arith.muli %add3A_82, %mul3A_83 : i32
      %dma_wait3A = arith.constant 0 : i32
      %dma_wait3A_85 = arith.constant 0 : i32
      %dma_wait3A_86 = tpu.memref_slice %arg3[%dma_wait3A, %dma_wait3A_85, %mul3A_84] : memref<6x6x500000xf32, #tpu.memory_space<hbm>> -> memref<6x6x384xf32, #tpu.memory_space<hbm>>
      %dma_wait3A_87 = arith.constant 0 : i32
      %dma_wait3A_88 = arith.constant 0 : i32
      %dma_wait3A_89 = tpu.memref_slice %arg3[%dma_wait3A_87, %dma_wait3A_88, %mul3A_84] : memref<6x6x500000xf32, #tpu.memory_space<hbm>> -> memref<6x6x384xf32, #tpu.memory_space<hbm>>
      tpu.wait_dma2 semaphore(%arg20 : memref<!tpu.dma_semaphore, #tpu.memory_space<semaphore_mem>>) src(%arg16 : memref<6x6x384xf32, #tpu.memory_space<vmem>>) dst(%dma_wait3A_89 : memref<6x6x384xf32, #tpu.memory_space<hbm>>)
    } else {
    }
    %add3A_74 = arith.constant 1312 : i32
    %add3A_75 = arith.addi %add3A, %add3A_74 : i32
    %lt3A_76 = arith.constant 1302 : i32
    %lt3A_77 = arith.cmpi slt, %add3A_75, %lt3A_76 : i32
    %convert_element_type3A_78 = arith.extui %lt3A_77 : i1 to i32
    %cond3A_79 = arith.constant 0 : i32
    %cond3A_80 = arith.cmpi ne, %convert_element_type3A_78, %cond3A_79 : i32
    scf.if %cond3A_80 {
      %add3A_81 = arith.constant 1312 : i32
      %add3A_82 = arith.addi %add3A, %add3A_81 : i32
      %mul3A_83 = arith.constant 384 : i32
      %mul3A_84 = arith.muli %add3A_82, %mul3A_83 : i32
      %dma_wait3A = arith.constant 0 : i32
      %dma_wait3A_85 = arith.constant 0 : i32
      %dma_wait3A_86 = tpu.memref_slice %arg3[%dma_wait3A, %dma_wait3A_85, %mul3A_84] : memref<6x6x500000xf32, #tpu.memory_space<hbm>> -> memref<6x6x384xf32, #tpu.memory_space<hbm>>
      %dma_wait3A_87 = arith.constant 0 : i32
      %dma_wait3A_88 = arith.constant 0 : i32
      %dma_wait3A_89 = tpu.memref_slice %arg3[%dma_wait3A_87, %dma_wait3A_88, %mul3A_84] : memref<6x6x500000xf32, #tpu.memory_space<hbm>> -> memref<6x6x384xf32, #tpu.memory_space<hbm>>
      tpu.wait_dma2 semaphore(%arg21 : memref<!tpu.dma_semaphore, #tpu.memory_space<semaphore_mem>>) src(%arg17 : memref<6x6x384xf32, #tpu.memory_space<vmem>>) dst(%dma_wait3A_89 : memref<6x6x384xf32, #tpu.memory_space<hbm>>)
    } else {
    }
    return
  }
}

</mosaic_0001>

<sc_bundles>
// kernel: kernel.3.cloned.1.call-start
scs
__scs_entry_jumppad:
0x0: {  	(pc) =	sbr.rel $0x88, $3  }
0x1: {  	(tag) =	ssettag $0x0;
	lr =	simm.s32 $0x1  }
0x2: {  	[smem:$0x3FA0] =	sst lr;
	_ =	strace $0xD0000000  }
0x3: {  	_ = 	snop  }
0x4: {  	_ = 	snop  }
0x5: {  	_ = 	snop  }
0x6: {  	_ = 	snop  }
0x7: {  	_ = 	snop  }
__scs_overlays_trampoline_lowered:
0x8: {  	[smem:$0x3FAF] =	sst s0  }
0x9: {  	[smem:$0x3FB0] =	sst s1  }
0xa: {  	[smem:$0x3FB1] =	sst s2  }
0xb: {  	[smem:$0x3FB2] =	sst s3  }
0xc: {  	[smem:$0x3FB3] =	sst s4  }
0xd: {  	[smem:$0x3FB4] =	sst s5  }
0xe: {  	[smem:$0x3FB5] =	sst s6  }
0xf: {  	[smem:$0x3FB6] =	sst s7  }
0x10: {  	[smem:$0x3FB7] =	sst s8  }
0x11: {  	[smem:$0x3FB8] =	sst s9;
	s0 =	simm.s32 @!p0 $0x0  }
0x12: {  	s1 =	sld [smem:$0x3F9E];
	s0 =	simm.s32 @p0 $0x1  }
0x13: {  	[smem:$0x3FB9] =	sst s0;
	s0 =	simm.s32 @!p1 $0x0  }
0x14: {  	s2 =	sld [smem:$0x3F9D];
	s0 =	simm.s32 @p1 $0x1  }
0x15: {  	[smem:$0x3FBA] =	sst s0;
	s0 =	simm.s32 @!p2 $0x0  }
0x16: {  	s3 =	sld [smem:$0x3FDB];
	s0 =	simm.s32 @p2 $0x1  }
0x17: {  	s4 =	simm.s32 $0x1BF5;
	[smem:$0x3FBC] =	sst s0  }
0x18: {  	s0 =	sld [smem:$0x3F9F];
	_ =	swait.ge [sflag:s4], $0x0  }
0x19: {  	s7 =	sld [smem:$0x3FA0]  }
0x1a: {  	s8 =	sadd.s32 $0xFFFFE003, lr  }
0x1b: {  	s9 =	sadd.s32 $0xFFFFFEF7, lr;
	s5 =	simm.s32 $0xFFFFFFFF;
	p2 =	slt.u32 s8, $0xFFFFF086  }
0x1c: {  	p1 =	slt.u32 s9, $0xF7A;
	s5 =	simm.s32 @!p2 $0x0  }
0x1d: {  	s5 =	simm.s32 @p1 $0x1;
	p0 =	seq.s32 s7, s2  }
0x1e: {  	s7 =	smul.u32 @!p0 $0xF7A, s2;
	p2 =	seq.s32 @!p0 s5, $0x0  }
0x1f: {  	s9 =	smul.u32 $0xF7A, s1;
	s8 =	simm.s32 @!p0 $0x1BF5;
	p2 =	por !p2, p0  }
0x20: {  	[sflag:s8] =	ssyncset.s32 @!p0 $0xFFFFF086;
	s6 =	sadd.s32 @!p0 s3, s7;
	s7 =	simm.s32 @!p0 $0x108  }
0x21: {  	s3 =	sadd.s32 s3, s9;
	s6 =	sadd.s32 @!p0 $0x88, s6;
	s7 =	simm.s32 @p2 $0x1082  }
0x22: {  	[simem:s7], [sflag:s8] =	dma.local @!p0 [hbm:s6], $0xF7A  }
0x23: {  	s9 =	sor.u32 $0xD0000000, s2;
	s6 =	simm.s32 $0x108;
	_ =	swait.ge @!p0 [sflag:s8], $0x0  }
0x24: {  	s3 =	sadd.s32 $0x88, s3;
	s6 =	simm.s32 @!p1 $0x1082;
	[sflag:s4] =	ssyncset.s32 $0xFFFFF086  }
0x25: {  	[simem:s6], [sflag:s4] =	dma.local [hbm:s3], $0xF7A  }
0x26: {  	[smem:$0x3FA0] =	sst s1;
	(tag) =	ssettag s2;
	_ =	strace s9  }
0x27: {  	s1 =	sld [smem:$0x3FB0]  }
0x28: {  	s2 =	sld [smem:$0x3FB1]  }
0x29: {  	s4 =	sld [smem:$0x3FB3]  }
0x2a: {  	p0 =	seq.s32 s5, $0x0;
	s5 =	sld [smem:$0x3FB4]  }
0x2b: {  	s6 =	sld [smem:$0x3FB5]  }
0x2c: {  	s7 =	sld [smem:$0x3FB6]  }
0x2d: {  	s3 =	simm.s32 $0x108;
	s8 =	sld [smem:$0x3FB7]  }
0x2e: {  	s3 =	simm.s32 @!p0 $0x1082;
	s9 =	sld [smem:$0x3FB8]  }
0x2f: {  	lr =	sadd.s32 s0, s3;
	s0 =	sld [smem:$0x3FAF]  }
0x30: {  	s3 =	sld [smem:$0x3FB2]  }
0x31: {  	[smem:$0x3FBB] =	sst s10  }
0x32: {  	s10 =	sld [smem:$0x3FB9];
	_ =	sdelay $0x3  }
0x33: {  	p0 =	seq.s32 s10, $0x1;
	s10 =	sld [smem:$0x3FBB];
	_ =	sdelay $0x3  }
0x34: {  	[smem:$0x3FBB] =	sst s10  }
0x35: {  	s10 =	sld [smem:$0x3FBA];
	_ =	sdelay $0x3  }
0x36: {  	p1 =	seq.s32 s10, $0x1;
	s10 =	sld [smem:$0x3FBB];
	_ =	sdelay $0x3  }
0x37: {  	[smem:$0x3FBB] =	sst s10  }
0x38: {  	s10 =	sld [smem:$0x3FBC]  }
0x39: {  	_ = 	snop;
	(pc) =	sbr.ind lr, $3  }
0x3a: {  	_ = 	snop  }
0x3b: {  	_ = 	snop  }
0x3c: {  	p2 =	seq.s32 s10, $0x1;
	s10 =	sld [smem:$0x3FBB]  }
0x3d: {  	_ =	shalt  }
0x3e: {  	_ =	shalt  }
0x3f: {  	_ =	shalt  }
0x40: {  	_ =	shalt  }
0x41: {  	_ =	shalt  }
0x42: {  	_ =	shalt  }
0x43: {  	_ =	shalt  }
0x44: {  	_ =	shalt  }
0x45: {  	_ =	shalt  }
0x46: {  	_ =	shalt  }
0x47: {  	_ =	shalt  }
0x48: {  	_ =	shalt  }
0x49: {  	_ =	shalt  }
0x4a: {  	_ =	shalt  }
0x4b: {  	_ =	shalt  }
0x4c: {  	_ =	shalt  }
0x4d: {  	_ =	shalt  }
0x4e: {  	_ =	shalt  }
0x4f: {  	_ =	shalt  }
0x50: {  	_ =	shalt  }
0x51: {  	_ =	shalt  }
0x52: {  	_ =	shalt  }
0x53: {  	_ =	shalt  }
0x54: {  	_ =	shalt  }
0x55: {  	_ =	shalt  }
0x56: {  	_ =	shalt  }
0x57: {  	_ =	shalt  }
0x58: {  	_ =	shalt  }
0x59: {  	_ =	shalt  }
0x5a: {  	_ =	shalt  }
0x5b: {  	_ =	shalt  }
0x5c: {  	_ =	shalt  }
0x5d: {  	_ =	shalt  }
0x5e: {  	_ =	shalt  }
0x5f: {  	_ =	shalt  }
0x60: {  	_ =	shalt  }
0x61: {  	_ =	shalt  }
0x62: {  	_ =	shalt  }
0x63: {  	_ =	shalt  }
0x64: {  	_ =	shalt  }
0x65: {  	_ =	shalt  }
0x66: {  	_ =	shalt  }
0x67: {  	_ =	shalt  }
0x68: {  	_ =	shalt  }
0x69: {  	_ =	shalt  }
0x6a: {  	_ =	shalt  }
0x6b: {  	_ =	shalt  }
0x6c: {  	_ =	shalt  }
0x6d: {  	_ =	shalt  }
0x6e: {  	_ =	shalt  }
0x6f: {  	_ =	shalt  }
0x70: {  	_ =	shalt  }
0x71: {  	_ =	shalt  }
0x72: {  	_ =	shalt  }
0x73: {  	_ =	shalt  }
0x74: {  	_ =	shalt  }
0x75: {  	_ =	shalt  }
0x76: {  	_ =	shalt  }
0x77: {  	_ =	shalt  }
0x78: {  	_ =	shalt  }
0x79: {  	_ =	shalt  }
0x7a: {  	_ =	shalt  }
0x7b: {  	_ =	shalt  }
0x7c: {  	_ =	shalt  }
0x7d: {  	_ =	shalt  }
0x7e: {  	_ =	shalt  }
0x7f: {  	_ =	shalt  }
0x80: {  	_ =	shalt  }
0x81: {  	_ =	shalt  }
0x82: {  	_ =	shalt  }
0x83: {  	_ =	shalt  }
0x84: {  	_ =	shalt  }
0x85: {  	_ =	shalt  }
0x86: {  	_ =	shalt  }
0x87: {  	_ =	shalt  }
.Lfunc_end0:
.L_simem_size_0:
called_computation_lowered:
.L_overlay_start_0:
0x88: {  	s2 =	sld [smem:$0x3FD9]  }
0x89: {  	s3 =	sld [smem:$0x3FFE];
	_ =	sdelay $0x1  }
0x8a: {  	s1 =	srdreg.scid  }
0x8b: {  	s0 =	sand.u32 $0x1, s1  }
0x8c: {  	s18 =	sshll.u32 s0, $0xA;
	s2 =	sadd.s32 s3, s2  }
0x8d: {  	s2 =	sadd.s32 s2, s18  }
0x8e: {  	[smem:$0x3FC7] =	sst s2  }
0x8f: {  	_ = 	snop  }
0x90: {  	s2 =	sld [smem:$0x3FC9]  }
0x91: {  	s19 =	sld [smem:$0x3FD0];
	(tm) =	ssettm $0x1  }
0x92: {  	s4 =	sld [smem:$0x3FFB];
	_ =	sdelay $0x3  }
0x93: {  	_ =	strace s4  }
0x94: {  	s4 =	sld [smem:$0x3FFC];
	_ =	sdelay $0x3  }
0x95: {  	_ =	strace s4  }
0x96: {  	s4 =	sld [smem:$0x3FFD];
	_ =	sdelay $0x3  }
0x97: {  	_ =	strace s4  }
0x98: {  	_ =	strace $0x8FFFFFFF  }
0x99: {  	s20 =	sld [smem:$0x3FDB];
	_ =	sdelay $0x1  }
0x9a: {  	s5 =	simm.s32 $_scs_section_size  }
0x9b: {  	s6 =	simm.s32 $_size__tile_overlayer_lowered;
	s7 =	simm.s32 $_tile_overlayer_lowered  }
0x9c: {  	s23 =	simm.s32 $0x1BFF;
	s22 =	sshll.u32 s7, $0x1;
	s4 =	sadd.s32 s5, s20  }
0x9d: {  	s8 =	simm.s32 $0x0;
	s21 =	sshll.u32 s6, $0x1;
	s6 =	sadd.s32 s22, s4  }
0x9e: {  	[timem:s8], [sflag:s23] =	dma.local [hbm:s6], s21  }
0x9f: {  	_ =	swait.ge [sflag:s23], s21  }
0xa0: {  	s5 =	ssub.s32 $0x0, s21;
	[sflag:s23] =	ssyncset.done $0x0  }
0xa1: {  	[sflag:s23] =	ssyncadd.s32 s5;
	_ =	sdelay $0x1  }
0xa2: {  	s24 =	simm.s32 $0x1B8B  }
0xa3: {  	_ =	swait.ge [sflag:s24], $0x1  }
0xa4: {  	[sflag:s24] =	ssyncset.done $0x0  }
0xa5: {  	s25 =	simm.s32 $0x1B8E;
	[sflag:s24] =	ssyncadd.s32 $0xFFFFFFFF  }
0xa6: {  	s26 =	simm.s32 $execute0_lowered;
	[smem:$0x3FD2] =	sst s25  }
0xa7: {  	s5 =	sshll.u32 s26, $0x1;
	_ =	strace $0x80000046;
	[dreg:$0x1] =	wrdreg $0xFFFFFFFF  }
0xa8: {  	s28 =	simm.s32 $_size_execute0_lowered;
	s4 =	sadd.s32 s4, s5;
	[dreg:$0x0] =	wrdreg $0x0  }
0xa9: {  	s5 =	sshll.u32 s28, $0x1;
	[dreg:$0x2] =	wrdreg s4  }
0xaa: {  	[dreg:$0x3] =	wrdreg s5  }
0xab: {  	[dreg:$0x4] =	wrdreg $0xC0  }
0xac: {  	_ =	task [dreg:s8], $0x5FFFF  }
0xad: {  	[dreg:$0x1] =	wrdreg $0xFFFFFFFF  }
0xae: {  	[dreg:$0x0] =	wrdreg $0x60  }
0xaf: {  	[dreg:$0x2] =	wrdreg s2  }
0xb0: {  	[dreg:$0x3] =	wrdreg s19  }
0xb1: {  	[dreg:$0x4] =	wrdreg $0x9  }
0xb2: {  	_ =	task.clear_ibuf [dreg:s8], $0x5FFFF;
	_ =	strace $0x90000046  }
0xb3: {  	s29 =	simm.s32 $0x9;
	_ =	strace $0x80000048  }
0xb4: {  	_ =	swait.ge [sflag:s29], $0x1  }
0xb5: {  	[sflag:s29] =	ssyncadd.s32 $0xFFFFFFFF  }
0xb6: {  	_ =	strace $0x90000048  }
0xb7: {  	_ =	sfence  }
0xb8: {  	s30 =	sld [smem:$0x0];
	_ =	sdelay $0x2  }
0xb9: {  	s31 =	sshll.u32 s1, $0xD;
	s1 =	sshrl.u32 s1, $0x2  }
0xba: {  	s3 =	sand.u32 $0x4000, s31;
	s1 =	sadd.s32 s1, s30  }
0xbb: {  	s0 =	sor.u32 s3, s0;
	s1 =	sshll.u32 s1, $0x11  }
0xbc: {  	s0 =	sor.u32 s1, s0  }
0xbd: {  	s0 =	sadd.s32 $0x8F2B, s0  }
0xbe: {  	[sflag:s0] =	ssyncadd.remote.s32 $0x1  }
0xbf: {  	_ =	sfence.sel $0xFFFF  }
0xc0: {  	[dreg:$0x0] =	wrdreg $0xFFFFFFFF;
	(pc) =	sbr.abs _section_cstart, $3  }
0xc1: {  	[dreg:$0x1] =	wrdreg $0xFFFFFFFF  }
0xc2: {  	_ =	task.clear_ibuf [dreg:s8], $0x2FFFF;
	_ =	strace $0x9FFFFFFF  }
0xc3: {  	(tm) =	ssettm $0x7FFFFFFF  }
tec
execute0_lowered:
.L_overlay_start_1:
0x0: {  	(tag) =	ssettag $0x1  }
0x1: {  	s0 =	srdreg.scid  }
0x2: {  	s2 =	stileid.u32;
	s3 =	rddreg [dreg:$0x0]  }
0x3: {  	s5 =	simm.s32 $0x0;
	s0 =	sand.u32 $0x1, s0;
	s1 =	sshll.u32 s2, $0x1  }
0x4: {  	[smem:$0x7FF] =	sst s5;
	s4 =	sor.u32 s0, s1;
	s0 =	ssub.s32 $0x2, s0  }
0x5: {  	_ =	strace $0x80000047;
	s1 =	smul.u32 $0x600, s4;
	s24 =	sshrl.u32 s0, $0x1  }
0x6: {  	[dreg:$0xf] =	wrdreg s4;
	s31 =	sor.u32 $0x40, s4;
	s0 =	ssub.s32 s0, s24  }
0x7: {  	[dreg:$0x16] =	wrdreg s31;
	s1 =	sshrl.u32 s1, $0x3;
	s0 =	smax.u32 s0, $0x1  }
0x8: {  	s3 =	sadd.s32 s3, s1;
	[dreg:$0x17] =	wrdreg s0  }
0x9: {  	s25 =	sadd.s32 $0xB7240, s3;
	[dreg:$0x10] =	wrdreg s3  }
.Ltmp0:
0xa: {  	s26 =	sadd.s32 $0x16E480, s3;
	[dreg:$0x11] =	wrdreg s25;
	(pc) =	sbr.rel .LBB2_1-.Ltmp0, $4  }
0xb: {  	s28 =	sadd.s32 $0x2DC900, s3;
	[dreg:$0x12] =	wrdreg s26  }
0xc: {  	s29 =	sadd.s32 $0x393B40, s3;
	[dreg:$0x13] =	wrdreg s28  }
0xd: {  	s30 =	sadd.s32 $0x5B9200, s3;
	[dreg:$0x14] =	wrdreg s29  }
0xe: {  	p0 =	sgt.u32 s2, $0xA;
	s2 =	simm.s32 $0x0;
	[dreg:$0x15] =	wrdreg s30  }
.LBB2_15:
0xf: {  	s0 =	simm.s32 @!p0 $0x3  }
0x10: {  	_ =	swait.ge @!p0 [sflag:s0], $0x4800  }
0x11: {  	s2 =	rddreg [dreg:$0x18]  }
0x12: {  	s1 =	rddreg [dreg:$0x17];
	s2 =	sadd.s32 $0x1, s2  }
0x13: {  	p1 =	sne.s32 s2, s1  }
.Ltmp1:
0x14: {  	_ = 	snop;
	(pc) =	sbr.rel @!p1 .LBB2_16-.Ltmp1, $3  }
0x15: {  	_ =	sdelay $0x1  }
0x16: {  	[sflag:s0] =	ssyncset.done @!p0 $0x0  }
0x17: {  	[sflag:s0] =	ssyncadd.s32 @!p0 $0xFFFFB800  }
.LBB2_1:
0x18: {  	s0 =	simm.s32 $0x0  }
0x19: {  	s1 =	rddreg [dreg:$0x10];
	s21 =	simm.s32 $0x600;
	s3 =	simm.s32 $0x1E8600  }
0x1a: {  	[tilespmem:s0], [sflag:$0x1] =	stream.strided.gather [hbm4b:s1+s21], $0x1200, s3, s21, $0x38;
	[tilespmem:$0x12C00] =	vst v63  }
0x1b: {  	s22 =	rddreg [dreg:$0x11];
	s4 =	simm.s32 $0x1200  }
0x1c: {  	[tilespmem:s4], [sflag:$0x1] =	stream.linear.gather [hbm4b:s22+s0], $0x600, $0x38;
	[tilespmem:$0x12C00] =	vst v63  }
0x1d: {  	s23 =	rddreg [dreg:$0x12];
	s24 =	simm.s32 $0x1800  }
0x1e: {  	[tilespmem:s24], [sflag:$0x1] =	stream.linear.gather [hbm4b:s23+s0], $0x600, $0x38;
	[tilespmem:$0x12C00] =	vst v63  }
0x1f: {  	s25 =	rddreg [dreg:$0x13];
	s26 =	simm.s32 $0x1E00  }
0x20: {  	[tilespmem:s26], [sflag:$0x1] =	stream.strided.gather [hbm4b:s25+s21], $0x1200, s3, s21, $0x38;
	[tilespmem:$0x12C00] =	vst v63  }
.Ltmp2:
0x21: {  	[dreg:$0x18] =	wrdreg s2;
	(pc) =	sbr.rel .LBB2_2-.Ltmp2, $4  }
0x22: {  	s28 =	rddreg [dreg:$0x14];
	s29 =	simm.s32 $0x3000  }
0x23: {  	[tilespmem:s29], [sflag:$0x1] =	stream.strided.gather [hbm4b:s28+s21], $0xC00, s3, s21, $0x38;
	[tilespmem:$0x12C00] =	vst v63  }
0x24: {  	s30 =	rddreg [dreg:$0x15];
	s31 =	simm.s32 $0x3C00;
	s6 =	simm.s32 $0x0  }
0x25: {  	[tilespmem:s31], [sflag:$0x1] =	stream.strided.gather [hbm4b:s30+s21], $0x1200, s3, s21, $0x38;
	[tilespmem:$0x12C00] =	vst v63  }
.LBB2_14:
0x26: {  	s6 =	sadd.s32 $0x1, s6  }
0x27: {  	p1 =	sne.s32 s6, $0x15  }
.Ltmp3:
0x28: {  	_ = 	snop;
	(pc) =	sbr.rel @!p1 .LBB2_15-.Ltmp3, $1  }
0x29: {  	_ =	sdelay $0x3  }
.LBB2_2:
0x2a: {  	s7 =	sshll.u32 s6, $0x6;
	s0 =	rddreg [dreg:$0xf]  }
0x2b: {  	s8 =	sor.u32 s0, s7  }
0x2c: {  	p3 =	sgt.u32 s8, $0x515  }
0x2d: {  	s0 =	simm.s32 @!p3 $0x1  }
0x2e: {  	_ =	swait.ge @!p3 [sflag:s0], $0x1200  }
0x2f: {  	[sflag:s0] =	ssyncset.done @!p3 $0x0  }
0x30: {  	[sflag:s0] =	ssyncadd.s32 @!p3 $0xFFFFEE00  }
0x31: {  	_ =	swait.ge @!p3 [sflag:s0], $0x600  }
0x32: {  	[sflag:s0] =	ssyncset.done @!p3 $0x0  }
0x33: {  	[sflag:s0] =	ssyncadd.s32 @!p3 $0xFFFFFA00  }
0x34: {  	_ =	swait.ge @!p3 [sflag:s0], $0x600  }
0x35: {  	[sflag:s0] =	ssyncset.done @!p3 $0x0  }
0x36: {  	[sflag:s0] =	ssyncadd.s32 @!p3 $0xFFFFFA00  }
0x37: {  	_ =	swait.ge @!p3 [sflag:s0], $0x1200  }
0x38: {  	[sflag:s0] =	ssyncset.done @!p3 $0x0  }
0x39: {  	[sflag:s0] =	ssyncadd.s32 @!p3 $0xFFFFEE00  }
0x3a: {  	_ =	swait.ge @!p3 [sflag:s0], $0xC00  }
0x3b: {  	s1 =	sor.u32 $0x20, s8;
	[sflag:s0] =	ssyncset.done @!p3 $0x0  }
0x3c: {  	[dreg:$0x1a] =	wrdreg s1;
	[sflag:s0] =	ssyncadd.s32 @!p3 $0xFFFFF400  }
0x3d: {  	p1 =	sgt.u32 s1, $0x515;
	_ =	swait.ge @!p3 [sflag:s0], $0x1200  }
0x3e: {  	s1 =	smul.u32 @!p1 $0x600, s1;
	[sflag:s0] =	ssyncset.done @!p3 $0x0  }
0x3f: {  	p2 =	seq.s32 s6, $0x0;
	[sflag:s0] =	ssyncadd.s32 @!p3 $0xFFFFEE00  }
0x40: {  	s2 =	simm.s32 @!p1 $0x1E8600;
	s1 =	sshrl.u32 @!p1 s1, $0x3;
	s0 =	rddreg [dreg:$0x0]  }
0x41: {  	s3 =	simm.s32 @!p1 $0x4E00;
	s0 =	sadd.s32 @!p1 s0, s1;
	s1 =	simm.s32 @!p1 $0x600  }
0x42: {  	[tilespmem:s3], [sflag:$0x2] =	stream.strided.gather @!p1 [hbm4b:s0+s1], $0x1200, s2, s1, $0x38;
	[tilespmem:$0x12C00] =	vst v63  }
0x43: {  	s4 =	simm.s32 @!p1 $0x0;
	s5 =	simm.s32 @!p1 $0x6000;
	s3 =	sadd.s32 @!p1 $0xB7240, s0  }
0x44: {  	[tilespmem:s5], [sflag:$0x2] =	stream.linear.gather @!p1 [hbm4b:s3+s4], $0x600, $0x38;
	[tilespmem:$0x12C00] =	vst v63  }
0x45: {  	p4 =	sgt.u32 @!p2 s8, $0x515;
	s3 =	sadd.s32 @!p1 $0x16E480, s0;
	s5 =	simm.s32 @!p1 $0x6600  }
0x46: {  	[tilespmem:s5], [sflag:$0x2] =	stream.linear.gather @!p1 [hbm4b:s3+s4], $0x600, $0x38;
	[tilespmem:$0x12C00] =	vst v63  }
0x47: {  	p4 =	por p2, p4;
	s3 =	sadd.s32 @!p1 $0x2DC900, s0;
	s4 =	simm.s32 @!p1 $0x6C00  }
0x48: {  	[tilespmem:s4], [sflag:$0x2] =	stream.strided.gather @!p1 [hbm4b:s3+s1], $0x1200, s2, s1, $0x38;
	[tilespmem:$0x12C00] =	vst v63  }
.Ltmp4:
0x49: {  	_ = 	snop;
	(pc) =	sbr.rel @p4 .LBB2_4-.Ltmp4, $4  }
0x4a: {  	s3 =	sadd.s32 @!p1 $0x393B40, s0;
	s4 =	simm.s32 @!p1 $0x7E00  }
0x4b: {  	[tilespmem:s4], [sflag:$0x2] =	stream.strided.gather @!p1 [hbm4b:s3+s1], $0xC00, s2, s1, $0x38;
	[tilespmem:$0x12C00] =	vst v63  }
0x4c: {  	[dreg:$0x19] =	wrdreg s6;
	s0 =	sadd.s32 @!p1 $0x5B9200, s0;
	s3 =	simm.s32 @!p1 $0x8A00  }
0x4d: {  	[tilespmem:s3], [sflag:$0x2] =	stream.strided.gather @!p1 [hbm4b:s0+s1], $0x1200, s2, s1, $0x38;
	[tilespmem:$0x12C00] =	vst v63  }
0x4e: {  	s0 =	simm.s32 $0x3  }
0x4f: {  	_ =	swait.ge [sflag:s0], $0x4800  }
0x50: {  	[sflag:s0] =	ssyncset.done $0x0  }
0x51: {  	[sflag:s0] =	ssyncadd.s32 $0xFFFFB800  }
.LBB2_5:
0x52: {  	s0 =	simm.s32 $0x0  }
0x53: {  	s1 =	simm.s32 $0x0;
	s16 =	sand.u32 $0x60, s0  }
0x54: {  	[dreg:$0x1c] =	wrdreg s8;
	s13 =	sand.u32 $0xFFFFFE00, s1;
	s2 =	sor.u32 $0x10, s16  }
0x55: {  	[dreg:$0x1b] =	wrdreg s7;
	s1 =	sor.u32 s2, s13  }
0x56: {  	v1 =	vld [tilespmem:s1+$0x0]  }
0x57: {  	v2 =	vld [tilespmem:s1+$0x100]  }
0x58: {  	v3 =	vld [tilespmem:s1+$0x80]  }
0x59: {  	v4 =	vld [tilespmem:s1+$0x1F00]  }
0x5a: {  	v5 =	vld [tilespmem:s1+$0x1E80]  }
0x5b: {  	v6 =	vld [tilespmem:s1+$0x3D00]  }
0x5c: {  	v7 =	vld [tilespmem:s1+$0x3C80]  }
0x5d: {  	v8 =	vld [tilespmem:s1+$0x3100]  }
0x5e: {  	v9 =	vld [tilespmem:s1+$0x3080]  }
0x5f: {  	v10 =	vld [tilespmem:s1+$0x1900]  }
0x60: {  	s21 =	sadd.s32 $0x680, s13;
	v12 =	vld [tilespmem:s1+$0x1880]  }
0x61: {  	s20 =	sadd.s32 $0xD00, s13;
	s3 =	sor.u32 s2, s21;
	v0 =	vld [tilespmem:s1+$0x1280]  }
0x62: {  	s23 =	sor.u32 s2, s20;
	v11 =	vld [tilespmem:s3+$0x0]  }
0x63: {  	v13 =	vld [tilespmem:s23+$0x0]  }
0x64: {  	v14 =	vld [tilespmem:s3+$0x1E00]  }
0x65: {  	s4 =	sadd.s32 $0x700, s13;
	v15 =	vld [tilespmem:s23+$0x1E00]  }
0x66: {  	s24 =	simm.s32 $0x0;
	s5 =	sor.u32 s2, s4;
	v16 =	vld [tilespmem:s23+$0x3C00]  }
0x67: {  	v17 =	vld [tilespmem:s5+$0x0];
	s3 =	sand.u32 $0x3FFFFC00, s24  }
0x68: {  	v18 =	vld [tilespmem:s5+$0x1E00];
	s14 =	sadd.s32 $0x9C00, s3  }
0x69: {  	v19 =	vld [tilespmem:s5+$0x3C00];
	s25 =	sor.u32 s2, s14  }
0x6a: {  	v20 =	vld [tilespmem:s5+$0x3000];
	[tilespmem:s25+$0x0] =	vst v1  }
0x6b: {  	v1 =	vmul.f32 $1.414213540e+00, v2;
	[tilespmem:s25+$0x80] =	vst v11  }
0x6c: {  	[tilespmem:s25+$0x100] =	vst v13  }
0x6d: {  	s26 =	sadd.s32 $0xA800, s3;
	v2 =	vmul.f32 $1.414213540e+00, v3;
	[tilespmem:s25+$0x200] =	vst v1  }
0x6e: {  	[dreg:$0x1f] =	wrdreg s26  }
0x6f: {  	s6 =	sadd.s32 $0xA880, s3;
	v3 =	vmul.f32 $1.414213540e+00, v17;
	[tilespmem:s25+$0x280] =	vst v2  }
0x70: {  	[smem:$0x7F5] =	sst s6  }
0x71: {  	s7 =	sadd.s32 $0xA900, s3;
	[tilespmem:s25+$0x180] =	vst v3  }
0x72: {  	s5 =	sor.u32 s2, s26;
	[smem:$0x7F6] =	sst s7  }
0x73: {  	s9 =	sadd.s32 $0xA980, s3;
	[tilespmem:s5+$0x0] =	vst v11  }
0x74: {  	s8 =	sor.u32 s2, s6;
	[smem:$0x7F7] =	sst s9  }
0x75: {  	s11 =	sadd.s32 $0xAA00, s3;
	[tilespmem:s8+$0x0] =	vst v14  }
0x76: {  	s10 =	sor.u32 s2, s7;
	[smem:$0x7F8] =	sst s11  }
0x77: {  	s15 =	sadd.s32 $0xAA80, s3;
	v11 =	vmul.f32 $1.414213540e+00, v18;
	[tilespmem:s10+$0x0] =	vst v15  }
0x78: {  	s12 =	sor.u32 s2, s9;
	[smem:$0x7F9] =	sst s15  }
0x79: {  	s18 =	sadd.s32 $0xB400, s3;
	v4 =	vmul.f32 $1.414213540e+00, v4;
	[tilespmem:s12+$0x0] =	vst v11  }
0x7a: {  	s17 =	sor.u32 s2, s11;
	v5 =	vmul.f32 $1.414213540e+00, v5;
	[smem:$0x7FA] =	sst s18  }
0x7b: {  	s19 =	sor.u32 s2, s15;
	[tilespmem:s17+$0x0] =	vst v4  }
0x7c: {  	s22 =	sor.u32 s2, s18;
	s7 =	sadd.s32 $0xB480, s3;
	[tilespmem:s19+$0x0] =	vst v5  }
0x7d: {  	s23 =	sor.u32 s2, s7;
	[tilespmem:s22+$0x0] =	vst v13  }
0x7e: {  	s26 =	sadd.s32 $0xB600, s3;
	s8 =	sadd.s32 $0xB500, s3;
	[tilespmem:s23+$0x0] =	vst v15  }
0x7f: {  	s11 =	sadd.s32 $0xB580, s3;
	s24 =	sor.u32 s2, s8;
	v13 =	vmul.f32 $1.414213540e+00, v19;
	[smem:$0x7FB] =	sst s26  }
0x80: {  	s25 =	sor.u32 s16, s4;
	v14 =	vmul.f32 $1.414213540e+00, v6;
	s9 =	sor.u32 s2, s11;
	[tilespmem:s24+$0x0] =	vst v16  }
0x81: {  	v7 =	vmul.f32 $1.414213540e+00, v7;
	s5 =	sadd.s32 $0xB680, s3;
	s10 =	sor.u32 s2, s26;
	v15 =	vld [tilespmem:s25+$0x0];
	[tilespmem:s9+$0x0] =	vst v13  }
0x82: {  	s15 =	sadd.s32 $0xC000, s3;
	s12 =	sor.u32 s2, s5;
	v16 =	vld [tilespmem:s25+$0x1E00];
	[tilespmem:s10+$0x0] =	vst v14  }
0x83: {  	s17 =	sor.u32 s2, s15;
	v17 =	vld [tilespmem:s25+$0x3C00];
	s24 =	sadd.s32 $0xC080, s3;
	[tilespmem:s12+$0x0] =	vst v7  }
0x84: {  	s19 =	sor.u32 s16, s20;
	v18 =	vld [tilespmem:s25+$0x3000];
	s18 =	sor.u32 s2, s24;
	[tilespmem:s17+$0x0] =	vst v3  }
0x85: {  	s4 =	sadd.s32 $0xC100, s3;
	v6 =	vld [tilespmem:s19+$0x0];
	s9 =	sor.u32 s16, s21;
	s10 =	sadd.s32 $0xC200, s3;
	[tilespmem:s18+$0x0] =	vst v11  }
0x86: {  	s20 =	sor.u32 s2, s4;
	s22 =	sadd.s32 $0xC180, s3;
	v19 =	vadd.f32 v20, v20;
	v3 =	vld [tilespmem:s9+$0x0];
	[smem:$0x7FC] =	sst s10  }
0x87: {  	v8 =	vadd.f32 v8, v8;
	s21 =	sor.u32 s2, s22;
	[tilespmem:s20+$0x0] =	vst v13  }
0x88: {  	v9 =	vadd.f32 v9, v9;
	s12 =	sadd.s32 $0xC280, s3;
	s23 =	sor.u32 s2, s10;
	[tilespmem:s21+$0x0] =	vst v19  }
0x89: {  	s25 =	sor.u32 s2, s12;
	v20 =	vld [tilespmem:s9+$0x1E00];
	s21 =	sadd.s32 $0xCC00, s3;
	[tilespmem:s23+$0x0] =	vst v8  }
0x8a: {  	v11 =	vld [tilespmem:s19+$0x1E00];
	s26 =	sor.u32 s2, s21;
	[tilespmem:s25+$0x0] =	vst v9;
	s25 =	sadd.s32 $0xCC80, s3  }
0x8b: {  	s13 =	sor.u32 s16, s13;
	s31 =	sadd.s32 $0xCD00, s3;
	v13 =	vld [tilespmem:s19+$0x3C00];
	[tilespmem:s26+$0x0] =	vst v1;
	s6 =	sor.u32 s2, s25  }
0x8c: {  	s30 =	sadd.s32 $0xCD80, s3;
	s9 =	sor.u32 s2, s31;
	v21 =	vld [tilespmem:s13+$0x3C80];
	[tilespmem:s6+$0x0] =	vst v4  }
0x8d: {  	s29 =	sadd.s32 $0xCE00, s3;
	s10 =	sor.u32 s2, s30;
	v22 =	vld [tilespmem:s13+$0x3100];
	v1 =	vadd.f32 v10, v10;
	[tilespmem:s9+$0x0] =	vst v14  }
0x8e: {  	s28 =	sadd.s32 $0xCE80, s3;
	s17 =	sor.u32 s2, s29;
	v23 =	vld [tilespmem:s13+$0x3080];
	[tilespmem:s10+$0x0] =	vst v8;
	v8 =	vadd.f32 v12, v12  }
0x8f: {  	s18 =	sor.u32 s2, s28;
	v24 =	vld [tilespmem:s13+$0x1900];
	s23 =	sadd.s32 $0xD800, s3;
	[tilespmem:s17+$0x0] =	vst v1  }
0x90: {  	v25 =	vld [tilespmem:s13+$0x1880];
	s19 =	sor.u32 s2, s23;
	s26 =	sadd.s32 $0xD880, s3;
	[tilespmem:s18+$0x0] =	vst v8  }
0x91: {  	v19 =	vld [tilespmem:s13+$0x100];
	s20 =	sor.u32 s2, s26;
	[tilespmem:s19+$0x0] =	vst v2;
	s19 =	sadd.s32 $0xD900, s3  }
0x92: {  	v26 =	vld [tilespmem:s13+$0x1280];
	s18 =	sadd.s32 $0xD980, s3;
	[tilespmem:s20+$0x0] =	vst v5;
	s1 =	sor.u32 s2, s19  }
0x93: {  	v10 =	vld [tilespmem:s13+$0x1E80];
	s17 =	sadd.s32 $0xDA00, s3;
	s6 =	sor.u32 s2, s18;
	[tilespmem:s1+$0x0] =	vst v7  }
0x94: {  	v0 =	vadd.f32 v0, v0;
	v4 =	vld [tilespmem:s13+$0x80];
	s10 =	sadd.s32 $0xDA80, s3;
	s9 =	sor.u32 s2, s17;
	[tilespmem:s6+$0x0] =	vst v9  }
0x95: {  	v14 =	vld [tilespmem:s13+$0x1F00];
	v1 =	vmul.f32 $1.414213540e+00, v15;
	s2 =	sor.u32 s2, s10;
	[tilespmem:s9+$0x0] =	vst v8  }
0x96: {  	v12 =	vld [tilespmem:s13+$0x3D00];
	v2 =	vmul.f32 $1.414213540e+00, v19;
	[tilespmem:s2+$0x0] =	vst v0;
	s2 =	sor.u32 s16, s14  }
0x97: {  	v5 =	vld [tilespmem:s13+$0x0];
	[tilespmem:s2+$0x180] =	vst v1  }
0x98: {  	s1 =	rddreg [dreg:$0x1f];
	[tilespmem:s2+$0x200] =	vst v2  }
0x99: {  	v0 =	vmul.f32 $1.414213540e+00, v4;
	s13 =	sld [smem:$0x7F5]  }
0x9a: {  	s6 =	sld [smem:$0x7F6]  }
0x9b: {  	s9 =	sld [smem:$0x7F7];
	[tilespmem:s2+$0x280] =	vst v0  }
0x9c: {  	s20 =	sld [smem:$0x7F9];
	_ =	sdelay $0x2  }
0x9d: {  	s14 =	sld [smem:$0x7F8];
	s3 =	sor.u32 s16, s13;
	s13 =	sor.u32 s16, s20  }
0x9e: {  	[smem:$0x7FD] =	sst s13  }
0x9f: {  	s20 =	sld [smem:$0x7FA];
	[tilespmem:s2+$0x80] =	vst v3  }
0xa0: {  	s7 =	sor.u32 s16, s7;
	s8 =	sor.u32 s16, s8;
	[tilespmem:s2+$0x100] =	vst v6  }
0xa1: {  	s11 =	sor.u32 s16, s11;
	s5 =	sor.u32 s16, s5;
	s1 =	sor.u32 s16, s1;
	[tilespmem:s2+$0x0] =	vst v5  }
0xa2: {  	s15 =	sor.u32 s16, s15;
	s4 =	sor.u32 s16, s4;
	s2 =	sld [smem:$0x7FB];
	[tilespmem:s1+$0x0] =	vst v3  }
0xa3: {  	s24 =	sor.u32 s16, s24;
	s22 =	sor.u32 s16, s22;
	s6 =	sor.u32 s16, s6;
	v3 =	vmul.f32 $1.414213540e+00, v16;
	[tilespmem:s3+$0x0] =	vst v20  }
0xa4: {  	s12 =	sor.u32 s16, s12;
	v8 =	vmul.f32 $1.414213540e+00, v14;
	s9 =	sor.u32 s16, s9;
	s1 =	sld [smem:$0x7FC];
	[tilespmem:s6+$0x0] =	vst v11  }
0xa5: {  	s29 =	sor.u32 s16, s29;
	s30 =	sor.u32 s16, s30;
	s14 =	sor.u32 s16, s14;
	[tilespmem:s9+$0x0] =	vst v3  }
0xa6: {  	s31 =	sor.u32 s16, s31;
	s21 =	sor.u32 s16, s21;
	s25 =	sor.u32 s16, s25;
	[tilespmem:s14+$0x0] =	vst v8  }
0xa7: {  	v15 =	vadd.f32 v22, v22;
	s20 =	sor.u32 s16, s20;
	s3 =	sor.u32 s16, s10;
	s9 =	sld [smem:$0x7FD]  }
0xa8: {  	v7 =	vadd.f32 v18, v18;
	v9 =	vmul.f32 $1.414213540e+00, v21;
	v4 =	vmul.f32 $1.414213540e+00, v10;
	s6 =	sor.u32 s16, s23;
	s23 =	sor.u32 s16, s17;
	s13 =	sor.u32 s16, s2  }
0xa9: {  	v10 =	vadd.f32 v23, v23;
	v5 =	vmul.f32 $1.414213540e+00, v17;
	v17 =	vadd.f32 v26, v26;
	s14 =	sor.u32 s16, s19;
	s2 =	sor.u32 s16, s1;
	s1 =	sor.u32 s16, s28  }
0xaa: {  	v14 =	vmul.f32 $1.414213540e+00, v12;
	v16 =	vadd.f32 v25, v25;
	v20 =	vadd.f32 v24, v24;
	s28 =	sor.u32 s16, s26;
	s26 =	sor.u32 s16, s18;
	s16 =	simm.s32 $0x0;
	[tilespmem:s9+$0x0] =	vst v4  }
.LBB2_6:
0xab: {  	s16 =	sadd.s32 $0x2, s16;
	s0 =	sadd.s32 $0x20, s0  }
0xac: {  	[tilespmem:s20+$0x0] =	vst v6;
	s17 =	sand.u32 $0x60, s0;
	s9 =	sshll.u32 s16, $0x6  }
0xad: {  	[tilespmem:s7+$0x0] =	vst v11;
	s7 =	sand.u32 $0xFFFFFE00, s9;
	s18 =	sor.u32 $0x10, s17  }
0xae: {  	[tilespmem:s8+$0x0] =	vst v13;
	s19 =	sor.u32 s18, s7  }
0xaf: {  	[tilespmem:s11+$0x0] =	vst v5;
	v13 =	vld [tilespmem:s19+$0x0]  }
0xb0: {  	[tilespmem:s13+$0x0] =	vst v14;
	v23 =	vld [tilespmem:s19+$0x100]  }
0xb1: {  	v25 =	vld [tilespmem:s19+$0x80];
	[tilespmem:s5+$0x0] =	vst v9  }
0xb2: {  	v26 =	vld [tilespmem:s19+$0x1F00];
	[tilespmem:s15+$0x0] =	vst v1  }
0xb3: {  	v27 =	vld [tilespmem:s19+$0x1E80];
	[tilespmem:s24+$0x0] =	vst v3  }
0xb4: {  	v11 =	vld [tilespmem:s19+$0x3D00];
	[tilespmem:s4+$0x0] =	vst v5  }
0xb5: {  	v6 =	vld [tilespmem:s19+$0x3C80];
	[tilespmem:s22+$0x0] =	vst v7  }
0xb6: {  	v22 =	vld [tilespmem:s19+$0x3100];
	[tilespmem:s2+$0x0] =	vst v15  }
0xb7: {  	v21 =	vld [tilespmem:s19+$0x3080];
	[tilespmem:s12+$0x0] =	vst v10  }
0xb8: {  	v19 =	vld [tilespmem:s19+$0x1900];
	[tilespmem:s21+$0x0] =	vst v2  }
0xb9: {  	s20 =	sadd.s32 $0x680, s7;
	v18 =	vld [tilespmem:s19+$0x1880];
	[tilespmem:s25+$0x0] =	vst v8  }
0xba: {  	s10 =	sor.u32 s18, s20;
	v12 =	vld [tilespmem:s19+$0x1280];
	[tilespmem:s31+$0x0] =	vst v14  }
0xbb: {  	v5 =	vld [tilespmem:s10+$0x1E00];
	s21 =	sadd.s32 $0xD00, s7;
	[tilespmem:s30+$0x0] =	vst v15  }
0xbc: {  	v2 =	vld [tilespmem:s10+$0x0];
	s5 =	sor.u32 s18, s21;
	[tilespmem:s29+$0x0] =	vst v20  }
0xbd: {  	v14 =	vld [tilespmem:s5+$0x0];
	[tilespmem:s1+$0x0] =	vst v16  }
0xbe: {  	s22 =	sadd.s32 $0x700, s7;
	v15 =	vld [tilespmem:s5+$0x1E00];
	[tilespmem:s6+$0x0] =	vst v0  }
0xbf: {  	v20 =	vld [tilespmem:s5+$0x3C00];
	s1 =	sor.u32 s18, s22;
	[tilespmem:s28+$0x0] =	vst v4  }
0xc0: {  	v0 =	vld [tilespmem:s1+$0x0];
	[tilespmem:s14+$0x0] =	vst v9  }
0xc1: {  	s25 =	sshll.u32 s16, $0x7;
	v4 =	vld [tilespmem:s1+$0x1E00];
	[tilespmem:s26+$0x0] =	vst v10  }
0xc2: {  	s10 =	sand.u32 $0x3FFFFC00, s25;
	v9 =	vld [tilespmem:s1+$0x3C00];
	[tilespmem:s23+$0x0] =	vst v16  }
0xc3: {  	s9 =	sor.u32 s17, s7;
	s24 =	sor.u32 s17, s22;
	s7 =	sadd.s32 $0x9C00, s10;
	[tilespmem:s3+$0x0] =	vst v17;
	v17 =	vld [tilespmem:s1+$0x3000]  }
0xc4: {  	s5 =	sor.u32 s18, s7;
	v1 =	vld [tilespmem:s24+$0x0]  }
0xc5: {  	[tilespmem:s5+$0x0] =	vst v13;
	v3 =	vld [tilespmem:s24+$0x1E00]  }
0xc6: {  	v24 =	vmul.f32 $1.414213540e+00, v23;
	[tilespmem:s5+$0x80] =	vst v2;
	v7 =	vld [tilespmem:s24+$0x3C00]  }
0xc7: {  	v23 =	vmul.f32 $1.414213540e+00, v25;
	[tilespmem:s5+$0x100] =	vst v14;
	v13 =	vmul.f32 $1.414213540e+00, v0;
	v0 =	vld [tilespmem:s24+$0x3000]  }
0xc8: {  	[tilespmem:s5+$0x200] =	vst v24;
	v8 =	vld [tilespmem:s9+$0x100]  }
0xc9: {  	s4 =	sor.u32 s17, s20;
	s2 =	sor.u32 s17, s21;
	s8 =	sadd.s32 $0xA800, s10;
	[tilespmem:s5+$0x280] =	vst v23;
	v10 =	vld [tilespmem:s9+$0x80]  }
0xca: {  	s12 =	sadd.s32 $0xA880, s10;
	s21 =	sadd.s32 $0xA980, s10;
	s1 =	sor.u32 s18, s8;
	v16 =	vld [tilespmem:s9+$0x1F00];
	[tilespmem:s5+$0x180] =	vst v13  }
0xcb: {  	s19 =	sor.u32 s17, s7;
	s15 =	sor.u32 s18, s12;
	s14 =	sadd.s32 $0xA900, s10;
	v28 =	vmul.f32 $1.414213540e+00, v4;
	v4 =	vld [tilespmem:s9+$0x1E80];
	[tilespmem:s1+$0x0] =	vst v2  }
0xcc: {  	s11 =	sor.u32 s17, s8;
	s13 =	sor.u32 s17, s12;
	s22 =	sor.u32 s18, s14;
	v29 =	vld [tilespmem:s9+$0x3D00];
	[tilespmem:s15+$0x0] =	vst v5  }
0xcd: {  	v26 =	vmul.f32 $1.414213540e+00, v26;
	s25 =	sor.u32 s18, s21;
	[dreg:$0x3] =	wrdreg s11;
	s24 =	sadd.s32 $0xAA00, s10;
	v59 =	vld [tilespmem:s9+$0x3C80];
	[tilespmem:s22+$0x0] =	vst v15  }
0xce: {  	v58 =	vmul.f32 $1.414213540e+00, v27;
	[dreg:$0x5] =	wrdreg s13;
	s6 =	sadd.s32 $0xAA80, s10;
	v30 =	vld [tilespmem:s9+$0x1900];
	s7 =	sor.u32 s18, s24;
	[tilespmem:s25+$0x0] =	vst v28  }
0xcf: {  	s11 =	sadd.s32 $0xB400, s10;
	s13 =	sadd.s32 $0xB480, s10;
	s12 =	sor.u32 s18, s6;
	v60 =	vld [tilespmem:s9+$0x1880];
	[tilespmem:s7+$0x0] =	vst v26  }
0xd0: {  	s20 =	sor.u32 s17, s14;
	s14 =	sor.u32 s18, s11;
	s23 =	sor.u32 s17, s21;
	v61 =	vld [tilespmem:s9+$0x1280];
	[tilespmem:s12+$0x0] =	vst v58  }
0xd1: {  	s21 =	sor.u32 s18, s13;
	[dreg:$0x9] =	wrdreg s23;
	v34 =	vld [tilespmem:s4+$0x0];
	s15 =	sadd.s32 $0xB500, s10;
	[tilespmem:s14+$0x0] =	vst v14  }
0xd2: {  	v33 =	vmul.f32 $1.414213540e+00, v6;
	s8 =	sor.u32 s17, s6;
	v6 =	vld [tilespmem:s2+$0x0];
	v31 =	vmul.f32 $1.414213540e+00, v9;
	s22 =	sadd.s32 $0xB580, s10;
	s23 =	sor.u32 s18, s15;
	[tilespmem:s21+$0x0] =	vst v15  }
0xd3: {  	v32 =	vmul.f32 $1.414213540e+00, v11;
	v35 =	vld [tilespmem:s4+$0x1E00];
	s26 =	sor.u32 s17, s24;
	s24 =	sadd.s32 $0xB600, s10;
	s25 =	sor.u32 s18, s22;
	[tilespmem:s23+$0x0] =	vst v20  }
0xd4: {  	v11 =	vld [tilespmem:s2+$0x1E00];
	[dreg:$0xb] =	wrdreg s26;
	s26 =	sadd.s32 $0xB680, s10;
	s6 =	sor.u32 s18, s24;
	[tilespmem:s25+$0x0] =	vst v31  }
0xd5: {  	[dreg:$0x7] =	wrdreg s20;
	v63 =	vld [tilespmem:s9+$0x0];
	v1 =	vmul.f32 $1.414213540e+00, v1;
	s12 =	sadd.s32 $0xC000, s10;
	s14 =	sor.u32 s18, s26;
	[tilespmem:s6+$0x0] =	vst v32  }
0xd6: {  	s20 =	sor.u32 s17, s11;
	v5 =	vmul.f32 $1.414213540e+00, v7;
	v7 =	vadd.f32 v0, v0;
	v0 =	vmul.f32 $1.414213540e+00, v10;
	v10 =	vld [tilespmem:s9+$0x3100];
	s11 =	sor.u32 s17, s22;
	s22 =	sor.u32 s18, s12;
	[tilespmem:s14+$0x0] =	vst v33  }
0xd7: {  	v2 =	vmul.f32 $1.414213540e+00, v8;
	v8 =	vmul.f32 $1.414213540e+00, v16;
	v16 =	vld [tilespmem:s9+$0x3080];
	[tilespmem:s22+$0x0] =	vst v13  }
0xd8: {  	v13 =	vld [tilespmem:s2+$0x3C00];
	[tilespmem:s19+$0x180] =	vst v1  }
0xd9: {  	[tilespmem:s19+$0x200] =	vst v2  }
0xda: {  	[dreg:$0xd] =	wrdreg s8;
	[tilespmem:s19+$0x280] =	vst v0  }
0xdb: {  	s5 =	sor.u32 s17, s26;
	s8 =	sor.u32 s17, s15;
	s7 =	sor.u32 s17, s13;
	[tilespmem:s19+$0x80] =	vst v34  }
0xdc: {  	s13 =	sor.u32 s17, s24;
	s15 =	sor.u32 s17, s12;
	s21 =	sadd.s32 $0xC080, s10;
	[tilespmem:s19+$0x100] =	vst v6  }
0xdd: {  	s26 =	sadd.s32 $0xC180, s10;
	s23 =	sadd.s32 $0xC100, s10;
	s25 =	sor.u32 s18, s21;
	[tilespmem:s19+$0x0] =	vst v63  }
0xde: {  	v62 =	vadd.f32 v17, v17;
	s24 =	sor.u32 s17, s21;
	s4 =	sor.u32 s17, s23;
	s12 =	sor.u32 s18, s23;
	[tilespmem:s25+$0x0] =	vst v28  }
0xdf: {  	v22 =	vadd.f32 v22, v22;
	s21 =	sor.u32 s18, s26;
	s23 =	sadd.s32 $0xC280, s10;
	s14 =	sadd.s32 $0xC200, s10;
	[tilespmem:s12+$0x0] =	vst v31  }
0xe0: {  	v21 =	vadd.f32 v21, v21;
	s9 =	sor.u32 s18, s23;
	s22 =	sor.u32 s17, s26;
	s25 =	sor.u32 s18, s14;
	[tilespmem:s21+$0x0] =	vst v62  }
0xe1: {  	s2 =	sor.u32 s17, s14;
	s26 =	sadd.s32 $0xCC00, s10;
	s14 =	sadd.s32 $0xCC80, s10;
	[tilespmem:s25+$0x0] =	vst v22  }
0xe2: {  	s12 =	sor.u32 s17, s23;
	s23 =	sor.u32 s18, s26;
	s21 =	sor.u32 s17, s26;
	[tilespmem:s9+$0x0] =	vst v21  }
0xe3: {  	s26 =	sadd.s32 $0xCD00, s10;
	s25 =	sor.u32 s17, s14;
	s9 =	sor.u32 s18, s14;
	[tilespmem:s23+$0x0] =	vst v24  }
0xe4: {  	s31 =	sor.u32 s17, s26;
	s14 =	sadd.s32 $0xCD80, s10;
	s23 =	sor.u32 s18, s26;
	[tilespmem:s9+$0x0] =	vst v26  }
0xe5: {  	v19 =	vadd.f32 v19, v19;
	s30 =	sor.u32 s17, s14;
	s26 =	sadd.s32 $0xCE00, s10;
	s9 =	sor.u32 s18, s14;
	[tilespmem:s23+$0x0] =	vst v32  }
0xe6: {  	v18 =	vadd.f32 v18, v18;
	s29 =	sor.u32 s17, s26;
	s14 =	sadd.s32 $0xCE80, s10;
	s6 =	sor.u32 s18, s26;
	[tilespmem:s9+$0x0] =	vst v22  }
0xe7: {  	s26 =	sadd.s32 $0xD880, s10;
	s23 =	sadd.s32 $0xD800, s10;
	s3 =	sor.u32 s18, s14;
	[tilespmem:s6+$0x0] =	vst v19  }
0xe8: {  	s1 =	sor.u32 s17, s14;
	s6 =	sor.u32 s17, s23;
	s23 =	sor.u32 s18, s23;
	[tilespmem:s3+$0x0] =	vst v18  }
0xe9: {  	s28 =	sor.u32 s17, s26;
	s26 =	sor.u32 s18, s26;
	s9 =	sadd.s32 $0xD900, s10;
	[tilespmem:s23+$0x0] =	vst v23  }
0xea: {  	s14 =	sor.u32 s17, s9;
	s3 =	sor.u32 s18, s9;
	s23 =	sadd.s32 $0xD980, s10;
	[tilespmem:s26+$0x0] =	vst v58  }
0xeb: {  	s9 =	sadd.s32 $0xDA00, s10;
	s10 =	sadd.s32 $0xDA80, s10;
	[tilespmem:s3+$0x0] =	vst v33;
	s3 =	sor.u32 s18, s23  }
0xec: {  	s26 =	sor.u32 s17, s23;
	s23 =	sor.u32 s17, s9;
	s9 =	sor.u32 s18, s9;
	[tilespmem:s3+$0x0] =	vst v21  }
0xed: {  	v12 =	vadd.f32 v12, v12;
	s3 =	sor.u32 s17, s10;
	s17 =	sor.u32 s18, s10;
	s18 =	rddreg [dreg:$0x3];
	[tilespmem:s9+$0x0] =	vst v18  }
0xee: {  	[tilespmem:s18+$0x0] =	vst v34  }
0xef: {  	p3 =	slt.u32 s16, $0x16;
	s19 =	rddreg [dreg:$0x5];
	[tilespmem:s17+$0x0] =	vst v12  }
.Ltmp5:
0xf0: {  	v3 =	vmul.f32 $1.414213540e+00, v3;
	s10 =	rddreg [dreg:$0x7];
	[tilespmem:s19+$0x0] =	vst v35;
	(pc) =	sbr.rel @p3 .LBB2_6-.Ltmp5, $4  }
0xf1: {  	s17 =	rddreg [dreg:$0x9];
	[tilespmem:s10+$0x0] =	vst v11  }
0xf2: {  	v4 =	vmul.f32 $1.414213540e+00, v4;
	v17 =	vadd.f32 v61, v61;
	s18 =	rddreg [dreg:$0xb];
	[tilespmem:s17+$0x0] =	vst v3  }
0xf3: {  	v9 =	vmul.f32 $1.414213540e+00, v59;
	v15 =	vadd.f32 v10, v10;
	v10 =	vadd.f32 v16, v16;
	s19 =	rddreg [dreg:$0xd];
	[tilespmem:s18+$0x0] =	vst v8  }
0xf4: {  	v14 =	vmul.f32 $1.414213540e+00, v29;
	v20 =	vadd.f32 v30, v30;
	v16 =	vadd.f32 v60, v60;
	[tilespmem:s19+$0x0] =	vst v4  }
0xf5: {  	[tilespmem:s20+$0x0] =	vst v6  }
0xf6: {  	[tilespmem:s7+$0x0] =	vst v11  }
0xf7: {  	[tilespmem:s8+$0x0] =	vst v13  }
0xf8: {  	[tilespmem:s11+$0x0] =	vst v5  }
0xf9: {  	[tilespmem:s13+$0x0] =	vst v14  }
0xfa: {  	[tilespmem:s5+$0x0] =	vst v9  }
0xfb: {  	[tilespmem:s15+$0x0] =	vst v1  }
0xfc: {  	[tilespmem:s24+$0x0] =	vst v3  }
0xfd: {  	[tilespmem:s4+$0x0] =	vst v5  }
0xfe: {  	[tilespmem:s22+$0x0] =	vst v7  }
0xff: {  	[tilespmem:s2+$0x0] =	vst v15  }
0x100: {  	[tilespmem:s12+$0x0] =	vst v10  }
0x101: {  	[tilespmem:s21+$0x0] =	vst v2  }
0x102: {  	[tilespmem:s25+$0x0] =	vst v8  }
0x103: {  	[tilespmem:s31+$0x0] =	vst v14  }
0x104: {  	[tilespmem:s30+$0x0] =	vst v15  }
0x105: {  	[tilespmem:s29+$0x0] =	vst v20  }
0x106: {  	[tilespmem:s1+$0x0] =	vst v16  }
0x107: {  	[tilespmem:s6+$0x0] =	vst v0  }
0x108: {  	[tilespmem:s28+$0x0] =	vst v4  }
0x109: {  	[tilespmem:s14+$0x0] =	vst v9  }
0x10a: {  	[tilespmem:s26+$0x0] =	vst v10  }
0x10b: {  	s0 =	rddreg [dreg:$0x1c]  }
0x10c: {  	s0 =	smul.u32 $0x180, s0  }
0x10d: {  	s31 =	simm.s32 $0x9C00;
	s28 =	rddreg [dreg:$0x1];
	[tilespmem:s23+$0x0] =	vst v16  }
0x10e: {  	s30 =	simm.s32 $0x3D0C00;
	s29 =	simm.s32 $0xC00;
	[tilespmem:s3+$0x0] =	vst v17;
	s0 =	sadd.s32 s28, s0  }
0x10f: {  	[hbm4b:s0+s29] =	stream.strided.scatter [tilespmem:s31], [sflag:$0x3], $0x4800, s30, s29, $0x38;
	[tilespmem:$0x12C00] =	vst v63  }
0x110: {  	s0 =	simm.s32 @!p1 $0x2  }
0x111: {  	_ =	swait.ge @!p1 [sflag:s0], $0x1200  }
0x112: {  	[sflag:s0] =	ssyncset.done @!p1 $0x0  }
0x113: {  	[sflag:s0] =	ssyncadd.s32 @!p1 $0xFFFFEE00  }
0x114: {  	_ =	swait.ge @!p1 [sflag:s0], $0x600  }
0x115: {  	[sflag:s0] =	ssyncset.done @!p1 $0x0  }
0x116: {  	[sflag:s0] =	ssyncadd.s32 @!p1 $0xFFFFFA00  }
0x117: {  	_ =	swait.ge @!p1 [sflag:s0], $0x600  }
0x118: {  	[sflag:s0] =	ssyncset.done @!p1 $0x0  }
0x119: {  	[sflag:s0] =	ssyncadd.s32 @!p1 $0xFFFFFA00  }
0x11a: {  	_ =	swait.ge @!p1 [sflag:s0], $0x1200  }
0x11b: {  	[sflag:s0] =	ssyncset.done @!p1 $0x0  }
0x11c: {  	[sflag:s0] =	ssyncadd.s32 @!p1 $0xFFFFEE00  }
0x11d: {  	_ =	swait.ge @!p1 [sflag:s0], $0xC00  }
0x11e: {  	[sflag:s0] =	ssyncset.done @!p1 $0x0  }
0x11f: {  	[sflag:s0] =	ssyncadd.s32 @!p1 $0xFFFFF400  }
0x120: {  	_ =	swait.ge @!p1 [sflag:s0], $0x1200  }
0x121: {  	[sflag:s0] =	ssyncset.done @!p1 $0x0;
	s6 =	rddreg [dreg:$0x19]  }
0x122: {  	s7 =	rddreg [dreg:$0x1b];
	[sflag:s0] =	ssyncadd.s32 @!p1 $0xFFFFEE00  }
.LBB2_8:
0x123: {  	s0 =	rddreg [dreg:$0x16]  }
0x124: {  	s0 =	sadd.s32 s0, s7  }
0x125: {  	p3 =	sgt.u32 s0, $0x515  }
0x126: {  	s0 =	smul.u32 @!p3 $0x600, s0;
	_ =	sdelay $0x1  }
0x127: {  	s1 =	rddreg [dreg:$0x0];
	s2 =	simm.s32 @!p3 $0x1E8600;
	s0 =	sshrl.u32 @!p3 s0, $0x3  }
0x128: {  	s3 =	simm.s32 @!p3 $0x0;
	s0 =	sadd.s32 @!p3 s1, s0;
	s1 =	simm.s32 @!p3 $0x600  }
0x129: {  	[tilespmem:s3], [sflag:$0x1] =	stream.strided.gather @!p3 [hbm4b:s0+s1], $0x1200, s2, s1, $0x38;
	[tilespmem:$0x12C00] =	vst v63  }
0x12a: {  	s5 =	simm.s32 @!p3 $0x1200;
	s4 =	sadd.s32 @!p3 $0xB7240, s0  }
0x12b: {  	[tilespmem:s5], [sflag:$0x1] =	stream.linear.gather @!p3 [hbm4b:s4+s3], $0x600, $0x38;
	[tilespmem:$0x12C00] =	vst v63  }
0x12c: {  	s4 =	sadd.s32 @!p3 $0x16E480, s0;
	s5 =	simm.s32 @!p3 $0x1800  }
0x12d: {  	[tilespmem:s5], [sflag:$0x1] =	stream.linear.gather @!p3 [hbm4b:s4+s3], $0x600, $0x38;
	[tilespmem:$0x12C00] =	vst v63  }
0x12e: {  	s3 =	sadd.s32 @!p3 $0x2DC900, s0;
	s4 =	simm.s32 @!p3 $0x1E00  }
0x12f: {  	[tilespmem:s4], [sflag:$0x1] =	stream.strided.gather @!p3 [hbm4b:s3+s1], $0x1200, s2, s1, $0x38;
	[tilespmem:$0x12C00] =	vst v63  }
0x130: {  	s3 =	sadd.s32 @!p3 $0x393B40, s0;
	s4 =	simm.s32 @!p3 $0x3000  }
0x131: {  	[tilespmem:s4], [sflag:$0x1] =	stream.strided.gather @!p3 [hbm4b:s3+s1], $0xC00, s2, s1, $0x38;
	[tilespmem:$0x12C00] =	vst v63  }
0x132: {  	s0 =	sadd.s32 @!p3 $0x5B9200, s0;
	s3 =	simm.s32 @!p3 $0x3C00  }
0x133: {  	[tilespmem:s3], [sflag:$0x1] =	stream.strided.gather @!p3 [hbm4b:s0+s1], $0x1200, s2, s1, $0x38;
	[tilespmem:$0x12C00] =	vst v63  }
0x134: {  	s0 =	rddreg [dreg:$0x1a]  }
0x135: {  	p3 =	sgt.u32 @!p2 s0, $0x515  }
0x136: {  	p2 =	por p2, p3  }
.Ltmp6:
0x137: {  	_ = 	snop;
	(pc) =	sbr.rel @p2 .LBB2_10-.Ltmp6, $1  }
0x138: {  	_ =	sdelay $0x3  }
0x139: {  	s0 =	simm.s32 $0x4  }
0x13a: {  	_ =	swait.ge [sflag:s0], $0x4800  }
0x13b: {  	[sflag:s0] =	ssyncset.done $0x0  }
0x13c: {  	[sflag:s0] =	ssyncadd.s32 $0xFFFFB800  }
.LBB2_11:
0x13d: {  	s1 =	simm.s32 $0x0  }
0x13e: {  	s2 =	simm.s32 $0x0;
	s0 =	sand.u32 $0x60, s1  }
0x13f: {  	s19 =	sand.u32 $0xFFFFFE00, s2;
	s2 =	sor.u32 $0x10, s0  }
0x140: {  	s3 =	sor.u32 s19, s2  }
0x141: {  	v1 =	vld [tilespmem:s3+$0x4F00]  }
0x142: {  	v2 =	vld [tilespmem:s3+$0x4E80]  }
0x143: {  	v3 =	vld [tilespmem:s3+$0x6D00]  }
0x144: {  	v4 =	vld [tilespmem:s3+$0x6C80]  }
0x145: {  	v5 =	vld [tilespmem:s3+$0x8B00]  }
0x146: {  	v6 =	vld [tilespmem:s3+$0x8A80]  }
0x147: {  	v7 =	vld [tilespmem:s3+$0x7F00]  }
0x148: {  	v8 =	vld [tilespmem:s3+$0x7E80]  }
0x149: {  	v9 =	vld [tilespmem:s3+$0x6700]  }
0x14a: {  	s9 =	sadd.s32 $0x4E00, s19;
	v10 =	vld [tilespmem:s3+$0x6680]  }
0x14b: {  	s17 =	sadd.s32 $0x680, s19;
	s4 =	sor.u32 s2, s9;
	v0 =	vld [tilespmem:s3+$0x6080]  }
0x14c: {  	s16 =	sadd.s32 $0xD00, s19;
	s12 =	sor.u32 s2, s17;
	v11 =	vld [tilespmem:s4+$0x0]  }
0x14d: {  	s13 =	sor.u32 s2, s16;
	v12 =	vld [tilespmem:s12+$0x4E00]  }
0x14e: {  	v13 =	vld [tilespmem:s13+$0x4E00]  }
0x14f: {  	v14 =	vld [tilespmem:s12+$0x6C00]  }
0x150: {  	s3 =	sadd.s32 $0x700, s19;
	v15 =	vld [tilespmem:s13+$0x6C00]  }
0x151: {  	s14 =	simm.s32 $0x0;
	v16 =	vld [tilespmem:s13+$0x8A00];
	s5 =	sor.u32 s2, s3  }
0x152: {  	s6 =	sand.u32 $0x3FFFFC00, s14;
	v17 =	vld [tilespmem:s5+$0x4E00]  }
0x153: {  	s26 =	sadd.s32 $0xE400, s6;
	v18 =	vld [tilespmem:s5+$0x6C00]  }
0x154: {  	s15 =	sor.u32 s2, s26;
	v19 =	vld [tilespmem:s5+$0x8A00]  }
0x155: {  	v20 =	vld [tilespmem:s5+$0x7E00];
	[tilespmem:s15+$0x0] =	vst v11  }
0x156: {  	v1 =	vmul.f32 $1.414213540e+00, v1;
	[tilespmem:s15+$0x80] =	vst v12  }
0x157: {  	[tilespmem:s15+$0x100] =	vst v13  }
0x158: {  	s18 =	sadd.s32 $0xF000, s6;
	v2 =	vmul.f32 $1.414213540e+00, v2;
	[tilespmem:s15+$0x200] =	vst v1  }
0x159: {  	[dreg:$0x1d] =	wrdreg s18  }
0x15a: {  	s7 =	sadd.s32 $0xF080, s6;
	v11 =	vmul.f32 $1.414213540e+00, v17;
	[tilespmem:s15+$0x280] =	vst v2  }
0x15b: {  	[dreg:$0x1e] =	wrdreg s7  }
0x15c: {  	s21 =	sadd.s32 $0xF100, s6;
	[tilespmem:s15+$0x180] =	vst v11  }
0x15d: {  	s20 =	sor.u32 s2, s18;
	[smem:$0x7EE] =	sst s21  }
0x15e: {  	s23 =	sadd.s32 $0xF180, s6;
	[tilespmem:s20+$0x0] =	vst v12  }
0x15f: {  	s22 =	sor.u32 s2, s7;
	[smem:$0x7EF] =	sst s23  }
0x160: {  	s25 =	sadd.s32 $0xF200, s6;
	[tilespmem:s22+$0x0] =	vst v14  }
0x161: {  	s24 =	sor.u32 s2, s21;
	[smem:$0x7F0] =	sst s25  }
0x162: {  	s10 =	sadd.s32 $0xF280, s6;
	v12 =	vmul.f32 $1.414213540e+00, v18;
	[tilespmem:s24+$0x0] =	vst v15  }
0x163: {  	s8 =	sor.u32 s2, s23;
	[smem:$0x7F1] =	sst s10  }
0x164: {  	s12 =	sadd.s32 $0xFC00, s6;
	v3 =	vmul.f32 $1.414213540e+00, v3;
	[tilespmem:s8+$0x0] =	vst v12  }
0x165: {  	s11 =	sor.u32 s2, s25;
	v4 =	vmul.f32 $1.414213540e+00, v4;
	[smem:$0x7F2] =	sst s12  }
0x166: {  	s13 =	sor.u32 s2, s10;
	[tilespmem:s11+$0x0] =	vst v3  }
0x167: {  	s14 =	sor.u32 s2, s12;
	s7 =	sadd.s32 $0xFC80, s6;
	[tilespmem:s13+$0x0] =	vst v4  }
0x168: {  	s15 =	sor.u32 s2, s7;
	s8 =	sadd.s32 $0xFD00, s6;
	[tilespmem:s14+$0x0] =	vst v13  }
0x169: {  	s10 =	sadd.s32 $0xFD80, s6;
	s18 =	sor.u32 s2, s8;
	v13 =	vmul.f32 $1.414213540e+00, v19;
	[tilespmem:s15+$0x0] =	vst v15  }
0x16a: {  	v5 =	vmul.f32 $1.414213540e+00, v5;
	s20 =	sor.u32 s2, s10;
	s11 =	sadd.s32 $0xFE00, s6;
	[tilespmem:s18+$0x0] =	vst v16  }
0x16b: {  	s3 =	sor.u32 s0, s3;
	s5 =	sadd.s32 $0xFE80, s6;
	v6 =	vmul.f32 $1.414213540e+00, v6;
	s21 =	sor.u32 s2, s11;
	[tilespmem:s20+$0x0] =	vst v13  }
0x16c: {  	s22 =	sor.u32 s2, s5;
	v14 =	vld [tilespmem:s3+$0x4E00];
	s14 =	sadd.s32 $0x10800, s6;
	[tilespmem:s21+$0x0] =	vst v5  }
0x16d: {  	v17 =	vld [tilespmem:s3+$0x7E00];
	s13 =	sor.u32 s2, s14;
	s20 =	sadd.s32 $0x10880, s6;
	[tilespmem:s22+$0x0] =	vst v6  }
0x16e: {  	s4 =	sadd.s32 $0x10900, s6;
	v15 =	vld [tilespmem:s3+$0x6C00];
	s23 =	sor.u32 s2, s20;
	[tilespmem:s13+$0x0] =	vst v11  }
0x16f: {  	s24 =	sor.u32 s2, s4;
	s15 =	sor.u32 s0, s19;
	v16 =	vld [tilespmem:s3+$0x8A00];
	[tilespmem:s23+$0x0] =	vst v12  }
0x170: {  	v18 =	vadd.f32 v20, v20;
	s25 =	sadd.s32 $0x10A00, s6;
	s22 =	sadd.s32 $0x10980, s6;
	v11 =	vld [tilespmem:s15+$0x4F00];
	[tilespmem:s24+$0x0] =	vst v13  }
0x171: {  	v7 =	vadd.f32 v7, v7;
	s12 =	sor.u32 s2, s22;
	v12 =	vld [tilespmem:s15+$0x4E80];
	[smem:$0x7F3] =	sst s25  }
0x172: {  	v8 =	vadd.f32 v8, v8;
	s13 =	sor.u32 s2, s25;
	[tilespmem:s12+$0x0] =	vst v18;
	s12 =	sadd.s32 $0x10A80, s6  }
0x173: {  	s21 =	sadd.s32 $0x11400, s6;
	v13 =	vld [tilespmem:s15+$0x6D00];
	[tilespmem:s13+$0x0] =	vst v7;
	s18 =	sor.u32 s2, s12  }
0x174: {  	s19 =	sor.u32 s2, s21;
	v18 =	vld [tilespmem:s15+$0x6C80];
	[tilespmem:s18+$0x0] =	vst v8  }
0x175: {  	s23 =	sadd.s32 $0x11500, s6;
	s25 =	sadd.s32 $0x11480, s6;
	v22 =	vld [tilespmem:s15+$0x8B00];
	[tilespmem:s19+$0x0] =	vst v1  }
0x176: {  	v23 =	vld [tilespmem:s15+$0x8A80];
	s24 =	sor.u32 s2, s25;
	[smem:$0x7F4] =	sst s23  }
0x177: {  	s28 =	sadd.s32 $0x11580, s6;
	s13 =	sor.u32 s2, s23;
	[tilespmem:s24+$0x0] =	vst v3;
	v24 =	vld [tilespmem:s15+$0x7F00]  }
0x178: {  	s30 =	sadd.s32 $0x11600, s6;
	s18 =	sor.u32 s2, s28;
	v1 =	vadd.f32 v9, v9;
	v25 =	vld [tilespmem:s15+$0x7E80];
	[tilespmem:s13+$0x0] =	vst v5  }
0x179: {  	s29 =	sadd.s32 $0x11680, s6;
	s19 =	sor.u32 s2, s30;
	v26 =	vld [tilespmem:s15+$0x6700];
	v3 =	vadd.f32 v10, v10;
	[tilespmem:s18+$0x0] =	vst v7  }
0x17a: {  	s23 =	sor.u32 s2, s29;
	v10 =	vld [tilespmem:s15+$0x6680];
	s24 =	sadd.s32 $0x12000, s6;
	[tilespmem:s19+$0x0] =	vst v1  }
0x17b: {  	s9 =	sor.u32 s0, s9;
	v27 =	vld [tilespmem:s15+$0x6080];
	s15 =	sadd.s32 $0x12080, s6;
	s13 =	sor.u32 s2, s24;
	[tilespmem:s23+$0x0] =	vst v3  }
0x17c: {  	s17 =	sor.u32 s0, s17;
	v5 =	vld [tilespmem:s9+$0x0];
	s19 =	sor.u32 s2, s15;
	s23 =	sadd.s32 $0x12100, s6;
	[tilespmem:s13+$0x0] =	vst v2  }
0x17d: {  	s18 =	sadd.s32 $0x12180, s6;
	v7 =	vld [tilespmem:s17+$0x6C00];
	s9 =	sor.u32 s2, s23;
	[tilespmem:s19+$0x0] =	vst v4  }
0x17e: {  	s31 =	sor.u32 s2, s18;
	v4 =	vld [tilespmem:s17+$0x4E00];
	s17 =	sadd.s32 $0x12200, s6;
	[tilespmem:s9+$0x0] =	vst v6  }
0x17f: {  	v0 =	vadd.f32 v0, v0;
	s13 =	sor.u32 s0, s16;
	s16 =	sadd.s32 $0x12280, s6;
	s3 =	sor.u32 s2, s17;
	[tilespmem:s31+$0x0] =	vst v8  }
0x180: {  	v1 =	vmul.f32 $1.414213540e+00, v14;
	v19 =	vld [tilespmem:s13+$0x4E00];
	s2 =	sor.u32 s2, s16;
	[tilespmem:s3+$0x0] =	vst v3  }
0x181: {  	v2 =	vmul.f32 $1.414213540e+00, v11;
	v21 =	vld [tilespmem:s13+$0x6C00];
	[tilespmem:s2+$0x0] =	vst v0;
	s2 =	sor.u32 s0, s26  }
0x182: {  	v20 =	vld [tilespmem:s13+$0x8A00];
	[tilespmem:s2+$0x180] =	vst v1  }
0x183: {  	s6 =	rddreg [dreg:$0x1d];
	[tilespmem:s2+$0x200] =	vst v2  }
0x184: {  	v0 =	vmul.f32 $1.414213540e+00, v12;
	s9 =	rddreg [dreg:$0x1e]  }
0x185: {  	s13 =	sld [smem:$0x7EE]  }
0x186: {  	s31 =	sor.u32 s0, s9;
	s9 =	sld [smem:$0x7EF];
	[tilespmem:s2+$0x280] =	vst v0  }
0x187: {  	s19 =	sld [smem:$0x7F0]  }
0x188: {  	s7 =	sor.u32 s0, s7  }
0x189: {  	s5 =	sor.u32 s0, s5;
	s4 =	sor.u32 s0, s4;
	s26 =	sld [smem:$0x7F1]  }
0x18a: {  	s3 =	sor.u32 s0, s13;
	s13 =	sor.u32 s0, s19;
	s19 =	sld [smem:$0x7F2];
	[tilespmem:s2+$0x0] =	vst v5  }
0x18b: {  	s10 =	sor.u32 s0, s10;
	s8 =	sor.u32 s0, s8;
	s11 =	sor.u32 s0, s11;
	[tilespmem:s2+$0x80] =	vst v4  }
0x18c: {  	s14 =	sor.u32 s0, s14;
	s20 =	sor.u32 s0, s20;
	s6 =	sor.u32 s0, s6;
	[tilespmem:s2+$0x100] =	vst v19  }
0x18d: {  	s21 =	sor.u32 s0, s21;
	s22 =	sor.u32 s0, s22;
	s25 =	sor.u32 s0, s25;
	[tilespmem:s6+$0x0] =	vst v4  }
0x18e: {  	s12 =	sor.u32 s0, s12;
	s28 =	sor.u32 s0, s28;
	s30 =	sor.u32 s0, s30;
	[tilespmem:s31+$0x0] =	vst v7  }
0x18f: {  	s29 =	sor.u32 s0, s29;
	s15 =	sor.u32 s0, s15;
	v4 =	vmul.f32 $1.414213540e+00, v15;
	s2 =	sld [smem:$0x7F3];
	[tilespmem:s3+$0x0] =	vst v21  }
0x190: {  	v11 =	vmul.f32 $1.414213540e+00, v22;
	v6 =	vmul.f32 $1.414213540e+00, v13;
	s9 =	sor.u32 s0, s9;
	s26 =	sor.u32 s0, s26;
	s3 =	sld [smem:$0x7F4]  }
0x191: {  	v9 =	vadd.f32 v25, v25;
	v14 =	vadd.f32 v27, v27;
	v3 =	vmul.f32 $1.414213540e+00, v18;
	s6 =	sor.u32 s0, s24;
	s24 =	sor.u32 s0, s18;
	s19 =	sor.u32 s0, s19;
	[tilespmem:s9+$0x0] =	vst v4  }
0x192: {  	v13 =	vadd.f32 v10, v10;
	v8 =	vmul.f32 $1.414213540e+00, v23;
	v12 =	vadd.f32 v24, v24;
	[tilespmem:s13+$0x0] =	vst v6;
	s13 =	sor.u32 s0, s23;
	s23 =	sor.u32 s0, s17;
	s2 =	sor.u32 s0, s2  }
0x193: {  	v5 =	vmul.f32 $1.414213540e+00, v16;
	v7 =	vadd.f32 v17, v17;
	v17 =	vadd.f32 v26, v26;
	[tilespmem:s26+$0x0] =	vst v3;
	s31 =	sor.u32 s0, s3;
	s3 =	sor.u32 s0, s16;
	s0 =	simm.s32 $0x0  }
.LBB2_12:
0x194: {  	s0 =	sadd.s32 $0x2, s0;
	s1 =	sadd.s32 $0x20, s1  }
0x195: {  	[tilespmem:s19+$0x0] =	vst v19;
	s16 =	sand.u32 $0x60, s1;
	s9 =	sshll.u32 s0, $0x6  }
0x196: {  	[tilespmem:s7+$0x0] =	vst v21;
	s18 =	sand.u32 $0xFFFFFE00, s9;
	s17 =	sor.u32 $0x10, s16  }
0x197: {  	[tilespmem:s8+$0x0] =	vst v20;
	s19 =	sor.u32 s18, s17  }
0x198: {  	[tilespmem:s10+$0x0] =	vst v5;
	v22 =	vld [tilespmem:s19+$0x4F00]  }
0x199: {  	[tilespmem:s11+$0x0] =	vst v11;
	v24 =	vld [tilespmem:s19+$0x4E80]  }
0x19a: {  	v25 =	vld [tilespmem:s19+$0x6D00];
	[tilespmem:s5+$0x0] =	vst v8  }
0x19b: {  	v26 =	vld [tilespmem:s19+$0x6C80];
	[tilespmem:s14+$0x0] =	vst v1  }
0x19c: {  	v21 =	vld [tilespmem:s19+$0x8B00];
	[tilespmem:s20+$0x0] =	vst v4  }
0x19d: {  	v19 =	vld [tilespmem:s19+$0x8A80];
	[tilespmem:s4+$0x0] =	vst v5  }
0x19e: {  	v20 =	vld [tilespmem:s19+$0x7F00];
	[tilespmem:s22+$0x0] =	vst v7  }
0x19f: {  	v18 =	vld [tilespmem:s19+$0x7E80];
	[tilespmem:s2+$0x0] =	vst v12  }
0x1a0: {  	v16 =	vld [tilespmem:s19+$0x6700];
	[tilespmem:s12+$0x0] =	vst v9  }
0x1a1: {  	s9 =	sadd.s32 $0x680, s18;
	v15 =	vld [tilespmem:s19+$0x6680];
	[tilespmem:s21+$0x0] =	vst v2  }
0x1a2: {  	v10 =	vld [tilespmem:s19+$0x6080];
	s20 =	sadd.s32 $0x4E00, s18;
	s4 =	sor.u32 s16, s9;
	s9 =	sor.u32 s17, s9;
	[tilespmem:s25+$0x0] =	vst v6  }
0x1a3: {  	v5 =	vld [tilespmem:s9+$0x6C00];
	s2 =	sor.u32 s17, s20;
	[tilespmem:s31+$0x0] =	vst v11  }
0x1a4: {  	v1 =	vld [tilespmem:s2+$0x0];
	s21 =	sadd.s32 $0xD00, s18;
	[tilespmem:s28+$0x0] =	vst v12  }
0x1a5: {  	v2 =	vld [tilespmem:s9+$0x4E00];
	s8 =	sor.u32 s17, s21;
	[tilespmem:s30+$0x0] =	vst v17  }
0x1a6: {  	v11 =	vld [tilespmem:s8+$0x4E00];
	[tilespmem:s29+$0x0] =	vst v13  }
0x1a7: {  	s22 =	sadd.s32 $0x700, s18;
	v12 =	vld [tilespmem:s8+$0x6C00];
	[tilespmem:s6+$0x0] =	vst v0  }
0x1a8: {  	v17 =	vld [tilespmem:s8+$0x8A00];
	s6 =	sor.u32 s17, s22;
	[tilespmem:s15+$0x0] =	vst v3  }
0x1a9: {  	s25 =	sshll.u32 s0, $0x7;
	v0 =	vld [tilespmem:s6+$0x4E00];
	[tilespmem:s13+$0x0] =	vst v8  }
0x1aa: {  	s9 =	sand.u32 $0x3FFFFC00, s25;
	v3 =	vld [tilespmem:s6+$0x6C00];
	[tilespmem:s24+$0x0] =	vst v9  }
0x1ab: {  	s10 =	sadd.s32 $0xE400, s9;
	v8 =	vld [tilespmem:s6+$0x8A00];
	[tilespmem:s23+$0x0] =	vst v13  }
0x1ac: {  	s7 =	sor.u32 s16, s22;
	s8 =	sor.u32 s17, s10;
	[tilespmem:s3+$0x0] =	vst v14;
	v14 =	vld [tilespmem:s6+$0x7E00]  }
0x1ad: {  	[tilespmem:s8+$0x0] =	vst v1;
	v1 =	vld [tilespmem:s7+$0x4E00]  }
0x1ae: {  	v4 =	vld [tilespmem:s7+$0x6C00]  }
0x1af: {  	v6 =	vld [tilespmem:s7+$0x8A00]  }
0x1b0: {  	s26 =	sor.u32 s16, s18;
	v13 =	vmul.f32 $1.414213540e+00, v0;
	v0 =	vld [tilespmem:s7+$0x7E00]  }
0x1b1: {  	v9 =	vld [tilespmem:s26+$0x4F00]  }
0x1b2: {  	v27 =	vld [tilespmem:s26+$0x4E80]  }
0x1b3: {  	v28 =	vld [tilespmem:s26+$0x6D00]  }
0x1b4: {  	v29 =	vmul.f32 $1.414213540e+00, v3;
	v3 =	vld [tilespmem:s26+$0x6C80]  }
0x1b5: {  	v30 =	vld [tilespmem:s26+$0x8B00]  }
0x1b6: {  	v56 =	vld [tilespmem:s26+$0x7F00]  }
0x1b7: {  	v57 =	vld [tilespmem:s26+$0x7E80]  }
0x1b8: {  	v58 =	vld [tilespmem:s26+$0x6700]  }
0x1b9: {  	v23 =	vmul.f32 $1.414213540e+00, v22;
	[tilespmem:s8+$0x80] =	vst v2;
	v59 =	vld [tilespmem:s26+$0x6680]  }
0x1ba: {  	s5 =	sor.u32 s16, s20;
	v22 =	vmul.f32 $1.414213540e+00, v24;
	[tilespmem:s8+$0x100] =	vst v11;
	v33 =	vld [tilespmem:s26+$0x6080]  }
0x1bb: {  	[tilespmem:s8+$0x200] =	vst v23;
	v35 =	vld [tilespmem:s5+$0x0]  }
0x1bc: {  	s2 =	sor.u32 s16, s21;
	s11 =	sadd.s32 $0xF000, s9;
	[tilespmem:s8+$0x280] =	vst v22;
	v60 =	vld [tilespmem:s4+$0x4E00]  }
0x1bd: {  	v34 =	vmul.f32 $1.414213540e+00, v19;
	s13 =	sadd.s32 $0xF080, s9;
	s3 =	sor.u32 s17, s11;
	v19 =	vld [tilespmem:s2+$0x4E00];
	[tilespmem:s8+$0x180] =	vst v13  }
0x1be: {  	s15 =	sadd.s32 $0xF100, s9;
	s19 =	sor.u32 s17, s13;
	v61 =	vld [tilespmem:s4+$0x6C00];
	[tilespmem:s3+$0x0] =	vst v2  }
0x1bf: {  	v32 =	vmul.f32 $1.414213540e+00, v21;
	s22 =	sor.u32 s17, s15;
	v21 =	vld [tilespmem:s2+$0x6C00];
	[tilespmem:s19+$0x0] =	vst v5  }
0x1c0: {  	v63 =	vadd.f32 v20, v20;
	s18 =	sor.u32 s16, s10;
	v20 =	vld [tilespmem:s2+$0x8A00];
	[tilespmem:s22+$0x0] =	vst v12  }
0x1c1: {  	v2 =	vmul.f32 $1.414213540e+00, v9;
	v9 =	vld [tilespmem:s26+$0x8A80];
	[tilespmem:s18+$0x0] =	vst v35  }
0x1c2: {  	s21 =	sadd.s32 $0xF180, s9;
	[tilespmem:s18+$0x80] =	vst v60  }
0x1c3: {  	v25 =	vmul.f32 $1.414213540e+00, v25;
	s25 =	sor.u32 s17, s21;
	s24 =	sadd.s32 $0xF200, s9;
	[tilespmem:s18+$0x100] =	vst v19  }
0x1c4: {  	s12 =	sor.u32 s16, s11;
	s10 =	sadd.s32 $0xF280, s9;
	s11 =	sor.u32 s17, s24;
	v1 =	vmul.f32 $1.414213540e+00, v1;
	[tilespmem:s25+$0x0] =	vst v29  }
0x1c5: {  	[dreg:$0x4] =	wrdreg s12;
	s12 =	sor.u32 s16, s10;
	[tilespmem:s11+$0x0] =	vst v25  }
0x1c6: {  	[dreg:$0xe] =	wrdreg s12;
	s20 =	sor.u32 s16, s15;
	s15 =	sadd.s32 $0xFC80, s9;
	v7 =	vadd.f32 v0, v0;
	v0 =	vmul.f32 $1.414213540e+00, v27;
	[tilespmem:s18+$0x180] =	vst v1  }
0x1c7: {  	v55 =	vmul.f32 $1.414213540e+00, v26;
	s14 =	sor.u32 s16, s13;
	[dreg:$0x8] =	wrdreg s20;
	s13 =	sadd.s32 $0xFC00, s9;
	[tilespmem:s18+$0x200] =	vst v2  }
0x1c8: {  	[dreg:$0x6] =	wrdreg s14;
	s23 =	sor.u32 s16, s21;
	s14 =	sor.u32 s17, s10;
	[tilespmem:s18+$0x280] =	vst v0  }
0x1c9: {  	s20 =	sor.u32 s17, s13;
	s21 =	sadd.s32 $0xFD00, s9;
	s18 =	rddreg [dreg:$0x4];
	[tilespmem:s14+$0x0] =	vst v55  }
0x1ca: {  	[dreg:$0xa] =	wrdreg s23;
	s23 =	sadd.s32 $0xFD80, s9;
	s7 =	sor.u32 s16, s15;
	[tilespmem:s18+$0x0] =	vst v60  }
0x1cb: {  	s10 =	sor.u32 s16, s23;
	s8 =	sor.u32 s16, s24;
	s22 =	sor.u32 s17, s15;
	[tilespmem:s20+$0x0] =	vst v11  }
0x1cc: {  	v31 =	vmul.f32 $1.414213540e+00, v8;
	s24 =	sor.u32 s17, s21;
	[dreg:$0xc] =	wrdreg s8;
	s8 =	sor.u32 s16, s21;
	[tilespmem:s22+$0x0] =	vst v12  }
0x1cd: {  	s19 =	sor.u32 s16, s13;
	s13 =	sor.u32 s17, s23;
	s25 =	sadd.s32 $0xFE00, s9;
	[tilespmem:s24+$0x0] =	vst v17  }
0x1ce: {  	s26 =	sadd.s32 $0x10980, s9;
	s15 =	sor.u32 s17, s25;
	s14 =	sadd.s32 $0xFE80, s9;
	[tilespmem:s13+$0x0] =	vst v31  }
0x1cf: {  	s11 =	sor.u32 s16, s25;
	s20 =	sadd.s32 $0x10800, s9;
	s21 =	sor.u32 s17, s14;
	[tilespmem:s15+$0x0] =	vst v32  }
0x1d0: {  	s5 =	sor.u32 s16, s14;
	s22 =	sadd.s32 $0x10880, s9;
	s23 =	sor.u32 s17, s20;
	[tilespmem:s21+$0x0] =	vst v34  }
0x1d1: {  	s14 =	sor.u32 s16, s20;
	s24 =	sadd.s32 $0x10900, s9;
	s25 =	sor.u32 s17, s22;
	[tilespmem:s23+$0x0] =	vst v13  }
0x1d2: {  	v62 =	vadd.f32 v14, v14;
	s20 =	sor.u32 s16, s22;
	s22 =	sor.u32 s16, s26;
	s12 =	sor.u32 s17, s24;
	[tilespmem:s25+$0x0] =	vst v29  }
0x1d3: {  	s4 =	sor.u32 s16, s24;
	s13 =	sadd.s32 $0x10A00, s9;
	s15 =	sor.u32 s17, s26;
	[tilespmem:s12+$0x0] =	vst v31  }
0x1d4: {  	v18 =	vadd.f32 v18, v18;
	s24 =	sadd.s32 $0x11400, s9;
	s21 =	sadd.s32 $0x10A80, s9;
	s23 =	sor.u32 s17, s13;
	[tilespmem:s15+$0x0] =	vst v62  }
0x1d5: {  	s2 =	sor.u32 s16, s13;
	s26 =	sadd.s32 $0x11480, s9;
	s25 =	sor.u32 s17, s21;
	[tilespmem:s23+$0x0] =	vst v63  }
0x1d6: {  	s12 =	sor.u32 s16, s21;
	s21 =	sor.u32 s16, s24;
	s15 =	sor.u32 s17, s24;
	[tilespmem:s25+$0x0] =	vst v18  }
0x1d7: {  	s24 =	sor.u32 s17, s26;
	s23 =	sadd.s32 $0x11500, s9;
	s25 =	sor.u32 s16, s26;
	[tilespmem:s15+$0x0] =	vst v23  }
0x1d8: {  	s31 =	sor.u32 s16, s23;
	s26 =	sadd.s32 $0x11580, s9;
	s15 =	sor.u32 s17, s23;
	[tilespmem:s24+$0x0] =	vst v25  }
0x1d9: {  	v16 =	vadd.f32 v16, v16;
	s28 =	sor.u32 s16, s26;
	s23 =	sadd.s32 $0x11600, s9;
	s24 =	sor.u32 s17, s26;
	[tilespmem:s15+$0x0] =	vst v32  }
0x1da: {  	v15 =	vadd.f32 v15, v15;
	s30 =	sor.u32 s16, s23;
	s26 =	sadd.s32 $0x11680, s9;
	s15 =	sor.u32 s17, s23;
	[tilespmem:s24+$0x0] =	vst v63  }
0x1db: {  	s29 =	sor.u32 s16, s26;
	s23 =	sadd.s32 $0x12000, s9;
	s24 =	sor.u32 s17, s26;
	[tilespmem:s15+$0x0] =	vst v16  }
0x1dc: {  	s6 =	sor.u32 s16, s23;
	s26 =	sadd.s32 $0x12080, s9;
	s13 =	sor.u32 s17, s23;
	[tilespmem:s24+$0x0] =	vst v15  }
0x1dd: {  	s15 =	sor.u32 s16, s26;
	s26 =	sor.u32 s17, s26;
	s24 =	sadd.s32 $0x12100, s9;
	[tilespmem:s13+$0x0] =	vst v22  }
0x1de: {  	s23 =	sadd.s32 $0x12180, s9;
	s13 =	sor.u32 s16, s24;
	s3 =	sor.u32 s17, s24;
	[tilespmem:s26+$0x0] =	vst v55  }
0x1df: {  	s24 =	sor.u32 s16, s23;
	s26 =	sadd.s32 $0x12200, s9;
	[tilespmem:s3+$0x0] =	vst v34;
	s3 =	sor.u32 s17, s23  }
0x1e0: {  	v10 =	vadd.f32 v10, v10;
	s9 =	sadd.s32 $0x12280, s9;
	s23 =	sor.u32 s16, s26;
	s26 =	sor.u32 s17, s26;
	[tilespmem:s3+$0x0] =	vst v18  }
0x1e1: {  	s3 =	sor.u32 s16, s9;
	s9 =	sor.u32 s17, s9;
	[tilespmem:s26+$0x0] =	vst v15  }
0x1e2: {  	p1 =	slt.u32 s0, $0x16;
	s26 =	rddreg [dreg:$0x6];
	[tilespmem:s9+$0x0] =	vst v10  }
.Ltmp7:
0x1e3: {  	v4 =	vmul.f32 $1.414213540e+00, v4;
	s16 =	rddreg [dreg:$0x8];
	[tilespmem:s26+$0x0] =	vst v61;
	(pc) =	sbr.rel @p1 .LBB2_12-.Ltmp7, $4  }
0x1e4: {  	v5 =	vmul.f32 $1.414213540e+00, v6;
	v6 =	vmul.f32 $1.414213540e+00, v28;
	s17 =	rddreg [dreg:$0xa];
	[tilespmem:s16+$0x0] =	vst v21  }
0x1e5: {  	v3 =	vmul.f32 $1.414213540e+00, v3;
	v14 =	vadd.f32 v33, v33;
	s18 =	rddreg [dreg:$0xc];
	[tilespmem:s17+$0x0] =	vst v4  }
0x1e6: {  	v8 =	vmul.f32 $1.414213540e+00, v9;
	v12 =	vadd.f32 v56, v56;
	v9 =	vadd.f32 v57, v57;
	s26 =	rddreg [dreg:$0xe];
	[tilespmem:s18+$0x0] =	vst v6  }
0x1e7: {  	v11 =	vmul.f32 $1.414213540e+00, v30;
	v17 =	vadd.f32 v58, v58;
	v13 =	vadd.f32 v59, v59;
	[tilespmem:s26+$0x0] =	vst v3  }
0x1e8: {  	[tilespmem:s19+$0x0] =	vst v19  }
0x1e9: {  	[tilespmem:s7+$0x0] =	vst v21  }
0x1ea: {  	[tilespmem:s8+$0x0] =	vst v20  }
0x1eb: {  	[tilespmem:s10+$0x0] =	vst v5  }
0x1ec: {  	[tilespmem:s11+$0x0] =	vst v11  }
0x1ed: {  	[tilespmem:s5+$0x0] =	vst v8  }
0x1ee: {  	[tilespmem:s14+$0x0] =	vst v1  }
0x1ef: {  	[tilespmem:s20+$0x0] =	vst v4  }
0x1f0: {  	[tilespmem:s4+$0x0] =	vst v5  }
0x1f1: {  	[tilespmem:s22+$0x0] =	vst v7  }
0x1f2: {  	[tilespmem:s2+$0x0] =	vst v12  }
0x1f3: {  	[tilespmem:s12+$0x0] =	vst v9  }
0x1f4: {  	[tilespmem:s21+$0x0] =	vst v2  }
0x1f5: {  	[tilespmem:s25+$0x0] =	vst v6  }
0x1f6: {  	[tilespmem:s31+$0x0] =	vst v11  }
0x1f7: {  	[tilespmem:s28+$0x0] =	vst v12  }
0x1f8: {  	[tilespmem:s30+$0x0] =	vst v17  }
0x1f9: {  	[tilespmem:s29+$0x0] =	vst v13  }
0x1fa: {  	[tilespmem:s6+$0x0] =	vst v0  }
0x1fb: {  	[tilespmem:s15+$0x0] =	vst v3  }
0x1fc: {  	[tilespmem:s13+$0x0] =	vst v8  }
0x1fd: {  	[tilespmem:s24+$0x0] =	vst v9  }
.Ltmp8:
0x1fe: {  	s0 =	rddreg [dreg:$0x1a];
	(pc) =	sbr.rel .LBB2_14-.Ltmp8, $4  }
0x1ff: {  	[tilespmem:s23+$0x0] =	vst v13;
	s0 =	smul.u32 $0x180, s0  }
0x200: {  	s1 =	rddreg [dreg:$0x1];
	s31 =	simm.s32 $0xE400;
	s30 =	simm.s32 $0x3D0C00;
	[tilespmem:s3+$0x0] =	vst v14  }
0x201: {  	s29 =	simm.s32 $0xC00;
	s6 =	rddreg [dreg:$0x19];
	s0 =	sadd.s32 s1, s0  }
0x202: {  	[hbm4b:s0+s29] =	stream.strided.scatter [tilespmem:s31], [sflag:$0x4], $0x4800, s30, s29, $0x38;
	[tilespmem:$0x12C00] =	vst v63  }
.LBB2_4:
.Ltmp9:
0x203: {  	(pc) =	sbr.rel @p3 .LBB2_8-.Ltmp9, $4  }
.Ltmp10:
0x204: {  	(pc) =	sbr.rel @!p3 .LBB2_5-.Ltmp10, $4  }
0x205: {  	_ = 	snop  }
0x206: {  	_ = 	snop  }
0x207: {  	_ = 	snop  }
0x208: {  	_ = 	snop  }
.LBB2_10:
.Ltmp11:
0x209: {  	(pc) =	sbr.rel @p1 .LBB2_14-.Ltmp11, $4  }
.Ltmp12:
0x20a: {  	(pc) =	sbr.rel @!p1 .LBB2_11-.Ltmp12, $4  }
0x20b: {  	_ = 	snop  }
0x20c: {  	_ = 	snop  }
0x20d: {  	_ = 	snop  }
0x20e: {  	_ = 	snop  }
.LBB2_16:
0x20f: {  	_ =	sfence.sel $0x180000  }
0x210: {  	[bflag:$0x0] =	sbarrier.arrive $0xFFFF  }
0x211: {  	_ =	strace $0x90000047  }
0x212: {  	s0 =	stileid.u32;
	[bflag:$0x2] =	sbarrier.arrive $0xFFFF  }
0x213: {  	p0 =	sne.s32 s0, $0x0;
	s0 =	rddreg [dreg:$0x2]  }
0x214: {  	s0 =	sadd.s32 @!p0 $0x100000, s0  }
0x215: {  	[sflag:s0] =	ssyncadd.tile.s32 @!p0 $0x1;
	_ =	shalt  }
.Lfunc_end2:
_tile_overlayer_lowered:
.L_overlay_start_2:
0x216: {  	(tag) =	ssettag $0x2  }
0x217: {  	s0 =	rddreg [dreg:$0x0];
	s2 =	stileid.u32  }
0x218: {  	s1 =	rddreg [dreg:$0x1];
	p0 =	sne.s32 s2, $0x0  }
0x219: {  	s3 =	rddreg [dreg:$0x2];
	[bflag:$0x3] =	sbarrier.arrive $0xFFFF;
	s2 =	simm.s32 @!p0 $0x1C05  }
0x21a: {  	[timem:s3], [sflag:s2] =	dma.local @!p0 [hbm:s0], s1  }
0x21b: {  	s0 =	simm.s32 @!p0 $0x5  }
0x21c: {  	_ =	swait.ge @!p0 [sflag:s0], s1  }
0x21d: {  	s1 =	ssub.s32 @!p0 $0x0, s1;
	[sflag:s0] =	ssyncset.done @!p0 $0x0  }
0x21e: {  	[sflag:s0] =	ssyncadd.s32 @!p0 s1  }
0x21f: {  	[bflag:$0x3] =	sbarrier.arrive $0xFFFF  }
0x220: {  	_ =	shalt  }

</sc_bundles>
